<compile_context>
chip_gen: v7x
topology: tpu7x:2x2x1
jax: 0.10.2.dev20260603
libtpu: 0.0.44.dev20260713+nightly
codegen_flags: <defaults>
</compile_context>

<pallas_src>
import functools

import jax
import jax.numpy as jnp
from jax import lax
from jax.experimental import pallas as pl
from jax.experimental.pallas import tpu as pltpu
from jax.experimental.pallas import tpu_sc as plsc

B = 16
N = 8192
G = 256
M = 32
L = 16
VPN = N // L
NHALF = N // 2
VPH = NHALF // L
GH = G // 2

_BIGI = 2**30


def _sc_body(x_hbm, y_hbm, z_hbm, nbh_hbm, ctr_hbm, idx_hbm,
             xv, yv, zv, dists, ccx, ccy, ccz, cd, ci,
             nbst, idxst, cstage, sv_st, recv_sm):
    c = lax.axis_index("c")
    s = lax.axis_index("s")
    b = c * 8 + s // 2
    h = s % 2
    base = h * NHALF
    g0 = h * GH
    iota = jnp.arange(L, dtype=jnp.int32)
    lane0 = iota == 0
    inf_v = jnp.full((L,), jnp.inf, dtype=jnp.float32)

    recv_sm[0] = jnp.int32(0)
    recv_sm[1] = jnp.int32(0)
    recv_sm[2] = jnp.int32(0)
    recv_sm[3] = jnp.int32(0)

    pltpu.sync_copy(x_hbm.at[b], xv)
    pltpu.sync_copy(y_hbm.at[b], yv)
    pltpu.sync_copy(z_hbm.at[b], zv)

    def init_d(j, carry):
        dists[pl.ds(j * L, L)] = inf_v
        return carry

    lax.fori_loop(0, VPH, init_d, 0)
    plsc.subcore_barrier()

    def fps_step(g, widx):
        wv = jnp.full((L,), widx, dtype=jnp.int32)
        cx = plsc.load_gather(xv, [wv])
        cy = plsc.load_gather(yv, [wv])
        cz = plsc.load_gather(zv, [wv])
        gv = jnp.full((L,), g, dtype=jnp.int32)
        plsc.store_scatter(ccx, [gv], cx, mask=lane0)
        plsc.store_scatter(ccy, [gv], cy, mask=lane0)
        plsc.store_scatter(ccz, [gv], cz, mask=lane0)

        bv0 = jnp.full((L,), -jnp.inf, dtype=jnp.float32)
        bi0 = jnp.zeros((L,), dtype=jnp.int32)

        @plsc.parallel_loop(0, VPH, carry=(bv0, bi0), unroll=8)
        def scan(j, st):
            bv, bi = st
            off = j * L
            xj = xv[pl.ds(base + off, L)]
            yj = yv[pl.ds(base + off, L)]
            zj = zv[pl.ds(base + off, L)]
            dj = dists[pl.ds(off, L)]
            dx = xj - cx
            dy = yj - cy
            dz = zj - cz
            d = dx * dx + dy * dy + dz * dz
            dn = jnp.minimum(dj, d)
            dists[pl.ds(off, L)] = dn
            upd = dn > bv
            gidx = jnp.full((L,), base + off, dtype=jnp.int32) + iota
            bi = jnp.where(upd, gidx, bi)
            bv = jnp.where(upd, dn, bv)
            return bv, bi

        bv, bi = scan
        m = jnp.max(bv)
        mv = jnp.full((L,), m, dtype=jnp.float32)
        cand = jnp.where(bv == mv, bi, jnp.full((L,), _BIGI, dtype=jnp.int32))
        li = jnp.min(cand)
        mb = jnp.max(plsc.bitcast(mv, jnp.int32)) + 1
        p = g % 2
        plsc.fetch_and_add(recv_sm.at[2 * p], mb, subcore_id=s ^ 1)
        plsc.fetch_and_add(recv_sm.at[2 * p + 1], li + 1, subcore_id=s ^ 1)

        def spin_cond(st2):
            pvb, pib = st2
            return (pvb == 0) | (pib == 0)

        def spin_body(st2):
            return recv_sm[2 * p], recv_sm[2 * p + 1]

        pvb, pib = lax.while_loop(spin_cond, spin_body,
                                  (recv_sm[2 * p], recv_sm[2 * p + 1]))
        recv_sm[2 * p] = jnp.int32(0)
        recv_sm[2 * p + 1] = jnp.int32(0)
        pi = pib - 1
        take_p = (pvb > mb) | ((pvb == mb) & (pi < li))
        return jnp.where(take_p, pi, li)

    lax.fori_loop(0, G, fps_step, jnp.int32(0))

    C = 8

    def insert_into(k, d, qual, off):
        kb = k * M
        sv_st[...] = d
        offv = jnp.full((L,), off, dtype=jnp.int32)

        def w_body(mask):
            lanev = plsc.all_reduce_ffs(mask)
            ddv = plsc.load_gather(sv_st, [lanev])
            iiv = offv + lanev
            cdA = cd[pl.ds(kb, L)]
            cdB = cd[pl.ds(kb + L, L)]
            ciA = ci[pl.ds(kb, L)]
            ciB = ci[pl.ds(kb + L, L)]
            cntA = plsc.all_reduce_population_count(cdA <= ddv)
            cntB = plsc.all_reduce_population_count(cdB <= ddv)
            posv = cntA + cntB
            npA = iota + jnp.where(iota >= posv, 1, 0).astype(jnp.int32)
            rkB = iota + L
            npB = rkB + jnp.where(rkB >= posv, 1, 0).astype(jnp.int32)
            mB = npB < M
            kbv = jnp.full((L,), kb, dtype=jnp.int32)
            plsc.store_scatter(cd, [kbv + npA], cdA)
            plsc.store_scatter(ci, [kbv + npA], ciA)
            plsc.store_scatter(cd, [kbv + npB], cdB, mask=mB)
            plsc.store_scatter(ci, [kbv + npB], ciB, mask=mB)
            insm = lane0 & (posv < M)
            plsc.store_scatter(cd, [kbv + posv], ddv, mask=insm)
            plsc.store_scatter(ci, [kbv + posv], iiv, mask=insm)
            return mask & (iota != lanev)

        lax.while_loop(lambda mk: jnp.any(mk), w_body, qual)
        t = jnp.max(cd[pl.ds(kb + L, L)])
        return jnp.full((L,), t, dtype=jnp.float32)

    def knn_quad(r, carry):
        gbase = g0 + r * C
        cs = []
        for k in range(C):
            gv = jnp.full((L,), gbase + k, dtype=jnp.int32)
            cs.append((plsc.load_gather(ccx, [gv]),
                       plsc.load_gather(ccy, [gv]),
                       plsc.load_gather(ccz, [gv])))
            cd[pl.ds(k * M, L)] = inf_v
            cd[pl.ds(k * M + L, L)] = inf_v
            ci[pl.ds(k * M, L)] = jnp.full((L,), _BIGI, dtype=jnp.int32)
            ci[pl.ds(k * M + L, L)] = jnp.full((L,), _BIGI, dtype=jnp.int32)

        def stream(j, taus):
            off = j * L
            xj = xv[pl.ds(off, L)]
            yj = yv[pl.ds(off, L)]
            zj = zv[pl.ds(off, L)]
            ds_ = []
            quals = []
            for k in range(C):
                cx, cy, cz = cs[k]
                dx = xj - cx
                dy = yj - cy
                dz = zj - cz
                d = dx * dx + dy * dy + dz * dz
                ds_.append(d)
                quals.append(d < taus[k])
            anyq = ((quals[0] | quals[1]) | (quals[2] | quals[3])) | \
                   ((quals[4] | quals[5]) | (quals[6] | quals[7]))

            def insert_all():
                new_taus = []
                for k in range(C):
                    new_taus.append(lax.cond(
                        jnp.any(quals[k]),
                        functools.partial(insert_into, k, ds_[k], quals[k], off),
                        lambda tk=taus[k]: tk))
                return tuple(new_taus)

            return lax.cond(jnp.any(anyq), insert_all, lambda: taus)

        lax.fori_loop(0, VPN, stream, (inf_v,) * C)

        for k in range(C):
            row = r * C + k
            ciA = ci[pl.ds(k * M, L)]
            ciB = ci[pl.ds(k * M + L, L)]
            idxst[pl.ds(row * M, L)] = ciA
            idxst[pl.ds(row * M + L, L)] = ciB
            pA = jnp.full((L,), row * M * 3, dtype=jnp.int32) + iota * 3
            pB = pA + L * 3
            for civec, pbase in ((ciA, pA), (ciB, pB)):
                xg = plsc.load_gather(xv, [civec])
                yg = plsc.load_gather(yv, [civec])
                zg = plsc.load_gather(zv, [civec])
                plsc.store_scatter(nbst, [pbase], xg)
                plsc.store_scatter(nbst, [pbase + 1], yg)
                plsc.store_scatter(nbst, [pbase + 2], zg)
        return carry

    lax.fori_loop(0, GH // C, knn_quad, 0)

    nb_off = (b * G + g0) * (M * 3)
    pltpu.sync_copy(nbst, nbh_hbm.at[pl.ds(nb_off, GH * M * 3)])
    ix_off = (b * G + g0) * M
    pltpu.sync_copy(idxst, idx_hbm.at[pl.ds(ix_off, GH * M)])

    @pl.when(h == 0)
    def _():
        def cw(t, carry):
            cxw = ccx[pl.ds(t * L, L)]
            cyw = ccy[pl.ds(t * L, L)]
            czw = ccz[pl.ds(t * L, L)]
            pbase = (jnp.full((L,), t * L, dtype=jnp.int32) + iota) * 3
            plsc.store_scatter(cstage, [pbase], cxw)
            plsc.store_scatter(cstage, [pbase + 1], cyw)
            plsc.store_scatter(cstage, [pbase + 2], czw)
            return carry

        lax.fori_loop(0, G // L, cw, 0)
        pltpu.sync_copy(cstage, ctr_hbm.at[pl.ds(b * G * 3, G * 3)])


@functools.partial(jax.jit, static_argnums=())
def _sc_group(x, y, z):
    mesh = plsc.VectorSubcoreMesh(
        core_axis_name="c", subcore_axis_name="s", num_cores=2, num_subcores=16)
    kern = pl.kernel(
        _sc_body,
        out_type=(
            jax.ShapeDtypeStruct((B * G * M * 3,), jnp.float32),
            jax.ShapeDtypeStruct((B * G * 3,), jnp.float32),
            jax.ShapeDtypeStruct((B * G * M,), jnp.int32),
        ),
        mesh=mesh,
        compiler_params=pltpu.CompilerParams(needs_layout_passes=False),
        scratch_types=[
            pltpu.VMEM((N,), jnp.float32),
            pltpu.VMEM((N,), jnp.float32),
            pltpu.VMEM((N,), jnp.float32),
            pltpu.VMEM((NHALF,), jnp.float32),
            pltpu.VMEM((G,), jnp.float32),
            pltpu.VMEM((G,), jnp.float32),
            pltpu.VMEM((G,), jnp.float32),
            pltpu.VMEM((8 * M,), jnp.float32),
            pltpu.VMEM((8 * M,), jnp.int32),
            pltpu.VMEM((GH * M * 3,), jnp.float32),
            pltpu.VMEM((GH * M,), jnp.int32),
            pltpu.VMEM((G * 3,), jnp.float32),
            pltpu.VMEM((L,), jnp.float32),
            pltpu.SMEM((4,), jnp.int32),
        ],
    )
    return kern(x, y, z)


def kernel(xyz):
    xt = jnp.transpose(xyz, (2, 0, 1))
    x, y, z = xt[0], xt[1], xt[2]
    nbf, cf, ixf = _sc_group(x, y, z)
    neighborhood = nbf.reshape(B, G, M, 3)
    center = cf.reshape(B, G, 3)
    idx_group = ixf.reshape(B, G, M)
    return (neighborhood, center, idx_group)

# --- scband reference (transcript-rebuilt; emitter-appended) ---
"""Pipeline reference for scband-group-3762391351882 (READ-ONLY COPY).

The authoritative reference and input builder live on the scoring server;
editing this copy changes nothing except your own understanding.
"""

import jax, jax.numpy as jnp
import numpy as np

NUM_GROUP = 256
GROUP_SIZE = 32


def setup_inputs(seed: int = 0) -> dict:
    key = jax.random.key(seed)
    xyz = jax.random.normal(key, (16, 8192, 3), dtype=jnp.float32)
    return {"xyz": xyz}


def _fps(xyz, K):
    # Deterministic farthest point sampling starting at index 0 (matches
    # pytorch3d.sample_farthest_points with random_start_point=False).
    B, N, _ = xyz.shape

    def body(i, state):
        dists, idxs, farthest = state
        idxs = idxs.at[:, i].set(farthest)
        centroid = jnp.take_along_axis(xyz, farthest[:, None, None], axis=1)  # [B,1,3]
        d = jnp.sum((xyz - centroid) ** 2, axis=-1)  # [B,N]
        dists = jnp.minimum(dists, d)
        farthest = jnp.argmax(dists, axis=1).astype(jnp.int32)
        return (dists, idxs, farthest)

    dists0 = jnp.full((B, N), jnp.inf, dtype=xyz.dtype)
    idxs0 = jnp.zeros((B, K), dtype=jnp.int32)
    far0 = jnp.zeros((B,), dtype=jnp.int32)
    _, idxs, _ = jax.lax.fori_loop(0, K, body, (dists0, idxs0, far0))
    center = jnp.take_along_axis(xyz, idxs[:, :, None], axis=1)  # [B,K,3]
    return center, idxs


def reference(xyz):
    B, N, _ = xyz.shape
    center, _ = _fps(xyz, NUM_GROUP)  # [B,G,3]
    # KNN: for each center (query), find GROUP_SIZE nearest points in xyz (ref).
    d2 = jnp.sum((center[:, :, None, :] - xyz[:, None, :, :]) ** 2, axis=-1)  # [B,G,N]
    _, idx_group = jax.lax.top_k(-d2, GROUP_SIZE)  # [B,G,M] ascending distance
    idx_base = jnp.arange(B, dtype=idx_group.dtype)[:, None, None] * N
    idx = (idx_group + idx_base).reshape(-1)
    neighborhood = xyz.reshape(B * N, 3)[idx, :]
    neighborhood = neighborhood.reshape(B, NUM_GROUP, GROUP_SIZE, 3)
    return (neighborhood, center, idx_group)

if __name__ == "__main__":
    import jax
    _d = setup_inputs()
    print(jax.jit(kernel)(*tuple(_d.values())))

</pallas_src>

<mosaic_0001>
#map = affine_map<(d0, d1) -> (0, 0)>
#map1 = affine_map<(d0, d1) -> (0)>
module attributes {stable_mosaic.version = 14 : i64} {
  func.func @_sc_body(%arg0: i32, %arg1: i32, %arg2: memref<16x8192xf32, #tpu.memory_space<hbm>>, %arg3: memref<16x8192xf32, #tpu.memory_space<hbm>>, %arg4: memref<16x8192xf32, #tpu.memory_space<hbm>>, %arg5: memref<393216xf32, #tpu.memory_space<hbm>>, %arg6: memref<12288xf32, #tpu.memory_space<hbm>>, %arg7: memref<131072xi32, #tpu.memory_space<hbm>>, %arg8: memref<8192xf32, #tpu.memory_space<vmem>>, %arg9: memref<8192xf32, #tpu.memory_space<vmem>>, %arg10: memref<8192xf32, #tpu.memory_space<vmem>>, %arg11: memref<4096xf32, #tpu.memory_space<vmem>>, %arg12: memref<256xf32, #tpu.memory_space<vmem>>, %arg13: memref<256xf32, #tpu.memory_space<vmem>>, %arg14: memref<256xf32, #tpu.memory_space<vmem>>, %arg15: memref<256xf32, #tpu.memory_space<vmem>>, %arg16: memref<256xi32, #tpu.memory_space<vmem>>, %arg17: memref<12288xf32, #tpu.memory_space<vmem>>, %arg18: memref<4096xi32, #tpu.memory_space<vmem>>, %arg19: memref<768xf32, #tpu.memory_space<vmem>>, %arg20: memref<16xf32, #tpu.memory_space<vmem>>, %arg21: memref<4xi32, #tpu.memory_space<smem>>) attributes {dimension_semantics = [#tpu.dimension_semantics<core_parallel>, #tpu.dimension_semantics<subcore_parallel>], iteration_bounds = array<i64: 2, 16>, scalar_prefetch = 0 : i64, scratch_operands = 14 : i64, tpu.core_type = #tpu.core_type<sc_vector_subcore>, window_params = [{transform_indices = #map}, {transform_indices = #map}, {transform_indices = #map}, {transform_indices = #map1}, {transform_indices = #map1}, {transform_indices = #map1}]} {
    %mul3A = arith.constant 8 : i32
    %mul3A_0 = arith.muli %arg0, %mul3A : i32
    %jit3A = arith.constant 2 : i32
    %div3A = arith.divsi %arg1, %jit3A : i32
    %sign3A = arith.constant 0 : i32
    %sign3A_1 = arith.cmpi sgt, %arg1, %sign3A : i32
    %sign3A_2 = arith.extui %sign3A_1 : i1 to i32
    %sign3A_3 = arith.constant 0 : i32
    %sign3A_4 = arith.cmpi slt, %arg1, %sign3A_3 : i32
    %sign3A_5 = arith.extui %sign3A_4 : i1 to i32
    %sign3A_6 = arith.subi %sign3A_2, %sign3A_5 : i32
    %sign3A_7 = arith.constant 0 : i32
    %sign3A_8 = arith.cmpi sgt, %jit3A, %sign3A_7 : i32
    %sign3A_9 = arith.extui %sign3A_8 : i1 to i32
    %sign3A_10 = arith.constant 0 : i32
    %sign3A_11 = arith.cmpi slt, %jit3A, %sign3A_10 : i32
    %sign3A_12 = arith.extui %sign3A_11 : i1 to i32
    %sign3A_13 = arith.subi %sign3A_9, %sign3A_12 : i32
    %ne3A = arith.cmpi ne, %sign3A_6, %sign3A_13 : i32
    %rem3A = arith.remsi %arg1, %jit3A : i32
    %ne3A_14 = arith.constant 0 : i32
    %ne3A_15 = arith.cmpi ne, %rem3A, %ne3A_14 : i32
    %and3A = arith.andi %ne3A, %ne3A_15 : i1
    %sub3A = arith.constant 1 : i32
    %sub3A_16 = arith.subi %div3A, %sub3A : i32
    %select_n3A = arith.select %and3A, %sub3A_16, %div3A : i32
    %add3A = arith.addi %mul3A_0, %select_n3A : i32
    %jit3A_17 = arith.constant 2 : i32
    %eq3A = arith.constant 0 : i32
    %eq3A_18 = arith.cmpi eq, %jit3A_17, %eq3A : i32
    %jit3A_19 = arith.constant 1 : i32
    %select_n3A_20 = arith.select %eq3A_18, %jit3A_19, %jit3A_17 : i32
    %rem3A_21 = arith.remsi %arg1, %select_n3A_20 : i32
    %ne3A_22 = arith.constant 0 : i32
    %ne3A_23 = arith.cmpi ne, %rem3A_21, %ne3A_22 : i32
    %lt3A = arith.constant 0 : i32
    %lt3A_24 = arith.cmpi slt, %rem3A_21, %lt3A : i32
    %lt3A_25 = arith.constant 0 : i32
    %lt3A_26 = arith.cmpi slt, %select_n3A_20, %lt3A_25 : i32
    %ne3A_27 = arith.xori %lt3A_24, %lt3A_26 : i1
    %and3A_28 = arith.andi %ne3A_27, %ne3A_23 : i1
    %add3A_29 = arith.addi %rem3A_21, %select_n3A_20 : i32
    %select_n3A_30 = arith.select %and3A_28, %add3A_29, %rem3A_21 : i32
    %mul3A_31 = arith.constant 4096 : i32
    %mul3A_32 = arith.muli %select_n3A_30, %mul3A_31 : i32
    %mul3A_33 = arith.constant 128 : i32
    %mul3A_34 = arith.muli %select_n3A_30, %mul3A_33 : i32
    %iota3A = tpu.iota {dimensions = array<i32: 0>} : vector<16xi32>
    %eq3A_35 = arith.constant 0 : i32
    %eq3A_36 = vector.broadcast %eq3A_35 : i32 to vector<16xi32>
    %eq3A_37 = arith.cmpi eq, %iota3A, %eq3A_36 : vector<16xi32>
    %broadcast_in_dim3A = arith.constant 0x7F800000 : f32
    %broadcast_in_dim3A_38 = vector.broadcast %broadcast_in_dim3A : f32 to vector<16xf32>
    %swap3A = arith.constant 0 : i32
    %swap3A_39 = arith.constant 0 : i32
    %swap3A_40 = arith.index_cast %swap3A_39 : i32 to index
    %swap3A_41 = memref.load %arg21[%swap3A_40] : memref<4xi32, #tpu.memory_space<smem>>
    memref.store %swap3A, %arg21[%swap3A_40] : memref<4xi32, #tpu.memory_space<smem>>
    %swap3A_42 = arith.constant 0 : i32
    %swap3A_43 = arith.constant 1 : i32
    %swap3A_44 = arith.index_cast %swap3A_43 : i32 to index
    %swap3A_45 = memref.load %arg21[%swap3A_44] : memref<4xi32, #tpu.memory_space<smem>>
    memref.store %swap3A_42, %arg21[%swap3A_44] : memref<4xi32, #tpu.memory_space<smem>>
    %swap3A_46 = arith.constant 0 : i32
    %swap3A_47 = arith.constant 2 : i32
    %swap3A_48 = arith.index_cast %swap3A_47 : i32 to index
    %swap3A_49 = memref.load %arg21[%swap3A_48] : memref<4xi32, #tpu.memory_space<smem>>
    memref.store %swap3A_46, %arg21[%swap3A_48] : memref<4xi32, #tpu.memory_space<smem>>
    %swap3A_50 = arith.constant 0 : i32
    %swap3A_51 = arith.constant 3 : i32
    %swap3A_52 = arith.index_cast %swap3A_51 : i32 to index
    %swap3A_53 = memref.load %arg21[%swap3A_52] : memref<4xi32, #tpu.memory_space<smem>>
    memref.store %swap3A_50, %arg21[%swap3A_52] : memref<4xi32, #tpu.memory_space<smem>>
    "tpu.region"() ({
      %run_scoped3A = tpu.sem_alloc : memref<!tpu.dma_semaphore, #tpu.memory_space<semaphore_mem>>
      %dma_start3A = arith.constant 0 : i32
      %dma_start3A_85 = tpu.memref_slice %arg2[%add3A, %dma_start3A] : memref<16x8192xf32, #tpu.memory_space<hbm>> -> memref<1x8192xf32, #tpu.memory_space<hbm>>
      %dma_start3A_86 = tpu.memref_squeeze %dma_start3A_85 : memref<1x8192xf32, #tpu.memory_space<hbm>> -> memref<8192xf32, #tpu.memory_space<hbm>>
      %dma_start3A_87 = arith.constant 0 : i32
      %dma_start3A_88 = tpu.memref_slice %arg2[%add3A, %dma_start3A_87] : memref<16x8192xf32, #tpu.memory_space<hbm>> -> memref<1x8192xf32, #tpu.memory_space<hbm>>
      %dma_start3A_89 = tpu.memref_squeeze %dma_start3A_88 : memref<1x8192xf32, #tpu.memory_space<hbm>> -> memref<8192xf32, #tpu.memory_space<hbm>>
      tpu.enqueue_dma source(%dma_start3A_89 : memref<8192xf32, #tpu.memory_space<hbm>>) target(%arg8 : memref<8192xf32, #tpu.memory_space<vmem>>) target_semaphore(%run_scoped3A : memref<!tpu.dma_semaphore, #tpu.memory_space<semaphore_mem>>)
      %dma_wait3A = arith.constant 0 : i32
      %dma_wait3A_90 = tpu.memref_slice %arg2[%add3A, %dma_wait3A] : memref<16x8192xf32, #tpu.memory_space<hbm>> -> memref<1x8192xf32, #tpu.memory_space<hbm>>
      %dma_wait3A_91 = tpu.memref_squeeze %dma_wait3A_90 : memref<1x8192xf32, #tpu.memory_space<hbm>> -> memref<8192xf32, #tpu.memory_space<hbm>>
      %dma_wait3A_92 = arith.constant 0 : i32
      %dma_wait3A_93 = tpu.memref_slice %arg2[%add3A, %dma_wait3A_92] : memref<16x8192xf32, #tpu.memory_space<hbm>> -> memref<1x8192xf32, #tpu.memory_space<hbm>>
      %dma_wait3A_94 = tpu.memref_squeeze %dma_wait3A_93 : memref<1x8192xf32, #tpu.memory_space<hbm>> -> memref<8192xf32, #tpu.memory_space<hbm>>
      tpu.wait_dma2 semaphore(%run_scoped3A : memref<!tpu.dma_semaphore, #tpu.memory_space<semaphore_mem>>) src(%dma_wait3A_94 : memref<8192xf32, #tpu.memory_space<hbm>>) dst(%arg8 : memref<8192xf32, #tpu.memory_space<vmem>>)
      tpu.yield
    }) : () -> ()
    "tpu.region"() ({
      %run_scoped3A = tpu.sem_alloc : memref<!tpu.dma_semaphore, #tpu.memory_space<semaphore_mem>>
      %dma_start3A = arith.constant 0 : i32
      %dma_start3A_85 = tpu.memref_slice %arg3[%add3A, %dma_start3A] : memref<16x8192xf32, #tpu.memory_space<hbm>> -> memref<1x8192xf32, #tpu.memory_space<hbm>>
      %dma_start3A_86 = tpu.memref_squeeze %dma_start3A_85 : memref<1x8192xf32, #tpu.memory_space<hbm>> -> memref<8192xf32, #tpu.memory_space<hbm>>
      %dma_start3A_87 = arith.constant 0 : i32
      %dma_start3A_88 = tpu.memref_slice %arg3[%add3A, %dma_start3A_87] : memref<16x8192xf32, #tpu.memory_space<hbm>> -> memref<1x8192xf32, #tpu.memory_space<hbm>>
      %dma_start3A_89 = tpu.memref_squeeze %dma_start3A_88 : memref<1x8192xf32, #tpu.memory_space<hbm>> -> memref<8192xf32, #tpu.memory_space<hbm>>
      tpu.enqueue_dma source(%dma_start3A_89 : memref<8192xf32, #tpu.memory_space<hbm>>) target(%arg9 : memref<8192xf32, #tpu.memory_space<vmem>>) target_semaphore(%run_scoped3A : memref<!tpu.dma_semaphore, #tpu.memory_space<semaphore_mem>>)
      %dma_wait3A = arith.constant 0 : i32
      %dma_wait3A_90 = tpu.memref_slice %arg3[%add3A, %dma_wait3A] : memref<16x8192xf32, #tpu.memory_space<hbm>> -> memref<1x8192xf32, #tpu.memory_space<hbm>>
      %dma_wait3A_91 = tpu.memref_squeeze %dma_wait3A_90 : memref<1x8192xf32, #tpu.memory_space<hbm>> -> memref<8192xf32, #tpu.memory_space<hbm>>
      %dma_wait3A_92 = arith.constant 0 : i32
      %dma_wait3A_93 = tpu.memref_slice %arg3[%add3A, %dma_wait3A_92] : memref<16x8192xf32, #tpu.memory_space<hbm>> -> memref<1x8192xf32, #tpu.memory_space<hbm>>
      %dma_wait3A_94 = tpu.memref_squeeze %dma_wait3A_93 : memref<1x8192xf32, #tpu.memory_space<hbm>> -> memref<8192xf32, #tpu.memory_space<hbm>>
      tpu.wait_dma2 semaphore(%run_scoped3A : memref<!tpu.dma_semaphore, #tpu.memory_space<semaphore_mem>>) src(%dma_wait3A_94 : memref<8192xf32, #tpu.memory_space<hbm>>) dst(%arg9 : memref<8192xf32, #tpu.memory_space<vmem>>)
      tpu.yield
    }) : () -> ()
    "tpu.region"() ({
      %run_scoped3A = tpu.sem_alloc : memref<!tpu.dma_semaphore, #tpu.memory_space<semaphore_mem>>
      %dma_start3A = arith.constant 0 : i32
      %dma_start3A_85 = tpu.memref_slice %arg4[%add3A, %dma_start3A] : memref<16x8192xf32, #tpu.memory_space<hbm>> -> memref<1x8192xf32, #tpu.memory_space<hbm>>
      %dma_start3A_86 = tpu.memref_squeeze %dma_start3A_85 : memref<1x8192xf32, #tpu.memory_space<hbm>> -> memref<8192xf32, #tpu.memory_space<hbm>>
      %dma_start3A_87 = arith.constant 0 : i32
      %dma_start3A_88 = tpu.memref_slice %arg4[%add3A, %dma_start3A_87] : memref<16x8192xf32, #tpu.memory_space<hbm>> -> memref<1x8192xf32, #tpu.memory_space<hbm>>
      %dma_start3A_89 = tpu.memref_squeeze %dma_start3A_88 : memref<1x8192xf32, #tpu.memory_space<hbm>> -> memref<8192xf32, #tpu.memory_space<hbm>>
      tpu.enqueue_dma source(%dma_start3A_89 : memref<8192xf32, #tpu.memory_space<hbm>>) target(%arg10 : memref<8192xf32, #tpu.memory_space<vmem>>) target_semaphore(%run_scoped3A : memref<!tpu.dma_semaphore, #tpu.memory_space<semaphore_mem>>)
      %dma_wait3A = arith.constant 0 : i32
      %dma_wait3A_90 = tpu.memref_slice %arg4[%add3A, %dma_wait3A] : memref<16x8192xf32, #tpu.memory_space<hbm>> -> memref<1x8192xf32, #tpu.memory_space<hbm>>
      %dma_wait3A_91 = tpu.memref_squeeze %dma_wait3A_90 : memref<1x8192xf32, #tpu.memory_space<hbm>> -> memref<8192xf32, #tpu.memory_space<hbm>>
      %dma_wait3A_92 = arith.constant 0 : i32
      %dma_wait3A_93 = tpu.memref_slice %arg4[%add3A, %dma_wait3A_92] : memref<16x8192xf32, #tpu.memory_space<hbm>> -> memref<1x8192xf32, #tpu.memory_space<hbm>>
      %dma_wait3A_94 = tpu.memref_squeeze %dma_wait3A_93 : memref<1x8192xf32, #tpu.memory_space<hbm>> -> memref<8192xf32, #tpu.memory_space<hbm>>
      tpu.wait_dma2 semaphore(%run_scoped3A : memref<!tpu.dma_semaphore, #tpu.memory_space<semaphore_mem>>) src(%dma_wait3A_94 : memref<8192xf32, #tpu.memory_space<hbm>>) dst(%arg10 : memref<8192xf32, #tpu.memory_space<vmem>>)
      tpu.yield
    }) : () -> ()
    %scan3A = arith.constant 0 : i32
    %scan3A_54 = arith.constant 0 : i32
    %scan3A_55 = arith.constant 256 : i32
    %scan3A_56 = arith.addi %scan3A_54, %scan3A_55 : i32
    %scan3A_57 = arith.constant 1 : i32
    scf.for %scan3A_85 = %scan3A_54 to %scan3A_56 step %scan3A_57  : i32 {
      %mul3A_86 = arith.constant 16 : i32
      %mul3A_87 = arith.muli %scan3A_85, %mul3A_86 : i32
      %swap3A_88 = arith.index_cast %mul3A_87 : i32 to index
      %swap3A_89 = tpu.vector_load %arg11[%swap3A_88] {strides = array<i32>} : memref<4096xf32, #tpu.memory_space<vmem>>, vector<16xf32>,
      tpu.vector_store %arg11[%swap3A_88], %broadcast_in_dim3A_38 {strides = array<i32>} : memref<4096xf32, #tpu.memory_space<vmem>>, vector<16xf32>,
    }
    %scan3A_58 = arith.constant 256 : i32
    %barrier3A = arith.constant 0 : index
    tpu.barrier barrier_id(%barrier3A)
    %scan3A_59 = arith.constant 0 : i32
    %scan3A_60 = arith.constant 0 : i32
    %scan3A_61 = arith.constant 256 : i32
    %scan3A_62 = arith.addi %scan3A_60, %scan3A_61 : i32
    %scan3A_63 = arith.constant 1 : i32
    %scan3A_64 = scf.for %scan3A_85 = %scan3A_60 to %scan3A_62 step %scan3A_63 iter_args(%scan3A_86 = %scan3A_59) -> (i32)  : i32 {
      %broadcast_in_dim3A_87 = vector.broadcast %scan3A_86 : i32 to vector<16xi32>
      %gather3A = tpu.vector_load_idx %arg8[%broadcast_in_dim3A_87] : memref<8192xf32, #tpu.memory_space<vmem>>[vector<16xi32>], vector<16xf32>,
      %gather3A_88 = tpu.vector_load_idx %arg9[%broadcast_in_dim3A_87] : memref<8192xf32, #tpu.memory_space<vmem>>[vector<16xi32>], vector<16xf32>,
      %gather3A_89 = tpu.vector_load_idx %arg10[%broadcast_in_dim3A_87] : memref<8192xf32, #tpu.memory_space<vmem>>[vector<16xi32>], vector<16xf32>,
      %broadcast_in_dim3A_90 = vector.broadcast %scan3A_85 : i32 to vector<16xi32>
      tpu.vector_store_idx %arg12[%broadcast_in_dim3A_90], %gather3A masked %eq3A_37 : memref<256xf32, #tpu.memory_space<vmem>>[vector<16xi32>], vector<16xf32>, vector<16xi1>
      tpu.vector_store_idx %arg13[%broadcast_in_dim3A_90], %gather3A_88 masked %eq3A_37 : memref<256xf32, #tpu.memory_space<vmem>>[vector<16xi32>], vector<16xf32>, vector<16xi1>
      tpu.vector_store_idx %arg14[%broadcast_in_dim3A_90], %gather3A_89 masked %eq3A_37 : memref<256xf32, #tpu.memory_space<vmem>>[vector<16xi32>], vector<16xf32>, vector<16xi1>
      %broadcast_in_dim3A_91 = arith.constant 0xFF800000 : f32
      %broadcast_in_dim3A_92 = vector.broadcast %broadcast_in_dim3A_91 : f32 to vector<16xf32>
      %broadcast_in_dim3A_93 = arith.constant 0 : i32
      %broadcast_in_dim3A_94 = vector.broadcast %broadcast_in_dim3A_93 : i32 to vector<16xi32>
      %parallel_loop3A = arith.constant 0 : i32
      %parallel_loop3A_95 = arith.constant 256 : i32
      %parallel_loop3A_96 = arith.constant 1 : i32
      %parallel_loop3A_97:2 = scf.for %parallel_loop3A_178 = %parallel_loop3A to %parallel_loop3A_95 step %parallel_loop3A_96 iter_args(%parallel_loop3A_179 = %broadcast_in_dim3A_92, %parallel_loop3A_180 = %broadcast_in_dim3A_94) -> (vector<16xf32>, vector<16xi32>)  : i32 {
        %parallel_loop3A_181 = arith.constant 16 : i32
        %parallel_loop3A_182 = arith.muli %parallel_loop3A_178, %parallel_loop3A_181 : i32
        %parallel_loop3A_183 = arith.addi %mul3A_32, %parallel_loop3A_182 : i32
        %parallel_loop3A_184 = arith.index_cast %parallel_loop3A_183 : i32 to index
        %parallel_loop3A_185 = tpu.vector_load %arg8[%parallel_loop3A_184] {strides = array<i32>} : memref<8192xf32, #tpu.memory_space<vmem>>, vector<16xf32>,
        %parallel_loop3A_186 = arith.addi %mul3A_32, %parallel_loop3A_182 : i32
        %parallel_loop3A_187 = arith.index_cast %parallel_loop3A_186 : i32 to index
        %parallel_loop3A_188 = tpu.vector_load %arg9[%parallel_loop3A_187] {strides = array<i32>} : memref<8192xf32, #tpu.memory_space<vmem>>, vector<16xf32>,
        %parallel_loop3A_189 = arith.addi %mul3A_32, %parallel_loop3A_182 : i32
        %parallel_loop3A_190 = arith.index_cast %parallel_loop3A_189 : i32 to index
        %parallel_loop3A_191 = tpu.vector_load %arg10[%parallel_loop3A_190] {strides = array<i32>} : memref<8192xf32, #tpu.memory_space<vmem>>, vector<16xf32>,
        %parallel_loop3A_192 = arith.index_cast %parallel_loop3A_182 : i32 to index
        %parallel_loop3A_193 = tpu.vector_load %arg11[%parallel_loop3A_192] {strides = array<i32>} : memref<4096xf32, #tpu.memory_space<vmem>>, vector<16xf32>,
        %parallel_loop3A_194 = arith.subf %parallel_loop3A_185, %gather3A : vector<16xf32>
        %parallel_loop3A_195 = arith.subf %parallel_loop3A_188, %gather3A_88 : vector<16xf32>
        %parallel_loop3A_196 = arith.subf %parallel_loop3A_191, %gather3A_89 : vector<16xf32>
        %parallel_loop3A_197 = arith.mulf %parallel_loop3A_194, %parallel_loop3A_194 : vector<16xf32>
        %parallel_loop3A_198 = arith.mulf %parallel_loop3A_195, %parallel_loop3A_195 : vector<16xf32>
        %parallel_loop3A_199 = arith.addf %parallel_loop3A_197, %parallel_loop3A_198 : vector<16xf32>
        %parallel_loop3A_200 = arith.mulf %parallel_loop3A_196, %parallel_loop3A_196 : vector<16xf32>
        %parallel_loop3A_201 = arith.addf %parallel_loop3A_199, %parallel_loop3A_200 : vector<16xf32>
        %parallel_loop3A_202 = arith.minimumf %parallel_loop3A_193, %parallel_loop3A_201 : vector<16xf32>
        %parallel_loop3A_203 = arith.index_cast %parallel_loop3A_182 : i32 to index
        %parallel_loop3A_204 = tpu.vector_load %arg11[%parallel_loop3A_203] {strides = array<i32>} : memref<4096xf32, #tpu.memory_space<vmem>>, vector<16xf32>,
        tpu.vector_store %arg11[%parallel_loop3A_203], %parallel_loop3A_202 {strides = array<i32>} : memref<4096xf32, #tpu.memory_space<vmem>>, vector<16xf32>,
        %parallel_loop3A_205 = arith.cmpf ogt, %parallel_loop3A_202, %parallel_loop3A_179 : vector<16xf32>
        %parallel_loop3A_206 = arith.addi %mul3A_32, %parallel_loop3A_182 : i32
        %parallel_loop3A_207 = vector.broadcast %parallel_loop3A_206 : i32 to vector<16xi32>
        %parallel_loop3A_208 = arith.addi %parallel_loop3A_207, %iota3A : vector<16xi32>
        %parallel_loop3A_209 = arith.select %parallel_loop3A_205, %parallel_loop3A_208, %parallel_loop3A_180 : vector<16xi1>, vector<16xi32>
        %parallel_loop3A_210 = arith.select %parallel_loop3A_205, %parallel_loop3A_202, %parallel_loop3A_179 : vector<16xi1>, vector<16xf32>
        scf.yield %parallel_loop3A_210, %parallel_loop3A_209 : vector<16xf32>, vector<16xi32>
      } {sc.loop_unroll_factor = 8 : i64, sc.parallel_access}
      %reduce_max3A = arith.constant true
      %reduce_max3A_98 = vector.broadcast %reduce_max3A : i1 to vector<16xi1>
      %reduce_max3A_99 = tpu.scan <max>, %parallel_loop3A_97#0 masked %reduce_max3A_98 : vector<16xf32>, vector<16xi1> -> vector<16xf32>
      %reduce_max3A_100 = vector.extract %reduce_max3A_99[15] : f32 from vector<16xf32>
      %broadcast_in_dim3A_101 = vector.broadcast %reduce_max3A_100 : f32 to vector<16xf32>
      %eq3A_102 = arith.cmpf oeq, %parallel_loop3A_97#0, %broadcast_in_dim3A_101 : vector<16xf32>
      %broadcast_in_dim3A_103 = arith.constant 1073741824 : i32
      %broadcast_in_dim3A_104 = vector.broadcast %broadcast_in_dim3A_103 : i32 to vector<16xi32>
      %select_n3A_105 = arith.select %eq3A_102, %parallel_loop3A_97#1, %broadcast_in_dim3A_104 : vector<16xi1>, vector<16xi32>
      %reduce_min3A = arith.constant true
      %reduce_min3A_106 = vector.broadcast %reduce_min3A : i1 to vector<16xi1>
      %reduce_min3A_107 = arith.constant -2147483648 : i32
      %reduce_min3A_108 = vector.broadcast %reduce_min3A_107 : i32 to vector<16xi32>
      %reduce_min3A_109 = arith.xori %select_n3A_105, %reduce_min3A_108 : vector<16xi32>
      %reduce_min3A_110 = tpu.scan <min>, %reduce_min3A_109 masked %reduce_min3A_106 : vector<16xi32>, vector<16xi1> -> vector<16xi32>
      %reduce_min3A_111 = arith.xori %reduce_min3A_110, %reduce_min3A_108 : vector<16xi32>
      %reduce_min3A_112 = vector.extract %reduce_min3A_111[15] : i32 from vector<16xi32>
      %bitcast3A = vector.bitcast %broadcast_in_dim3A_101 : vector<16xf32> to vector<16xi32>
      %reduce_max3A_113 = arith.constant true
      %reduce_max3A_114 = vector.broadcast %reduce_max3A_113 : i1 to vector<16xi1>
      %reduce_max3A_115 = arith.constant -2147483648 : i32
      %reduce_max3A_116 = vector.broadcast %reduce_max3A_115 : i32 to vector<16xi32>
      %reduce_max3A_117 = arith.xori %bitcast3A, %reduce_max3A_116 : vector<16xi32>
      %reduce_max3A_118 = tpu.scan <max>, %reduce_max3A_117 masked %reduce_max3A_114 : vector<16xi32>, vector<16xi1> -> vector<16xi32>
      %reduce_max3A_119 = arith.xori %reduce_max3A_118, %reduce_max3A_116 : vector<16xi32>
      %reduce_max3A_120 = vector.extract %reduce_max3A_119[15] : i32 from vector<16xi32>
      %add3A_121 = arith.constant 1 : i32
      %add3A_122 = arith.addi %reduce_max3A_120, %add3A_121 : i32
      %jit3A_123 = arith.constant 2 : i32
      %eq3A_124 = arith.constant 0 : i32
      %eq3A_125 = arith.cmpi eq, %jit3A_123, %eq3A_124 : i32
      %jit3A_126 = arith.constant 1 : i32
      %select_n3A_127 = arith.select %eq3A_125, %jit3A_126, %jit3A_123 : i32
      %rem3A_128 = arith.remsi %scan3A_85, %select_n3A_127 : i32
      %ne3A_129 = arith.constant 0 : i32
      %ne3A_130 = arith.cmpi ne, %rem3A_128, %ne3A_129 : i32
      %lt3A_131 = arith.constant 0 : i32
      %lt3A_132 = arith.cmpi slt, %rem3A_128, %lt3A_131 : i32
      %lt3A_133 = arith.constant 0 : i32
      %lt3A_134 = arith.cmpi slt, %select_n3A_127, %lt3A_133 : i32
      %ne3A_135 = arith.xori %lt3A_132, %lt3A_134 : i1
      %and3A_136 = arith.andi %ne3A_135, %ne3A_130 : i1
      %add3A_137 = arith.addi %rem3A_128, %select_n3A_127 : i32
      %select_n3A_138 = arith.select %and3A_136, %add3A_137, %rem3A_128 : i32
      %mul3A_139 = arith.constant 2 : i32
      %mul3A_140 = arith.muli %mul3A_139, %select_n3A_138 : i32
      %xor3A = arith.constant 1 : i32
      %xor3A_141 = arith.xori %arg1, %xor3A : i32
      %sc_fetch_and_add3A = tpu.fetch_and_add_sync %arg21[%mul3A_140], %add3A_122, %xor3A_141 : memref<4xi32, #tpu.memory_space<smem>>, i32 -> i32
      %mul3A_142 = arith.constant 2 : i32
      %mul3A_143 = arith.muli %mul3A_142, %select_n3A_138 : i32
      %add3A_144 = arith.constant 1 : i32
      %add3A_145 = arith.addi %mul3A_143, %add3A_144 : i32
      %add3A_146 = arith.constant 1 : i32
      %add3A_147 = arith.addi %reduce_min3A_112, %add3A_146 : i32
      %xor3A_148 = arith.constant 1 : i32
      %xor3A_149 = arith.xori %arg1, %xor3A_148 : i32
      %sc_fetch_and_add3A_150 = tpu.fetch_and_add_sync %arg21[%add3A_145], %add3A_147, %xor3A_149 : memref<4xi32, #tpu.memory_space<smem>>, i32 -> i32
      %mul3A_151 = arith.constant 2 : i32
      %mul3A_152 = arith.muli %mul3A_151, %select_n3A_138 : i32
      %get3A = arith.index_cast %mul3A_152 : i32 to index
      %get3A_153 = memref.load %arg21[%get3A] : memref<4xi32, #tpu.memory_space<smem>>
      %mul3A_154 = arith.constant 2 : i32
      %mul3A_155 = arith.muli %mul3A_154, %select_n3A_138 : i32
      %add3A_156 = arith.constant 1 : i32
      %add3A_157 = arith.addi %mul3A_155, %add3A_156 : i32
      %get3A_158 = arith.index_cast %add3A_157 : i32 to index
      %get3A_159 = memref.load %arg21[%get3A_158] : memref<4xi32, #tpu.memory_space<smem>>
      %while3A:2 = scf.while (%while3A_178 = %get3A_153, %while3A_179 = %get3A_159) : (i32, i32) -> (i32, i32) {
        %eq3A_180 = arith.constant 0 : i32
        %eq3A_181 = arith.cmpi eq, %while3A_178, %eq3A_180 : i32
        %eq3A_182 = arith.constant 0 : i32
        %eq3A_183 = arith.cmpi eq, %while3A_179, %eq3A_182 : i32
        %or3A_184 = arith.ori %eq3A_181, %eq3A_183 : i1
        scf.condition(%or3A_184) %while3A_178, %while3A_179 : i32, i32
      } do {
      ^bb0(%while3A_178: i32, %while3A_179: i32):
        %mul3A_180 = arith.constant 2 : i32
        %mul3A_181 = arith.muli %mul3A_180, %select_n3A_138 : i32
        %get3A_182 = arith.index_cast %mul3A_181 : i32 to index
        %get3A_183 = memref.load %arg21[%get3A_182] : memref<4xi32, #tpu.memory_space<smem>>
        %mul3A_184 = arith.constant 2 : i32
        %mul3A_185 = arith.muli %mul3A_184, %select_n3A_138 : i32
        %add3A_186 = arith.constant 1 : i32
        %add3A_187 = arith.addi %mul3A_185, %add3A_186 : i32
        %get3A_188 = arith.index_cast %add3A_187 : i32 to index
        %get3A_189 = memref.load %arg21[%get3A_188] : memref<4xi32, #tpu.memory_space<smem>>
        scf.yield %get3A_183, %get3A_189 : i32, i32
      }
      %mul3A_160 = arith.constant 2 : i32
      %mul3A_161 = arith.muli %mul3A_160, %select_n3A_138 : i32
      %swap3A_162 = arith.constant 0 : i32
      %swap3A_163 = arith.index_cast %mul3A_161 : i32 to index
      %swap3A_164 = memref.load %arg21[%swap3A_163] : memref<4xi32, #tpu.memory_space<smem>>
      memref.store %swap3A_162, %arg21[%swap3A_163] : memref<4xi32, #tpu.memory_space<smem>>
      %mul3A_165 = arith.constant 2 : i32
      %mul3A_166 = arith.muli %mul3A_165, %select_n3A_138 : i32
      %add3A_167 = arith.constant 1 : i32
      %add3A_168 = arith.addi %mul3A_166, %add3A_167 : i32
      %swap3A_169 = arith.constant 0 : i32
      %swap3A_170 = arith.index_cast %add3A_168 : i32 to index
      %swap3A_171 = memref.load %arg21[%swap3A_170] : memref<4xi32, #tpu.memory_space<smem>>
      memref.store %swap3A_169, %arg21[%swap3A_170] : memref<4xi32, #tpu.memory_space<smem>>
      %sub3A_172 = arith.constant 1 : i32
      %sub3A_173 = arith.subi %while3A#1, %sub3A_172 : i32
      %gt3A = arith.cmpi sgt, %while3A#0, %add3A_122 : i32
      %eq3A_174 = arith.cmpi eq, %while3A#0, %add3A_122 : i32
      %lt3A_175 = arith.cmpi slt, %sub3A_173, %reduce_min3A_112 : i32
      %and3A_176 = arith.andi %eq3A_174, %lt3A_175 : i1
      %or3A = arith.ori %gt3A, %and3A_176 : i1
      %select_n3A_177 = arith.select %or3A, %sub3A_173, %reduce_min3A_112 : i32
      scf.yield %select_n3A_177 : i32
    }
    %scan3A_65 = arith.constant 256 : i32
    %scan3A_66 = arith.constant 0 : i32
    %scan3A_67 = arith.constant 0 : i32
    %scan3A_68 = arith.constant 16 : i32
    %scan3A_69 = arith.addi %scan3A_67, %scan3A_68 : i32
    %scan3A_70 = arith.constant 1 : i32
    scf.for %scan3A_85 = %scan3A_67 to %scan3A_69 step %scan3A_70  : i32 {
      %mul3A_86 = arith.constant 8 : i32
      %mul3A_87 = arith.muli %scan3A_85, %mul3A_86 : i32
      %add3A_88 = arith.addi %mul3A_34, %mul3A_87 : i32
      %add3A_89 = arith.constant 0 : i32
      %add3A_90 = arith.addi %add3A_88, %add3A_89 : i32
      %broadcast_in_dim3A_91 = vector.broadcast %add3A_90 : i32 to vector<16xi32>
      %gather3A = tpu.vector_load_idx %arg12[%broadcast_in_dim3A_91] : memref<256xf32, #tpu.memory_space<vmem>>[vector<16xi32>], vector<16xf32>,
      %gather3A_92 = tpu.vector_load_idx %arg13[%broadcast_in_dim3A_91] : memref<256xf32, #tpu.memory_space<vmem>>[vector<16xi32>], vector<16xf32>,
      %gather3A_93 = tpu.vector_load_idx %arg14[%broadcast_in_dim3A_91] : memref<256xf32, #tpu.memory_space<vmem>>[vector<16xi32>], vector<16xf32>,
      %swap3A_94 = arith.constant 0 : index
      %swap3A_95 = tpu.vector_load %arg15[%swap3A_94] {strides = array<i32>} : memref<256xf32, #tpu.memory_space<vmem>>, vector<16xf32>,
      tpu.vector_store %arg15[%swap3A_94], %broadcast_in_dim3A_38 {strides = array<i32>} : memref<256xf32, #tpu.memory_space<vmem>>, vector<16xf32>,
      %swap3A_96 = arith.constant 16 : index
      %swap3A_97 = tpu.vector_load %arg15[%swap3A_96] {strides = array<i32>} : memref<256xf32, #tpu.memory_space<vmem>>, vector<16xf32>,
      tpu.vector_store %arg15[%swap3A_96], %broadcast_in_dim3A_38 {strides = array<i32>} : memref<256xf32, #tpu.memory_space<vmem>>, vector<16xf32>,
      %broadcast_in_dim3A_98 = arith.constant 1073741824 : i32
      %broadcast_in_dim3A_99 = vector.broadcast %broadcast_in_dim3A_98 : i32 to vector<16xi32>
      %swap3A_100 = arith.constant 0 : index
      %swap3A_101 = tpu.vector_load %arg16[%swap3A_100] {strides = array<i32>} : memref<256xi32, #tpu.memory_space<vmem>>, vector<16xi32>,
      tpu.vector_store %arg16[%swap3A_100], %broadcast_in_dim3A_99 {strides = array<i32>} : memref<256xi32, #tpu.memory_space<vmem>>, vector<16xi32>,
      %broadcast_in_dim3A_102 = arith.constant 1073741824 : i32
      %broadcast_in_dim3A_103 = vector.broadcast %broadcast_in_dim3A_102 : i32 to vector<16xi32>
      %swap3A_104 = arith.constant 16 : index
      %swap3A_105 = tpu.vector_load %arg16[%swap3A_104] {strides = array<i32>} : memref<256xi32, #tpu.memory_space<vmem>>, vector<16xi32>,
      tpu.vector_store %arg16[%swap3A_104], %broadcast_in_dim3A_103 {strides = array<i32>} : memref<256xi32, #tpu.memory_space<vmem>>, vector<16xi32>,
      %add3A_106 = arith.constant 1 : i32
      %add3A_107 = arith.addi %add3A_88, %add3A_106 : i32
      %broadcast_in_dim3A_108 = vector.broadcast %add3A_107 : i32 to vector<16xi32>
      %gather3A_109 = tpu.vector_load_idx %arg12[%broadcast_in_dim3A_108] : memref<256xf32, #tpu.memory_space<vmem>>[vector<16xi32>], vector<16xf32>,
      %gather3A_110 = tpu.vector_load_idx %arg13[%broadcast_in_dim3A_108] : memref<256xf32, #tpu.memory_space<vmem>>[vector<16xi32>], vector<16xf32>,
      %gather3A_111 = tpu.vector_load_idx %arg14[%broadcast_in_dim3A_108] : memref<256xf32, #tpu.memory_space<vmem>>[vector<16xi32>], vector<16xf32>,
      %swap3A_112 = arith.constant 32 : index
      %swap3A_113 = tpu.vector_load %arg15[%swap3A_112] {strides = array<i32>} : memref<256xf32, #tpu.memory_space<vmem>>, vector<16xf32>,
      tpu.vector_store %arg15[%swap3A_112], %broadcast_in_dim3A_38 {strides = array<i32>} : memref<256xf32, #tpu.memory_space<vmem>>, vector<16xf32>,
      %swap3A_114 = arith.constant 48 : index
      %swap3A_115 = tpu.vector_load %arg15[%swap3A_114] {strides = array<i32>} : memref<256xf32, #tpu.memory_space<vmem>>, vector<16xf32>,
      tpu.vector_store %arg15[%swap3A_114], %broadcast_in_dim3A_38 {strides = array<i32>} : memref<256xf32, #tpu.memory_space<vmem>>, vector<16xf32>,
      %broadcast_in_dim3A_116 = arith.constant 1073741824 : i32
      %broadcast_in_dim3A_117 = vector.broadcast %broadcast_in_dim3A_116 : i32 to vector<16xi32>
      %swap3A_118 = arith.constant 32 : index
      %swap3A_119 = tpu.vector_load %arg16[%swap3A_118] {strides = array<i32>} : memref<256xi32, #tpu.memory_space<vmem>>, vector<16xi32>,
      tpu.vector_store %arg16[%swap3A_118], %broadcast_in_dim3A_117 {strides = array<i32>} : memref<256xi32, #tpu.memory_space<vmem>>, vector<16xi32>,
      %broadcast_in_dim3A_120 = arith.constant 1073741824 : i32
      %broadcast_in_dim3A_121 = vector.broadcast %broadcast_in_dim3A_120 : i32 to vector<16xi32>
      %swap3A_122 = arith.constant 48 : index
      %swap3A_123 = tpu.vector_load %arg16[%swap3A_122] {strides = array<i32>} : memref<256xi32, #tpu.memory_space<vmem>>, vector<16xi32>,
      tpu.vector_store %arg16[%swap3A_122], %broadcast_in_dim3A_121 {strides = array<i32>} : memref<256xi32, #tpu.memory_space<vmem>>, vector<16xi32>,
      %add3A_124 = arith.constant 2 : i32
      %add3A_125 = arith.addi %add3A_88, %add3A_124 : i32
      %broadcast_in_dim3A_126 = vector.broadcast %add3A_125 : i32 to vector<16xi32>
      %gather3A_127 = tpu.vector_load_idx %arg12[%broadcast_in_dim3A_126] : memref<256xf32, #tpu.memory_space<vmem>>[vector<16xi32>], vector<16xf32>,
      %gather3A_128 = tpu.vector_load_idx %arg13[%broadcast_in_dim3A_126] : memref<256xf32, #tpu.memory_space<vmem>>[vector<16xi32>], vector<16xf32>,
      %gather3A_129 = tpu.vector_load_idx %arg14[%broadcast_in_dim3A_126] : memref<256xf32, #tpu.memory_space<vmem>>[vector<16xi32>], vector<16xf32>,
      %swap3A_130 = arith.constant 64 : index
      %swap3A_131 = tpu.vector_load %arg15[%swap3A_130] {strides = array<i32>} : memref<256xf32, #tpu.memory_space<vmem>>, vector<16xf32>,
      tpu.vector_store %arg15[%swap3A_130], %broadcast_in_dim3A_38 {strides = array<i32>} : memref<256xf32, #tpu.memory_space<vmem>>, vector<16xf32>,
      %swap3A_132 = arith.constant 80 : index
      %swap3A_133 = tpu.vector_load %arg15[%swap3A_132] {strides = array<i32>} : memref<256xf32, #tpu.memory_space<vmem>>, vector<16xf32>,
      tpu.vector_store %arg15[%swap3A_132], %broadcast_in_dim3A_38 {strides = array<i32>} : memref<256xf32, #tpu.memory_space<vmem>>, vector<16xf32>,
      %broadcast_in_dim3A_134 = arith.constant 1073741824 : i32
      %broadcast_in_dim3A_135 = vector.broadcast %broadcast_in_dim3A_134 : i32 to vector<16xi32>
      %swap3A_136 = arith.constant 64 : index
      %swap3A_137 = tpu.vector_load %arg16[%swap3A_136] {strides = array<i32>} : memref<256xi32, #tpu.memory_space<vmem>>, vector<16xi32>,
      tpu.vector_store %arg16[%swap3A_136], %broadcast_in_dim3A_135 {strides = array<i32>} : memref<256xi32, #tpu.memory_space<vmem>>, vector<16xi32>,
      %broadcast_in_dim3A_138 = arith.constant 1073741824 : i32
      %broadcast_in_dim3A_139 = vector.broadcast %broadcast_in_dim3A_138 : i32 to vector<16xi32>
      %swap3A_140 = arith.constant 80 : index
      %swap3A_141 = tpu.vector_load %arg16[%swap3A_140] {strides = array<i32>} : memref<256xi32, #tpu.memory_space<vmem>>, vector<16xi32>,
      tpu.vector_store %arg16[%swap3A_140], %broadcast_in_dim3A_139 {strides = array<i32>} : memref<256xi32, #tpu.memory_space<vmem>>, vector<16xi32>,
      %add3A_142 = arith.constant 3 : i32
      %add3A_143 = arith.addi %add3A_88, %add3A_142 : i32
      %broadcast_in_dim3A_144 = vector.broadcast %add3A_143 : i32 to vector<16xi32>
      %gather3A_145 = tpu.vector_load_idx %arg12[%broadcast_in_dim3A_144] : memref<256xf32, #tpu.memory_space<vmem>>[vector<16xi32>], vector<16xf32>,
      %gather3A_146 = tpu.vector_load_idx %arg13[%broadcast_in_dim3A_144] : memref<256xf32, #tpu.memory_space<vmem>>[vector<16xi32>], vector<16xf32>,
      %gather3A_147 = tpu.vector_load_idx %arg14[%broadcast_in_dim3A_144] : memref<256xf32, #tpu.memory_space<vmem>>[vector<16xi32>], vector<16xf32>,
      %swap3A_148 = arith.constant 96 : index
      %swap3A_149 = tpu.vector_load %arg15[%swap3A_148] {strides = array<i32>} : memref<256xf32, #tpu.memory_space<vmem>>, vector<16xf32>,
      tpu.vector_store %arg15[%swap3A_148], %broadcast_in_dim3A_38 {strides = array<i32>} : memref<256xf32, #tpu.memory_space<vmem>>, vector<16xf32>,
      %swap3A_150 = arith.constant 112 : index
      %swap3A_151 = tpu.vector_load %arg15[%swap3A_150] {strides = array<i32>} : memref<256xf32, #tpu.memory_space<vmem>>, vector<16xf32>,
      tpu.vector_store %arg15[%swap3A_150], %broadcast_in_dim3A_38 {strides = array<i32>} : memref<256xf32, #tpu.memory_space<vmem>>, vector<16xf32>,
      %broadcast_in_dim3A_152 = arith.constant 1073741824 : i32
      %broadcast_in_dim3A_153 = vector.broadcast %broadcast_in_dim3A_152 : i32 to vector<16xi32>
      %swap3A_154 = arith.constant 96 : index
      %swap3A_155 = tpu.vector_load %arg16[%swap3A_154] {strides = array<i32>} : memref<256xi32, #tpu.memory_space<vmem>>, vector<16xi32>,
      tpu.vector_store %arg16[%swap3A_154], %broadcast_in_dim3A_153 {strides = array<i32>} : memref<256xi32, #tpu.memory_space<vmem>>, vector<16xi32>,
      %broadcast_in_dim3A_156 = arith.constant 1073741824 : i32
      %broadcast_in_dim3A_157 = vector.broadcast %broadcast_in_dim3A_156 : i32 to vector<16xi32>
      %swap3A_158 = arith.constant 112 : index
      %swap3A_159 = tpu.vector_load %arg16[%swap3A_158] {strides = array<i32>} : memref<256xi32, #tpu.memory_space<vmem>>, vector<16xi32>,
      tpu.vector_store %arg16[%swap3A_158], %broadcast_in_dim3A_157 {strides = array<i32>} : memref<256xi32, #tpu.memory_space<vmem>>, vector<16xi32>,
      %add3A_160 = arith.constant 4 : i32
      %add3A_161 = arith.addi %add3A_88, %add3A_160 : i32
      %broadcast_in_dim3A_162 = vector.broadcast %add3A_161 : i32 to vector<16xi32>
      %gather3A_163 = tpu.vector_load_idx %arg12[%broadcast_in_dim3A_162] : memref<256xf32, #tpu.memory_space<vmem>>[vector<16xi32>], vector<16xf32>,
      %gather3A_164 = tpu.vector_load_idx %arg13[%broadcast_in_dim3A_162] : memref<256xf32, #tpu.memory_space<vmem>>[vector<16xi32>], vector<16xf32>,
      %gather3A_165 = tpu.vector_load_idx %arg14[%broadcast_in_dim3A_162] : memref<256xf32, #tpu.memory_space<vmem>>[vector<16xi32>], vector<16xf32>,
      %swap3A_166 = arith.constant 128 : index
      %swap3A_167 = tpu.vector_load %arg15[%swap3A_166] {strides = array<i32>} : memref<256xf32, #tpu.memory_space<vmem>>, vector<16xf32>,
      tpu.vector_store %arg15[%swap3A_166], %broadcast_in_dim3A_38 {strides = array<i32>} : memref<256xf32, #tpu.memory_space<vmem>>, vector<16xf32>,
      %swap3A_168 = arith.constant 144 : index
      %swap3A_169 = tpu.vector_load %arg15[%swap3A_168] {strides = array<i32>} : memref<256xf32, #tpu.memory_space<vmem>>, vector<16xf32>,
      tpu.vector_store %arg15[%swap3A_168], %broadcast_in_dim3A_38 {strides = array<i32>} : memref<256xf32, #tpu.memory_space<vmem>>, vector<16xf32>,
      %broadcast_in_dim3A_170 = arith.constant 1073741824 : i32
      %broadcast_in_dim3A_171 = vector.broadcast %broadcast_in_dim3A_170 : i32 to vector<16xi32>
      %swap3A_172 = arith.constant 128 : index
      %swap3A_173 = tpu.vector_load %arg16[%swap3A_172] {strides = array<i32>} : memref<256xi32, #tpu.memory_space<vmem>>, vector<16xi32>,
      tpu.vector_store %arg16[%swap3A_172], %broadcast_in_dim3A_171 {strides = array<i32>} : memref<256xi32, #tpu.memory_space<vmem>>, vector<16xi32>,
      %broadcast_in_dim3A_174 = arith.constant 1073741824 : i32
      %broadcast_in_dim3A_175 = vector.broadcast %broadcast_in_dim3A_174 : i32 to vector<16xi32>
      %swap3A_176 = arith.constant 144 : index
      %swap3A_177 = tpu.vector_load %arg16[%swap3A_176] {strides = array<i32>} : memref<256xi32, #tpu.memory_space<vmem>>, vector<16xi32>,
      tpu.vector_store %arg16[%swap3A_176], %broadcast_in_dim3A_175 {strides = array<i32>} : memref<256xi32, #tpu.memory_space<vmem>>, vector<16xi32>,
      %add3A_178 = arith.constant 5 : i32
      %add3A_179 = arith.addi %add3A_88, %add3A_178 : i32
      %broadcast_in_dim3A_180 = vector.broadcast %add3A_179 : i32 to vector<16xi32>
      %gather3A_181 = tpu.vector_load_idx %arg12[%broadcast_in_dim3A_180] : memref<256xf32, #tpu.memory_space<vmem>>[vector<16xi32>], vector<16xf32>,
      %gather3A_182 = tpu.vector_load_idx %arg13[%broadcast_in_dim3A_180] : memref<256xf32, #tpu.memory_space<vmem>>[vector<16xi32>], vector<16xf32>,
      %gather3A_183 = tpu.vector_load_idx %arg14[%broadcast_in_dim3A_180] : memref<256xf32, #tpu.memory_space<vmem>>[vector<16xi32>], vector<16xf32>,
      %swap3A_184 = arith.constant 160 : index
      %swap3A_185 = tpu.vector_load %arg15[%swap3A_184] {strides = array<i32>} : memref<256xf32, #tpu.memory_space<vmem>>, vector<16xf32>,
      tpu.vector_store %arg15[%swap3A_184], %broadcast_in_dim3A_38 {strides = array<i32>} : memref<256xf32, #tpu.memory_space<vmem>>, vector<16xf32>,
      %swap3A_186 = arith.constant 176 : index
      %swap3A_187 = tpu.vector_load %arg15[%swap3A_186] {strides = array<i32>} : memref<256xf32, #tpu.memory_space<vmem>>, vector<16xf32>,
      tpu.vector_store %arg15[%swap3A_186], %broadcast_in_dim3A_38 {strides = array<i32>} : memref<256xf32, #tpu.memory_space<vmem>>, vector<16xf32>,
      %broadcast_in_dim3A_188 = arith.constant 1073741824 : i32
      %broadcast_in_dim3A_189 = vector.broadcast %broadcast_in_dim3A_188 : i32 to vector<16xi32>
      %swap3A_190 = arith.constant 160 : index
      %swap3A_191 = tpu.vector_load %arg16[%swap3A_190] {strides = array<i32>} : memref<256xi32, #tpu.memory_space<vmem>>, vector<16xi32>,
      tpu.vector_store %arg16[%swap3A_190], %broadcast_in_dim3A_189 {strides = array<i32>} : memref<256xi32, #tpu.memory_space<vmem>>, vector<16xi32>,
      %broadcast_in_dim3A_192 = arith.constant 1073741824 : i32
      %broadcast_in_dim3A_193 = vector.broadcast %broadcast_in_dim3A_192 : i32 to vector<16xi32>
      %swap3A_194 = arith.constant 176 : index
      %swap3A_195 = tpu.vector_load %arg16[%swap3A_194] {strides = array<i32>} : memref<256xi32, #tpu.memory_space<vmem>>, vector<16xi32>,
      tpu.vector_store %arg16[%swap3A_194], %broadcast_in_dim3A_193 {strides = array<i32>} : memref<256xi32, #tpu.memory_space<vmem>>, vector<16xi32>,
      %add3A_196 = arith.constant 6 : i32
      %add3A_197 = arith.addi %add3A_88, %add3A_196 : i32
      %broadcast_in_dim3A_198 = vector.broadcast %add3A_197 : i32 to vector<16xi32>
      %gather3A_199 = tpu.vector_load_idx %arg12[%broadcast_in_dim3A_198] : memref<256xf32, #tpu.memory_space<vmem>>[vector<16xi32>], vector<16xf32>,
      %gather3A_200 = tpu.vector_load_idx %arg13[%broadcast_in_dim3A_198] : memref<256xf32, #tpu.memory_space<vmem>>[vector<16xi32>], vector<16xf32>,
      %gather3A_201 = tpu.vector_load_idx %arg14[%broadcast_in_dim3A_198] : memref<256xf32, #tpu.memory_space<vmem>>[vector<16xi32>], vector<16xf32>,
      %swap3A_202 = arith.constant 192 : index
      %swap3A_203 = tpu.vector_load %arg15[%swap3A_202] {strides = array<i32>} : memref<256xf32, #tpu.memory_space<vmem>>, vector<16xf32>,
      tpu.vector_store %arg15[%swap3A_202], %broadcast_in_dim3A_38 {strides = array<i32>} : memref<256xf32, #tpu.memory_space<vmem>>, vector<16xf32>,
      %swap3A_204 = arith.constant 208 : index
      %swap3A_205 = tpu.vector_load %arg15[%swap3A_204] {strides = array<i32>} : memref<256xf32, #tpu.memory_space<vmem>>, vector<16xf32>,
      tpu.vector_store %arg15[%swap3A_204], %broadcast_in_dim3A_38 {strides = array<i32>} : memref<256xf32, #tpu.memory_space<vmem>>, vector<16xf32>,
      %broadcast_in_dim3A_206 = arith.constant 1073741824 : i32
      %broadcast_in_dim3A_207 = vector.broadcast %broadcast_in_dim3A_206 : i32 to vector<16xi32>
      %swap3A_208 = arith.constant 192 : index
      %swap3A_209 = tpu.vector_load %arg16[%swap3A_208] {strides = array<i32>} : memref<256xi32, #tpu.memory_space<vmem>>, vector<16xi32>,
      tpu.vector_store %arg16[%swap3A_208], %broadcast_in_dim3A_207 {strides = array<i32>} : memref<256xi32, #tpu.memory_space<vmem>>, vector<16xi32>,
      %broadcast_in_dim3A_210 = arith.constant 1073741824 : i32
      %broadcast_in_dim3A_211 = vector.broadcast %broadcast_in_dim3A_210 : i32 to vector<16xi32>
      %swap3A_212 = arith.constant 208 : index
      %swap3A_213 = tpu.vector_load %arg16[%swap3A_212] {strides = array<i32>} : memref<256xi32, #tpu.memory_space<vmem>>, vector<16xi32>,
      tpu.vector_store %arg16[%swap3A_212], %broadcast_in_dim3A_211 {strides = array<i32>} : memref<256xi32, #tpu.memory_space<vmem>>, vector<16xi32>,
      %add3A_214 = arith.constant 7 : i32
      %add3A_215 = arith.addi %add3A_88, %add3A_214 : i32
      %broadcast_in_dim3A_216 = vector.broadcast %add3A_215 : i32 to vector<16xi32>
      %gather3A_217 = tpu.vector_load_idx %arg12[%broadcast_in_dim3A_216] : memref<256xf32, #tpu.memory_space<vmem>>[vector<16xi32>], vector<16xf32>,
      %gather3A_218 = tpu.vector_load_idx %arg13[%broadcast_in_dim3A_216] : memref<256xf32, #tpu.memory_space<vmem>>[vector<16xi32>], vector<16xf32>,
      %gather3A_219 = tpu.vector_load_idx %arg14[%broadcast_in_dim3A_216] : memref<256xf32, #tpu.memory_space<vmem>>[vector<16xi32>], vector<16xf32>,
      %swap3A_220 = arith.constant 224 : index
      %swap3A_221 = tpu.vector_load %arg15[%swap3A_220] {strides = array<i32>} : memref<256xf32, #tpu.memory_space<vmem>>, vector<16xf32>,
      tpu.vector_store %arg15[%swap3A_220], %broadcast_in_dim3A_38 {strides = array<i32>} : memref<256xf32, #tpu.memory_space<vmem>>, vector<16xf32>,
      %swap3A_222 = arith.constant 240 : index
      %swap3A_223 = tpu.vector_load %arg15[%swap3A_222] {strides = array<i32>} : memref<256xf32, #tpu.memory_space<vmem>>, vector<16xf32>,
      tpu.vector_store %arg15[%swap3A_222], %broadcast_in_dim3A_38 {strides = array<i32>} : memref<256xf32, #tpu.memory_space<vmem>>, vector<16xf32>,
      %broadcast_in_dim3A_224 = arith.constant 1073741824 : i32
      %broadcast_in_dim3A_225 = vector.broadcast %broadcast_in_dim3A_224 : i32 to vector<16xi32>
      %swap3A_226 = arith.constant 224 : index
      %swap3A_227 = tpu.vector_load %arg16[%swap3A_226] {strides = array<i32>} : memref<256xi32, #tpu.memory_space<vmem>>, vector<16xi32>,
      tpu.vector_store %arg16[%swap3A_226], %broadcast_in_dim3A_225 {strides = array<i32>} : memref<256xi32, #tpu.memory_space<vmem>>, vector<16xi32>,
      %broadcast_in_dim3A_228 = arith.constant 1073741824 : i32
      %broadcast_in_dim3A_229 = vector.broadcast %broadcast_in_dim3A_228 : i32 to vector<16xi32>
      %swap3A_230 = arith.constant 240 : index
      %swap3A_231 = tpu.vector_load %arg16[%swap3A_230] {strides = array<i32>} : memref<256xi32, #tpu.memory_space<vmem>>, vector<16xi32>,
      tpu.vector_store %arg16[%swap3A_230], %broadcast_in_dim3A_229 {strides = array<i32>} : memref<256xi32, #tpu.memory_space<vmem>>, vector<16xi32>,
      %scan3A_232 = arith.constant 0 : i32
      %scan3A_233 = arith.constant 512 : i32
      %scan3A_234 = arith.addi %scan3A_232, %scan3A_233 : i32
      %scan3A_235 = arith.constant 1 : i32
      %scan3A_236:8 = scf.for %scan3A_621 = %scan3A_232 to %scan3A_234 step %scan3A_235 iter_args(%scan3A_622 = %broadcast_in_dim3A_38, %scan3A_623 = %broadcast_in_dim3A_38, %scan3A_624 = %broadcast_in_dim3A_38, %scan3A_625 = %broadcast_in_dim3A_38, %scan3A_626 = %broadcast_in_dim3A_38, %scan3A_627 = %broadcast_in_dim3A_38, %scan3A_628 = %broadcast_in_dim3A_38, %scan3A_629 = %broadcast_in_dim3A_38) -> (vector<16xf32>, vector<16xf32>, vector<16xf32>, vector<16xf32>, vector<16xf32>, vector<16xf32>, vector<16xf32>, vector<16xf32>)  : i32 {
        %mul3A_630 = arith.constant 16 : i32
        %mul3A_631 = arith.muli %scan3A_621, %mul3A_630 : i32
        %get3A_632 = arith.index_cast %mul3A_631 : i32 to index
        %get3A_633 = tpu.vector_load %arg8[%get3A_632] {strides = array<i32>} : memref<8192xf32, #tpu.memory_space<vmem>>, vector<16xf32>,
        %get3A_634 = arith.index_cast %mul3A_631 : i32 to index
        %get3A_635 = tpu.vector_load %arg9[%get3A_634] {strides = array<i32>} : memref<8192xf32, #tpu.memory_space<vmem>>, vector<16xf32>,
        %get3A_636 = arith.index_cast %mul3A_631 : i32 to index
        %get3A_637 = tpu.vector_load %arg10[%get3A_636] {strides = array<i32>} : memref<8192xf32, #tpu.memory_space<vmem>>, vector<16xf32>,
        %sub3A_638 = arith.subf %get3A_633, %gather3A : vector<16xf32>
        %sub3A_639 = arith.subf %get3A_635, %gather3A_92 : vector<16xf32>
        %sub3A_640 = arith.subf %get3A_637, %gather3A_93 : vector<16xf32>
        %mul3A_641 = arith.mulf %sub3A_638, %sub3A_638 : vector<16xf32>
        %mul3A_642 = arith.mulf %sub3A_639, %sub3A_639 : vector<16xf32>
        %add3A_643 = arith.addf %mul3A_641, %mul3A_642 : vector<16xf32>
        %mul3A_644 = arith.mulf %sub3A_640, %sub3A_640 : vector<16xf32>
        %add3A_645 = arith.addf %add3A_643, %mul3A_644 : vector<16xf32>
        %lt3A_646 = arith.cmpf olt, %add3A_645, %scan3A_622 : vector<16xf32>
        %sub3A_647 = arith.subf %get3A_633, %gather3A_109 : vector<16xf32>
        %sub3A_648 = arith.subf %get3A_635, %gather3A_110 : vector<16xf32>
        %sub3A_649 = arith.subf %get3A_637, %gather3A_111 : vector<16xf32>
        %mul3A_650 = arith.mulf %sub3A_647, %sub3A_647 : vector<16xf32>
        %mul3A_651 = arith.mulf %sub3A_648, %sub3A_648 : vector<16xf32>
        %add3A_652 = arith.addf %mul3A_650, %mul3A_651 : vector<16xf32>
        %mul3A_653 = arith.mulf %sub3A_649, %sub3A_649 : vector<16xf32>
        %add3A_654 = arith.addf %add3A_652, %mul3A_653 : vector<16xf32>
        %lt3A_655 = arith.cmpf olt, %add3A_654, %scan3A_623 : vector<16xf32>
        %sub3A_656 = arith.subf %get3A_633, %gather3A_127 : vector<16xf32>
        %sub3A_657 = arith.subf %get3A_635, %gather3A_128 : vector<16xf32>
        %sub3A_658 = arith.subf %get3A_637, %gather3A_129 : vector<16xf32>
        %mul3A_659 = arith.mulf %sub3A_656, %sub3A_656 : vector<16xf32>
        %mul3A_660 = arith.mulf %sub3A_657, %sub3A_657 : vector<16xf32>
        %add3A_661 = arith.addf %mul3A_659, %mul3A_660 : vector<16xf32>
        %mul3A_662 = arith.mulf %sub3A_658, %sub3A_658 : vector<16xf32>
        %add3A_663 = arith.addf %add3A_661, %mul3A_662 : vector<16xf32>
        %lt3A_664 = arith.cmpf olt, %add3A_663, %scan3A_624 : vector<16xf32>
        %sub3A_665 = arith.subf %get3A_633, %gather3A_145 : vector<16xf32>
        %sub3A_666 = arith.subf %get3A_635, %gather3A_146 : vector<16xf32>
        %sub3A_667 = arith.subf %get3A_637, %gather3A_147 : vector<16xf32>
        %mul3A_668 = arith.mulf %sub3A_665, %sub3A_665 : vector<16xf32>
        %mul3A_669 = arith.mulf %sub3A_666, %sub3A_666 : vector<16xf32>
        %add3A_670 = arith.addf %mul3A_668, %mul3A_669 : vector<16xf32>
        %mul3A_671 = arith.mulf %sub3A_667, %sub3A_667 : vector<16xf32>
        %add3A_672 = arith.addf %add3A_670, %mul3A_671 : vector<16xf32>
        %lt3A_673 = arith.cmpf olt, %add3A_672, %scan3A_625 : vector<16xf32>
        %sub3A_674 = arith.subf %get3A_633, %gather3A_163 : vector<16xf32>
        %sub3A_675 = arith.subf %get3A_635, %gather3A_164 : vector<16xf32>
        %sub3A_676 = arith.subf %get3A_637, %gather3A_165 : vector<16xf32>
        %mul3A_677 = arith.mulf %sub3A_674, %sub3A_674 : vector<16xf32>
        %mul3A_678 = arith.mulf %sub3A_675, %sub3A_675 : vector<16xf32>
        %add3A_679 = arith.addf %mul3A_677, %mul3A_678 : vector<16xf32>
        %mul3A_680 = arith.mulf %sub3A_676, %sub3A_676 : vector<16xf32>
        %add3A_681 = arith.addf %add3A_679, %mul3A_680 : vector<16xf32>
        %lt3A_682 = arith.cmpf olt, %add3A_681, %scan3A_626 : vector<16xf32>
        %sub3A_683 = arith.subf %get3A_633, %gather3A_181 : vector<16xf32>
        %sub3A_684 = arith.subf %get3A_635, %gather3A_182 : vector<16xf32>
        %sub3A_685 = arith.subf %get3A_637, %gather3A_183 : vector<16xf32>
        %mul3A_686 = arith.mulf %sub3A_683, %sub3A_683 : vector<16xf32>
        %mul3A_687 = arith.mulf %sub3A_684, %sub3A_684 : vector<16xf32>
        %add3A_688 = arith.addf %mul3A_686, %mul3A_687 : vector<16xf32>
        %mul3A_689 = arith.mulf %sub3A_685, %sub3A_685 : vector<16xf32>
        %add3A_690 = arith.addf %add3A_688, %mul3A_689 : vector<16xf32>
        %lt3A_691 = arith.cmpf olt, %add3A_690, %scan3A_627 : vector<16xf32>
        %sub3A_692 = arith.subf %get3A_633, %gather3A_199 : vector<16xf32>
        %sub3A_693 = arith.subf %get3A_635, %gather3A_200 : vector<16xf32>
        %sub3A_694 = arith.subf %get3A_637, %gather3A_201 : vector<16xf32>
        %mul3A_695 = arith.mulf %sub3A_692, %sub3A_692 : vector<16xf32>
        %mul3A_696 = arith.mulf %sub3A_693, %sub3A_693 : vector<16xf32>
        %add3A_697 = arith.addf %mul3A_695, %mul3A_696 : vector<16xf32>
        %mul3A_698 = arith.mulf %sub3A_694, %sub3A_694 : vector<16xf32>
        %add3A_699 = arith.addf %add3A_697, %mul3A_698 : vector<16xf32>
        %lt3A_700 = arith.cmpf olt, %add3A_699, %scan3A_628 : vector<16xf32>
        %sub3A_701 = arith.subf %get3A_633, %gather3A_217 : vector<16xf32>
        %sub3A_702 = arith.subf %get3A_635, %gather3A_218 : vector<16xf32>
        %sub3A_703 = arith.subf %get3A_637, %gather3A_219 : vector<16xf32>
        %mul3A_704 = arith.mulf %sub3A_701, %sub3A_701 : vector<16xf32>
        %mul3A_705 = arith.mulf %sub3A_702, %sub3A_702 : vector<16xf32>
        %add3A_706 = arith.addf %mul3A_704, %mul3A_705 : vector<16xf32>
        %mul3A_707 = arith.mulf %sub3A_703, %sub3A_703 : vector<16xf32>
        %add3A_708 = arith.addf %add3A_706, %mul3A_707 : vector<16xf32>
        %lt3A_709 = arith.cmpf olt, %add3A_708, %scan3A_629 : vector<16xf32>
        %or3A = arith.ori %lt3A_646, %lt3A_655 : vector<16xi1>
        %or3A_710 = arith.ori %lt3A_664, %lt3A_673 : vector<16xi1>
        %or3A_711 = arith.ori %or3A, %or3A_710 : vector<16xi1>
        %or3A_712 = arith.ori %lt3A_682, %lt3A_691 : vector<16xi1>
        %or3A_713 = arith.ori %lt3A_700, %lt3A_709 : vector<16xi1>
        %or3A_714 = arith.ori %or3A_712, %or3A_713 : vector<16xi1>
        %or3A_715 = arith.ori %or3A_711, %or3A_714 : vector<16xi1>
        %reduce_or3A = arith.constant 1.000000e+00 : f32
        %reduce_or3A_716 = arith.constant 0.000000e+00 : f32
        %reduce_or3A_717 = vector.broadcast %reduce_or3A : f32 to vector<16xf32>
        %reduce_or3A_718 = vector.broadcast %reduce_or3A_716 : f32 to vector<16xf32>
        %reduce_or3A_719 = arith.select %or3A_715, %reduce_or3A_717, %reduce_or3A_718 : vector<16xi1>, vector<16xf32>
        %reduce_or3A_720 = arith.constant true
        %reduce_or3A_721 = vector.broadcast %reduce_or3A_720 : i1 to vector<16xi1>
        %reduce_or3A_722 = tpu.scan <max>, %reduce_or3A_719 masked %reduce_or3A_721 : vector<16xf32>, vector<16xi1> -> vector<16xf32>
        %reduce_or3A_723 = vector.extract %reduce_or3A_722[15] : f32 from vector<16xf32>
        %reduce_or3A_724 = arith.constant 0.000000e+00 : f32
        %reduce_or3A_725 = arith.cmpf ogt, %reduce_or3A_723, %reduce_or3A_724 : f32
        %convert_element_type3A_726 = arith.extui %reduce_or3A_725 : i1 to i32
        %cond3A_727 = arith.constant 0 : i32
        %cond3A_728 = arith.cmpi ne, %convert_element_type3A_726, %cond3A_727 : i32
        %cond3A_729:8 = scf.if %cond3A_728 -> (vector<16xf32>, vector<16xf32>, vector<16xf32>, vector<16xf32>, vector<16xf32>, vector<16xf32>, vector<16xf32>, vector<16xf32>) {
          %reduce_or3A_730 = arith.constant 1.000000e+00 : f32
          %reduce_or3A_731 = arith.constant 0.000000e+00 : f32
          %reduce_or3A_732 = vector.broadcast %reduce_or3A_730 : f32 to vector<16xf32>
          %reduce_or3A_733 = vector.broadcast %reduce_or3A_731 : f32 to vector<16xf32>
          %reduce_or3A_734 = arith.select %lt3A_646, %reduce_or3A_732, %reduce_or3A_733 : vector<16xi1>, vector<16xf32>
          %reduce_or3A_735 = arith.constant true
          %reduce_or3A_736 = vector.broadcast %reduce_or3A_735 : i1 to vector<16xi1>
          %reduce_or3A_737 = tpu.scan <max>, %reduce_or3A_734 masked %reduce_or3A_736 : vector<16xf32>, vector<16xi1> -> vector<16xf32>
          %reduce_or3A_738 = vector.extract %reduce_or3A_737[15] : f32 from vector<16xf32>
          %reduce_or3A_739 = arith.constant 0.000000e+00 : f32
          %reduce_or3A_740 = arith.cmpf ogt, %reduce_or3A_738, %reduce_or3A_739 : f32
          %convert_element_type3A_741 = arith.extui %reduce_or3A_740 : i1 to i32
          %cond3A_742 = arith.constant 0 : i32
          %cond3A_743 = arith.cmpi ne, %convert_element_type3A_741, %cond3A_742 : i32
          %cond3A_744 = scf.if %cond3A_743 -> (vector<16xf32>) {
            %swap3A_850 = arith.constant 0 : index
            %swap3A_851 = tpu.vector_load %arg20[%swap3A_850] {strides = array<i32>} : memref<16xf32, #tpu.memory_space<vmem>>, vector<16xf32>,
            tpu.vector_store %arg20[%swap3A_850], %add3A_645 {strides = array<i32>} : memref<16xf32, #tpu.memory_space<vmem>>, vector<16xf32>,
            %broadcast_in_dim3A_852 = vector.broadcast %mul3A_631 : i32 to vector<16xi32>
            %while3A = scf.while (%while3A_859 = %lt3A_646) : (vector<16xi1>) -> vector<16xi1> {
              %reduce_or3A_860 = arith.constant 1.000000e+00 : f32
              %reduce_or3A_861 = arith.constant 0.000000e+00 : f32
              %reduce_or3A_862 = vector.broadcast %reduce_or3A_860 : f32 to vector<16xf32>
              %reduce_or3A_863 = vector.broadcast %reduce_or3A_861 : f32 to vector<16xf32>
              %reduce_or3A_864 = arith.select %while3A_859, %reduce_or3A_862, %reduce_or3A_863 : vector<16xi1>, vector<16xf32>
              %reduce_or3A_865 = arith.constant true
              %reduce_or3A_866 = vector.broadcast %reduce_or3A_865 : i1 to vector<16xi1>
              %reduce_or3A_867 = tpu.scan <max>, %reduce_or3A_864 masked %reduce_or3A_866 : vector<16xf32>, vector<16xi1> -> vector<16xf32>
              %reduce_or3A_868 = vector.extract %reduce_or3A_867[15] : f32 from vector<16xf32>
              %reduce_or3A_869 = arith.constant 0.000000e+00 : f32
              %reduce_or3A_870 = arith.cmpf ogt, %reduce_or3A_868, %reduce_or3A_869 : f32
              scf.condition(%reduce_or3A_870) %while3A_859 : vector<16xi1>
            } do {
            ^bb0(%while3A_859: vector<16xi1>):
              %all_reduce_ffs3A = tpu.all_reduce %while3A_859 {dim = 0 : i64, kind = #tpu.reduction_kind<find_first_set>} : vector<16xi1> -> vector<16xi32>
              %gather3A_860 = tpu.vector_load_idx %arg20[%all_reduce_ffs3A] : memref<16xf32, #tpu.memory_space<vmem>>[vector<16xi32>], vector<16xf32>,
              %add3A_861 = arith.addi %broadcast_in_dim3A_852, %all_reduce_ffs3A : vector<16xi32>
              %get3A_862 = arith.constant 0 : index
              %get3A_863 = tpu.vector_load %arg15[%get3A_862] {strides = array<i32>} : memref<256xf32, #tpu.memory_space<vmem>>, vector<16xf32>,
              %get3A_864 = arith.constant 16 : index
              %get3A_865 = tpu.vector_load %arg15[%get3A_864] {strides = array<i32>} : memref<256xf32, #tpu.memory_space<vmem>>, vector<16xf32>,
              %get3A_866 = arith.constant 0 : index
              %get3A_867 = tpu.vector_load %arg16[%get3A_866] {strides = array<i32>} : memref<256xi32, #tpu.memory_space<vmem>>, vector<16xi32>,
              %get3A_868 = arith.constant 16 : index
              %get3A_869 = tpu.vector_load %arg16[%get3A_868] {strides = array<i32>} : memref<256xi32, #tpu.memory_space<vmem>>, vector<16xi32>,
              %le3A = arith.cmpf ole, %get3A_863, %gather3A_860 : vector<16xf32>
              %all_reduce_population_count3A = tpu.all_reduce %le3A {dim = 0 : i64, kind = #tpu.reduction_kind<sum>} : vector<16xi1> -> vector<16xi32>
              %le3A_870 = arith.cmpf ole, %get3A_865, %gather3A_860 : vector<16xf32>
              %all_reduce_population_count3A_871 = tpu.all_reduce %le3A_870 {dim = 0 : i64, kind = #tpu.reduction_kind<sum>} : vector<16xi1> -> vector<16xi32>
              %add3A_872 = arith.addi %all_reduce_population_count3A, %all_reduce_population_count3A_871 : vector<16xi32>
              %ge3A = arith.cmpi sge, %iota3A, %add3A_872 : vector<16xi32>
              %jit3A_873 = arith.constant 1 : i32
              %jit3A_874 = arith.constant 0 : i32
              %broadcast_in_dim3A_875 = vector.broadcast %jit3A_873 : i32 to vector<16xi32>
              %broadcast_in_dim3A_876 = vector.broadcast %jit3A_874 : i32 to vector<16xi32>
              %select_n3A_877 = arith.select %ge3A, %broadcast_in_dim3A_875, %broadcast_in_dim3A_876 : vector<16xi1>, vector<16xi32>
              %add3A_878 = arith.addi %iota3A, %select_n3A_877 : vector<16xi32>
              %add3A_879 = arith.constant 16 : i32
              %add3A_880 = vector.broadcast %add3A_879 : i32 to vector<16xi32>
              %add3A_881 = arith.addi %iota3A, %add3A_880 : vector<16xi32>
              %ge3A_882 = arith.cmpi sge, %add3A_881, %add3A_872 : vector<16xi32>
              %jit3A_883 = arith.constant 1 : i32
              %jit3A_884 = arith.constant 0 : i32
              %broadcast_in_dim3A_885 = vector.broadcast %jit3A_883 : i32 to vector<16xi32>
              %broadcast_in_dim3A_886 = vector.broadcast %jit3A_884 : i32 to vector<16xi32>
              %select_n3A_887 = arith.select %ge3A_882, %broadcast_in_dim3A_885, %broadcast_in_dim3A_886 : vector<16xi1>, vector<16xi32>
              %add3A_888 = arith.addi %add3A_881, %select_n3A_887 : vector<16xi32>
              %lt3A_889 = arith.constant 32 : i32
              %lt3A_890 = vector.broadcast %lt3A_889 : i32 to vector<16xi32>
              %lt3A_891 = arith.cmpi slt, %add3A_888, %lt3A_890 : vector<16xi32>
              %broadcast_in_dim3A_892 = arith.constant 0 : i32
              %broadcast_in_dim3A_893 = vector.broadcast %broadcast_in_dim3A_892 : i32 to vector<16xi32>
              %add3A_894 = arith.addi %broadcast_in_dim3A_893, %add3A_878 : vector<16xi32>
              tpu.vector_store_idx %arg15[%add3A_894], %get3A_863 : memref<256xf32, #tpu.memory_space<vmem>>[vector<16xi32>], vector<16xf32>,
              %add3A_895 = arith.addi %broadcast_in_dim3A_893, %add3A_878 : vector<16xi32>
              tpu.vector_store_idx %arg16[%add3A_895], %get3A_867 : memref<256xi32, #tpu.memory_space<vmem>>[vector<16xi32>], vector<16xi32>,
              %add3A_896 = arith.addi %broadcast_in_dim3A_893, %add3A_888 : vector<16xi32>
              tpu.vector_store_idx %arg15[%add3A_896], %get3A_865 masked %lt3A_891 : memref<256xf32, #tpu.memory_space<vmem>>[vector<16xi32>], vector<16xf32>, vector<16xi1>
              %add3A_897 = arith.addi %broadcast_in_dim3A_893, %add3A_888 : vector<16xi32>
              tpu.vector_store_idx %arg16[%add3A_897], %get3A_869 masked %lt3A_891 : memref<256xi32, #tpu.memory_space<vmem>>[vector<16xi32>], vector<16xi32>, vector<16xi1>
              %lt3A_898 = arith.constant 32 : i32
              %lt3A_899 = vector.broadcast %lt3A_898 : i32 to vector<16xi32>
              %lt3A_900 = arith.cmpi slt, %add3A_872, %lt3A_899 : vector<16xi32>
              %and3A_901 = arith.andi %eq3A_37, %lt3A_900 : vector<16xi1>
              %add3A_902 = arith.addi %broadcast_in_dim3A_893, %add3A_872 : vector<16xi32>
              tpu.vector_store_idx %arg15[%add3A_902], %gather3A_860 masked %and3A_901 : memref<256xf32, #tpu.memory_space<vmem>>[vector<16xi32>], vector<16xf32>, vector<16xi1>
              %add3A_903 = arith.addi %broadcast_in_dim3A_893, %add3A_872 : vector<16xi32>
              tpu.vector_store_idx %arg16[%add3A_903], %add3A_861 masked %and3A_901 : memref<256xi32, #tpu.memory_space<vmem>>[vector<16xi32>], vector<16xi32>, vector<16xi1>
              %ne3A_904 = arith.cmpi ne, %iota3A, %all_reduce_ffs3A : vector<16xi32>
              %and3A_905 = arith.andi %while3A_859, %ne3A_904 : vector<16xi1>
              scf.yield %and3A_905 : vector<16xi1>
            }
            %get3A_853 = arith.constant 16 : index
            %get3A_854 = tpu.vector_load %arg15[%get3A_853] {strides = array<i32>} : memref<256xf32, #tpu.memory_space<vmem>>, vector<16xf32>,
            %reduce_max3A = arith.constant true
            %reduce_max3A_855 = vector.broadcast %reduce_max3A : i1 to vector<16xi1>
            %reduce_max3A_856 = tpu.scan <max>, %get3A_854 masked %reduce_max3A_855 : vector<16xf32>, vector<16xi1> -> vector<16xf32>
            %reduce_max3A_857 = vector.extract %reduce_max3A_856[15] : f32 from vector<16xf32>
            %broadcast_in_dim3A_858 = vector.broadcast %reduce_max3A_857 : f32 to vector<16xf32>
            scf.yield %broadcast_in_dim3A_858 : vector<16xf32>
          } else {
            scf.yield %scan3A_622 : vector<16xf32>
          }
          %reduce_or3A_745 = arith.constant 1.000000e+00 : f32
          %reduce_or3A_746 = arith.constant 0.000000e+00 : f32
          %reduce_or3A_747 = vector.broadcast %reduce_or3A_745 : f32 to vector<16xf32>
          %reduce_or3A_748 = vector.broadcast %reduce_or3A_746 : f32 to vector<16xf32>
          %reduce_or3A_749 = arith.select %lt3A_655, %reduce_or3A_747, %reduce_or3A_748 : vector<16xi1>, vector<16xf32>
          %reduce_or3A_750 = arith.constant true
          %reduce_or3A_751 = vector.broadcast %reduce_or3A_750 : i1 to vector<16xi1>
          %reduce_or3A_752 = tpu.scan <max>, %reduce_or3A_749 masked %reduce_or3A_751 : vector<16xf32>, vector<16xi1> -> vector<16xf32>
          %reduce_or3A_753 = vector.extract %reduce_or3A_752[15] : f32 from vector<16xf32>
          %reduce_or3A_754 = arith.constant 0.000000e+00 : f32
          %reduce_or3A_755 = arith.cmpf ogt, %reduce_or3A_753, %reduce_or3A_754 : f32
          %convert_element_type3A_756 = arith.extui %reduce_or3A_755 : i1 to i32
          %cond3A_757 = arith.constant 0 : i32
          %cond3A_758 = arith.cmpi ne, %convert_element_type3A_756, %cond3A_757 : i32
          %cond3A_759 = scf.if %cond3A_758 -> (vector<16xf32>) {
            %swap3A_850 = arith.constant 0 : index
            %swap3A_851 = tpu.vector_load %arg20[%swap3A_850] {strides = array<i32>} : memref<16xf32, #tpu.memory_space<vmem>>, vector<16xf32>,
            tpu.vector_store %arg20[%swap3A_850], %add3A_654 {strides = array<i32>} : memref<16xf32, #tpu.memory_space<vmem>>, vector<16xf32>,
            %broadcast_in_dim3A_852 = vector.broadcast %mul3A_631 : i32 to vector<16xi32>
            %while3A = scf.while (%while3A_859 = %lt3A_655) : (vector<16xi1>) -> vector<16xi1> {
              %reduce_or3A_860 = arith.constant 1.000000e+00 : f32
              %reduce_or3A_861 = arith.constant 0.000000e+00 : f32
              %reduce_or3A_862 = vector.broadcast %reduce_or3A_860 : f32 to vector<16xf32>
              %reduce_or3A_863 = vector.broadcast %reduce_or3A_861 : f32 to vector<16xf32>
              %reduce_or3A_864 = arith.select %while3A_859, %reduce_or3A_862, %reduce_or3A_863 : vector<16xi1>, vector<16xf32>
              %reduce_or3A_865 = arith.constant true
              %reduce_or3A_866 = vector.broadcast %reduce_or3A_865 : i1 to vector<16xi1>
              %reduce_or3A_867 = tpu.scan <max>, %reduce_or3A_864 masked %reduce_or3A_866 : vector<16xf32>, vector<16xi1> -> vector<16xf32>
              %reduce_or3A_868 = vector.extract %reduce_or3A_867[15] : f32 from vector<16xf32>
              %reduce_or3A_869 = arith.constant 0.000000e+00 : f32
              %reduce_or3A_870 = arith.cmpf ogt, %reduce_or3A_868, %reduce_or3A_869 : f32
              scf.condition(%reduce_or3A_870) %while3A_859 : vector<16xi1>
            } do {
            ^bb0(%while3A_859: vector<16xi1>):
              %all_reduce_ffs3A = tpu.all_reduce %while3A_859 {dim = 0 : i64, kind = #tpu.reduction_kind<find_first_set>} : vector<16xi1> -> vector<16xi32>
              %gather3A_860 = tpu.vector_load_idx %arg20[%all_reduce_ffs3A] : memref<16xf32, #tpu.memory_space<vmem>>[vector<16xi32>], vector<16xf32>,
              %add3A_861 = arith.addi %broadcast_in_dim3A_852, %all_reduce_ffs3A : vector<16xi32>
              %get3A_862 = arith.constant 32 : index
              %get3A_863 = tpu.vector_load %arg15[%get3A_862] {strides = array<i32>} : memref<256xf32, #tpu.memory_space<vmem>>, vector<16xf32>,
              %get3A_864 = arith.constant 48 : index
              %get3A_865 = tpu.vector_load %arg15[%get3A_864] {strides = array<i32>} : memref<256xf32, #tpu.memory_space<vmem>>, vector<16xf32>,
              %get3A_866 = arith.constant 32 : index
              %get3A_867 = tpu.vector_load %arg16[%get3A_866] {strides = array<i32>} : memref<256xi32, #tpu.memory_space<vmem>>, vector<16xi32>,
              %get3A_868 = arith.constant 48 : index
              %get3A_869 = tpu.vector_load %arg16[%get3A_868] {strides = array<i32>} : memref<256xi32, #tpu.memory_space<vmem>>, vector<16xi32>,
              %le3A = arith.cmpf ole, %get3A_863, %gather3A_860 : vector<16xf32>
              %all_reduce_population_count3A = tpu.all_reduce %le3A {dim = 0 : i64, kind = #tpu.reduction_kind<sum>} : vector<16xi1> -> vector<16xi32>
              %le3A_870 = arith.cmpf ole, %get3A_865, %gather3A_860 : vector<16xf32>
              %all_reduce_population_count3A_871 = tpu.all_reduce %le3A_870 {dim = 0 : i64, kind = #tpu.reduction_kind<sum>} : vector<16xi1> -> vector<16xi32>
              %add3A_872 = arith.addi %all_reduce_population_count3A, %all_reduce_population_count3A_871 : vector<16xi32>
              %ge3A = arith.cmpi sge, %iota3A, %add3A_872 : vector<16xi32>
              %jit3A_873 = arith.constant 1 : i32
              %jit3A_874 = arith.constant 0 : i32
              %broadcast_in_dim3A_875 = vector.broadcast %jit3A_873 : i32 to vector<16xi32>
              %broadcast_in_dim3A_876 = vector.broadcast %jit3A_874 : i32 to vector<16xi32>
              %select_n3A_877 = arith.select %ge3A, %broadcast_in_dim3A_875, %broadcast_in_dim3A_876 : vector<16xi1>, vector<16xi32>
              %add3A_878 = arith.addi %iota3A, %select_n3A_877 : vector<16xi32>
              %add3A_879 = arith.constant 16 : i32
              %add3A_880 = vector.broadcast %add3A_879 : i32 to vector<16xi32>
              %add3A_881 = arith.addi %iota3A, %add3A_880 : vector<16xi32>
              %ge3A_882 = arith.cmpi sge, %add3A_881, %add3A_872 : vector<16xi32>
              %jit3A_883 = arith.constant 1 : i32
              %jit3A_884 = arith.constant 0 : i32
              %broadcast_in_dim3A_885 = vector.broadcast %jit3A_883 : i32 to vector<16xi32>
              %broadcast_in_dim3A_886 = vector.broadcast %jit3A_884 : i32 to vector<16xi32>
              %select_n3A_887 = arith.select %ge3A_882, %broadcast_in_dim3A_885, %broadcast_in_dim3A_886 : vector<16xi1>, vector<16xi32>
              %add3A_888 = arith.addi %add3A_881, %select_n3A_887 : vector<16xi32>
              %lt3A_889 = arith.constant 32 : i32
              %lt3A_890 = vector.broadcast %lt3A_889 : i32 to vector<16xi32>
              %lt3A_891 = arith.cmpi slt, %add3A_888, %lt3A_890 : vector<16xi32>
              %broadcast_in_dim3A_892 = arith.constant 32 : i32
              %broadcast_in_dim3A_893 = vector.broadcast %broadcast_in_dim3A_892 : i32 to vector<16xi32>
              %add3A_894 = arith.addi %broadcast_in_dim3A_893, %add3A_878 : vector<16xi32>
              tpu.vector_store_idx %arg15[%add3A_894], %get3A_863 : memref<256xf32, #tpu.memory_space<vmem>>[vector<16xi32>], vector<16xf32>,
              %add3A_895 = arith.addi %broadcast_in_dim3A_893, %add3A_878 : vector<16xi32>
              tpu.vector_store_idx %arg16[%add3A_895], %get3A_867 : memref<256xi32, #tpu.memory_space<vmem>>[vector<16xi32>], vector<16xi32>,
              %add3A_896 = arith.addi %broadcast_in_dim3A_893, %add3A_888 : vector<16xi32>
              tpu.vector_store_idx %arg15[%add3A_896], %get3A_865 masked %lt3A_891 : memref<256xf32, #tpu.memory_space<vmem>>[vector<16xi32>], vector<16xf32>, vector<16xi1>
              %add3A_897 = arith.addi %broadcast_in_dim3A_893, %add3A_888 : vector<16xi32>
              tpu.vector_store_idx %arg16[%add3A_897], %get3A_869 masked %lt3A_891 : memref<256xi32, #tpu.memory_space<vmem>>[vector<16xi32>], vector<16xi32>, vector<16xi1>
              %lt3A_898 = arith.constant 32 : i32
              %lt3A_899 = vector.broadcast %lt3A_898 : i32 to vector<16xi32>
              %lt3A_900 = arith.cmpi slt, %add3A_872, %lt3A_899 : vector<16xi32>
              %and3A_901 = arith.andi %eq3A_37, %lt3A_900 : vector<16xi1>
              %add3A_902 = arith.addi %broadcast_in_dim3A_893, %add3A_872 : vector<16xi32>
              tpu.vector_store_idx %arg15[%add3A_902], %gather3A_860 masked %and3A_901 : memref<256xf32, #tpu.memory_space<vmem>>[vector<16xi32>], vector<16xf32>, vector<16xi1>
              %add3A_903 = arith.addi %broadcast_in_dim3A_893, %add3A_872 : vector<16xi32>
              tpu.vector_store_idx %arg16[%add3A_903], %add3A_861 masked %and3A_901 : memref<256xi32, #tpu.memory_space<vmem>>[vector<16xi32>], vector<16xi32>, vector<16xi1>
              %ne3A_904 = arith.cmpi ne, %iota3A, %all_reduce_ffs3A : vector<16xi32>
              %and3A_905 = arith.andi %while3A_859, %ne3A_904 : vector<16xi1>
              scf.yield %and3A_905 : vector<16xi1>
            }
            %get3A_853 = arith.constant 48 : index
            %get3A_854 = tpu.vector_load %arg15[%get3A_853] {strides = array<i32>} : memref<256xf32, #tpu.memory_space<vmem>>, vector<16xf32>,
            %reduce_max3A = arith.constant true
            %reduce_max3A_855 = vector.broadcast %reduce_max3A : i1 to vector<16xi1>
            %reduce_max3A_856 = tpu.scan <max>, %get3A_854 masked %reduce_max3A_855 : vector<16xf32>, vector<16xi1> -> vector<16xf32>
            %reduce_max3A_857 = vector.extract %reduce_max3A_856[15] : f32 from vector<16xf32>
            %broadcast_in_dim3A_858 = vector.broadcast %reduce_max3A_857 : f32 to vector<16xf32>
            scf.yield %broadcast_in_dim3A_858 : vector<16xf32>
          } else {
            scf.yield %scan3A_623 : vector<16xf32>
          }
          %reduce_or3A_760 = arith.constant 1.000000e+00 : f32
          %reduce_or3A_761 = arith.constant 0.000000e+00 : f32
          %reduce_or3A_762 = vector.broadcast %reduce_or3A_760 : f32 to vector<16xf32>
          %reduce_or3A_763 = vector.broadcast %reduce_or3A_761 : f32 to vector<16xf32>
          %reduce_or3A_764 = arith.select %lt3A_664, %reduce_or3A_762, %reduce_or3A_763 : vector<16xi1>, vector<16xf32>
          %reduce_or3A_765 = arith.constant true
          %reduce_or3A_766 = vector.broadcast %reduce_or3A_765 : i1 to vector<16xi1>
          %reduce_or3A_767 = tpu.scan <max>, %reduce_or3A_764 masked %reduce_or3A_766 : vector<16xf32>, vector<16xi1> -> vector<16xf32>
          %reduce_or3A_768 = vector.extract %reduce_or3A_767[15] : f32 from vector<16xf32>
          %reduce_or3A_769 = arith.constant 0.000000e+00 : f32
          %reduce_or3A_770 = arith.cmpf ogt, %reduce_or3A_768, %reduce_or3A_769 : f32
          %convert_element_type3A_771 = arith.extui %reduce_or3A_770 : i1 to i32
          %cond3A_772 = arith.constant 0 : i32
          %cond3A_773 = arith.cmpi ne, %convert_element_type3A_771, %cond3A_772 : i32
          %cond3A_774 = scf.if %cond3A_773 -> (vector<16xf32>) {
            %swap3A_850 = arith.constant 0 : index
            %swap3A_851 = tpu.vector_load %arg20[%swap3A_850] {strides = array<i32>} : memref<16xf32, #tpu.memory_space<vmem>>, vector<16xf32>,
            tpu.vector_store %arg20[%swap3A_850], %add3A_663 {strides = array<i32>} : memref<16xf32, #tpu.memory_space<vmem>>, vector<16xf32>,
            %broadcast_in_dim3A_852 = vector.broadcast %mul3A_631 : i32 to vector<16xi32>
            %while3A = scf.while (%while3A_859 = %lt3A_664) : (vector<16xi1>) -> vector<16xi1> {
              %reduce_or3A_860 = arith.constant 1.000000e+00 : f32
              %reduce_or3A_861 = arith.constant 0.000000e+00 : f32
              %reduce_or3A_862 = vector.broadcast %reduce_or3A_860 : f32 to vector<16xf32>
              %reduce_or3A_863 = vector.broadcast %reduce_or3A_861 : f32 to vector<16xf32>
              %reduce_or3A_864 = arith.select %while3A_859, %reduce_or3A_862, %reduce_or3A_863 : vector<16xi1>, vector<16xf32>
              %reduce_or3A_865 = arith.constant true
              %reduce_or3A_866 = vector.broadcast %reduce_or3A_865 : i1 to vector<16xi1>
              %reduce_or3A_867 = tpu.scan <max>, %reduce_or3A_864 masked %reduce_or3A_866 : vector<16xf32>, vector<16xi1> -> vector<16xf32>
              %reduce_or3A_868 = vector.extract %reduce_or3A_867[15] : f32 from vector<16xf32>
              %reduce_or3A_869 = arith.constant 0.000000e+00 : f32
              %reduce_or3A_870 = arith.cmpf ogt, %reduce_or3A_868, %reduce_or3A_869 : f32
              scf.condition(%reduce_or3A_870) %while3A_859 : vector<16xi1>
            } do {
            ^bb0(%while3A_859: vector<16xi1>):
              %all_reduce_ffs3A = tpu.all_reduce %while3A_859 {dim = 0 : i64, kind = #tpu.reduction_kind<find_first_set>} : vector<16xi1> -> vector<16xi32>
              %gather3A_860 = tpu.vector_load_idx %arg20[%all_reduce_ffs3A] : memref<16xf32, #tpu.memory_space<vmem>>[vector<16xi32>], vector<16xf32>,
              %add3A_861 = arith.addi %broadcast_in_dim3A_852, %all_reduce_ffs3A : vector<16xi32>
              %get3A_862 = arith.constant 64 : index
              %get3A_863 = tpu.vector_load %arg15[%get3A_862] {strides = array<i32>} : memref<256xf32, #tpu.memory_space<vmem>>, vector<16xf32>,
              %get3A_864 = arith.constant 80 : index
              %get3A_865 = tpu.vector_load %arg15[%get3A_864] {strides = array<i32>} : memref<256xf32, #tpu.memory_space<vmem>>, vector<16xf32>,
              %get3A_866 = arith.constant 64 : index
              %get3A_867 = tpu.vector_load %arg16[%get3A_866] {strides = array<i32>} : memref<256xi32, #tpu.memory_space<vmem>>, vector<16xi32>,
              %get3A_868 = arith.constant 80 : index
              %get3A_869 = tpu.vector_load %arg16[%get3A_868] {strides = array<i32>} : memref<256xi32, #tpu.memory_space<vmem>>, vector<16xi32>,
              %le3A = arith.cmpf ole, %get3A_863, %gather3A_860 : vector<16xf32>
              %all_reduce_population_count3A = tpu.all_reduce %le3A {dim = 0 : i64, kind = #tpu.reduction_kind<sum>} : vector<16xi1> -> vector<16xi32>
              %le3A_870 = arith.cmpf ole, %get3A_865, %gather3A_860 : vector<16xf32>
              %all_reduce_population_count3A_871 = tpu.all_reduce %le3A_870 {dim = 0 : i64, kind = #tpu.reduction_kind<sum>} : vector<16xi1> -> vector<16xi32>
              %add3A_872 = arith.addi %all_reduce_population_count3A, %all_reduce_population_count3A_871 : vector<16xi32>
              %ge3A = arith.cmpi sge, %iota3A, %add3A_872 : vector<16xi32>
              %jit3A_873 = arith.constant 1 : i32
              %jit3A_874 = arith.constant 0 : i32
              %broadcast_in_dim3A_875 = vector.broadcast %jit3A_873 : i32 to vector<16xi32>
              %broadcast_in_dim3A_876 = vector.broadcast %jit3A_874 : i32 to vector<16xi32>
              %select_n3A_877 = arith.select %ge3A, %broadcast_in_dim3A_875, %broadcast_in_dim3A_876 : vector<16xi1>, vector<16xi32>
              %add3A_878 = arith.addi %iota3A, %select_n3A_877 : vector<16xi32>
              %add3A_879 = arith.constant 16 : i32
              %add3A_880 = vector.broadcast %add3A_879 : i32 to vector<16xi32>
              %add3A_881 = arith.addi %iota3A, %add3A_880 : vector<16xi32>
              %ge3A_882 = arith.cmpi sge, %add3A_881, %add3A_872 : vector<16xi32>
              %jit3A_883 = arith.constant 1 : i32
              %jit3A_884 = arith.constant 0 : i32
              %broadcast_in_dim3A_885 = vector.broadcast %jit3A_883 : i32 to vector<16xi32>
              %broadcast_in_dim3A_886 = vector.broadcast %jit3A_884 : i32 to vector<16xi32>
              %select_n3A_887 = arith.select %ge3A_882, %broadcast_in_dim3A_885, %broadcast_in_dim3A_886 : vector<16xi1>, vector<16xi32>
              %add3A_888 = arith.addi %add3A_881, %select_n3A_887 : vector<16xi32>
              %lt3A_889 = arith.constant 32 : i32
              %lt3A_890 = vector.broadcast %lt3A_889 : i32 to vector<16xi32>
              %lt3A_891 = arith.cmpi slt, %add3A_888, %lt3A_890 : vector<16xi32>
              %broadcast_in_dim3A_892 = arith.constant 64 : i32
              %broadcast_in_dim3A_893 = vector.broadcast %broadcast_in_dim3A_892 : i32 to vector<16xi32>
              %add3A_894 = arith.addi %broadcast_in_dim3A_893, %add3A_878 : vector<16xi32>
              tpu.vector_store_idx %arg15[%add3A_894], %get3A_863 : memref<256xf32, #tpu.memory_space<vmem>>[vector<16xi32>], vector<16xf32>,
              %add3A_895 = arith.addi %broadcast_in_dim3A_893, %add3A_878 : vector<16xi32>
              tpu.vector_store_idx %arg16[%add3A_895], %get3A_867 : memref<256xi32, #tpu.memory_space<vmem>>[vector<16xi32>], vector<16xi32>,
              %add3A_896 = arith.addi %broadcast_in_dim3A_893, %add3A_888 : vector<16xi32>
              tpu.vector_store_idx %arg15[%add3A_896], %get3A_865 masked %lt3A_891 : memref<256xf32, #tpu.memory_space<vmem>>[vector<16xi32>], vector<16xf32>, vector<16xi1>
              %add3A_897 = arith.addi %broadcast_in_dim3A_893, %add3A_888 : vector<16xi32>
              tpu.vector_store_idx %arg16[%add3A_897], %get3A_869 masked %lt3A_891 : memref<256xi32, #tpu.memory_space<vmem>>[vector<16xi32>], vector<16xi32>, vector<16xi1>
              %lt3A_898 = arith.constant 32 : i32
              %lt3A_899 = vector.broadcast %lt3A_898 : i32 to vector<16xi32>
              %lt3A_900 = arith.cmpi slt, %add3A_872, %lt3A_899 : vector<16xi32>
              %and3A_901 = arith.andi %eq3A_37, %lt3A_900 : vector<16xi1>
              %add3A_902 = arith.addi %broadcast_in_dim3A_893, %add3A_872 : vector<16xi32>
              tpu.vector_store_idx %arg15[%add3A_902], %gather3A_860 masked %and3A_901 : memref<256xf32, #tpu.memory_space<vmem>>[vector<16xi32>], vector<16xf32>, vector<16xi1>
              %add3A_903 = arith.addi %broadcast_in_dim3A_893, %add3A_872 : vector<16xi32>
              tpu.vector_store_idx %arg16[%add3A_903], %add3A_861 masked %and3A_901 : memref<256xi32, #tpu.memory_space<vmem>>[vector<16xi32>], vector<16xi32>, vector<16xi1>
              %ne3A_904 = arith.cmpi ne, %iota3A, %all_reduce_ffs3A : vector<16xi32>
              %and3A_905 = arith.andi %while3A_859, %ne3A_904 : vector<16xi1>
              scf.yield %and3A_905 : vector<16xi1>
            }
            %get3A_853 = arith.constant 80 : index
            %get3A_854 = tpu.vector_load %arg15[%get3A_853] {strides = array<i32>} : memref<256xf32, #tpu.memory_space<vmem>>, vector<16xf32>,
            %reduce_max3A = arith.constant true
            %reduce_max3A_855 = vector.broadcast %reduce_max3A : i1 to vector<16xi1>
            %reduce_max3A_856 = tpu.scan <max>, %get3A_854 masked %reduce_max3A_855 : vector<16xf32>, vector<16xi1> -> vector<16xf32>
            %reduce_max3A_857 = vector.extract %reduce_max3A_856[15] : f32 from vector<16xf32>
            %broadcast_in_dim3A_858 = vector.broadcast %reduce_max3A_857 : f32 to vector<16xf32>
            scf.yield %broadcast_in_dim3A_858 : vector<16xf32>
          } else {
            scf.yield %scan3A_624 : vector<16xf32>
          }
          %reduce_or3A_775 = arith.constant 1.000000e+00 : f32
          %reduce_or3A_776 = arith.constant 0.000000e+00 : f32
          %reduce_or3A_777 = vector.broadcast %reduce_or3A_775 : f32 to vector<16xf32>
          %reduce_or3A_778 = vector.broadcast %reduce_or3A_776 : f32 to vector<16xf32>
          %reduce_or3A_779 = arith.select %lt3A_673, %reduce_or3A_777, %reduce_or3A_778 : vector<16xi1>, vector<16xf32>
          %reduce_or3A_780 = arith.constant true
          %reduce_or3A_781 = vector.broadcast %reduce_or3A_780 : i1 to vector<16xi1>
          %reduce_or3A_782 = tpu.scan <max>, %reduce_or3A_779 masked %reduce_or3A_781 : vector<16xf32>, vector<16xi1> -> vector<16xf32>
          %reduce_or3A_783 = vector.extract %reduce_or3A_782[15] : f32 from vector<16xf32>
          %reduce_or3A_784 = arith.constant 0.000000e+00 : f32
          %reduce_or3A_785 = arith.cmpf ogt, %reduce_or3A_783, %reduce_or3A_784 : f32
          %convert_element_type3A_786 = arith.extui %reduce_or3A_785 : i1 to i32
          %cond3A_787 = arith.constant 0 : i32
          %cond3A_788 = arith.cmpi ne, %convert_element_type3A_786, %cond3A_787 : i32
          %cond3A_789 = scf.if %cond3A_788 -> (vector<16xf32>) {
            %swap3A_850 = arith.constant 0 : index
            %swap3A_851 = tpu.vector_load %arg20[%swap3A_850] {strides = array<i32>} : memref<16xf32, #tpu.memory_space<vmem>>, vector<16xf32>,
            tpu.vector_store %arg20[%swap3A_850], %add3A_672 {strides = array<i32>} : memref<16xf32, #tpu.memory_space<vmem>>, vector<16xf32>,
            %broadcast_in_dim3A_852 = vector.broadcast %mul3A_631 : i32 to vector<16xi32>
            %while3A = scf.while (%while3A_859 = %lt3A_673) : (vector<16xi1>) -> vector<16xi1> {
              %reduce_or3A_860 = arith.constant 1.000000e+00 : f32
              %reduce_or3A_861 = arith.constant 0.000000e+00 : f32
              %reduce_or3A_862 = vector.broadcast %reduce_or3A_860 : f32 to vector<16xf32>
              %reduce_or3A_863 = vector.broadcast %reduce_or3A_861 : f32 to vector<16xf32>
              %reduce_or3A_864 = arith.select %while3A_859, %reduce_or3A_862, %reduce_or3A_863 : vector<16xi1>, vector<16xf32>
              %reduce_or3A_865 = arith.constant true
              %reduce_or3A_866 = vector.broadcast %reduce_or3A_865 : i1 to vector<16xi1>
              %reduce_or3A_867 = tpu.scan <max>, %reduce_or3A_864 masked %reduce_or3A_866 : vector<16xf32>, vector<16xi1> -> vector<16xf32>
              %reduce_or3A_868 = vector.extract %reduce_or3A_867[15] : f32 from vector<16xf32>
              %reduce_or3A_869 = arith.constant 0.000000e+00 : f32
              %reduce_or3A_870 = arith.cmpf ogt, %reduce_or3A_868, %reduce_or3A_869 : f32
              scf.condition(%reduce_or3A_870) %while3A_859 : vector<16xi1>
            } do {
            ^bb0(%while3A_859: vector<16xi1>):
              %all_reduce_ffs3A = tpu.all_reduce %while3A_859 {dim = 0 : i64, kind = #tpu.reduction_kind<find_first_set>} : vector<16xi1> -> vector<16xi32>
              %gather3A_860 = tpu.vector_load_idx %arg20[%all_reduce_ffs3A] : memref<16xf32, #tpu.memory_space<vmem>>[vector<16xi32>], vector<16xf32>,
              %add3A_861 = arith.addi %broadcast_in_dim3A_852, %all_reduce_ffs3A : vector<16xi32>
              %get3A_862 = arith.constant 96 : index
              %get3A_863 = tpu.vector_load %arg15[%get3A_862] {strides = array<i32>} : memref<256xf32, #tpu.memory_space<vmem>>, vector<16xf32>,
              %get3A_864 = arith.constant 112 : index
              %get3A_865 = tpu.vector_load %arg15[%get3A_864] {strides = array<i32>} : memref<256xf32, #tpu.memory_space<vmem>>, vector<16xf32>,
              %get3A_866 = arith.constant 96 : index
              %get3A_867 = tpu.vector_load %arg16[%get3A_866] {strides = array<i32>} : memref<256xi32, #tpu.memory_space<vmem>>, vector<16xi32>,
              %get3A_868 = arith.constant 112 : index
              %get3A_869 = tpu.vector_load %arg16[%get3A_868] {strides = array<i32>} : memref<256xi32, #tpu.memory_space<vmem>>, vector<16xi32>,
              %le3A = arith.cmpf ole, %get3A_863, %gather3A_860 : vector<16xf32>
              %all_reduce_population_count3A = tpu.all_reduce %le3A {dim = 0 : i64, kind = #tpu.reduction_kind<sum>} : vector<16xi1> -> vector<16xi32>
              %le3A_870 = arith.cmpf ole, %get3A_865, %gather3A_860 : vector<16xf32>
              %all_reduce_population_count3A_871 = tpu.all_reduce %le3A_870 {dim = 0 : i64, kind = #tpu.reduction_kind<sum>} : vector<16xi1> -> vector<16xi32>
              %add3A_872 = arith.addi %all_reduce_population_count3A, %all_reduce_population_count3A_871 : vector<16xi32>
              %ge3A = arith.cmpi sge, %iota3A, %add3A_872 : vector<16xi32>
              %jit3A_873 = arith.constant 1 : i32
              %jit3A_874 = arith.constant 0 : i32
              %broadcast_in_dim3A_875 = vector.broadcast %jit3A_873 : i32 to vector<16xi32>
              %broadcast_in_dim3A_876 = vector.broadcast %jit3A_874 : i32 to vector<16xi32>
              %select_n3A_877 = arith.select %ge3A, %broadcast_in_dim3A_875, %broadcast_in_dim3A_876 : vector<16xi1>, vector<16xi32>
              %add3A_878 = arith.addi %iota3A, %select_n3A_877 : vector<16xi32>
              %add3A_879 = arith.constant 16 : i32
              %add3A_880 = vector.broadcast %add3A_879 : i32 to vector<16xi32>
              %add3A_881 = arith.addi %iota3A, %add3A_880 : vector<16xi32>
              %ge3A_882 = arith.cmpi sge, %add3A_881, %add3A_872 : vector<16xi32>
              %jit3A_883 = arith.constant 1 : i32
              %jit3A_884 = arith.constant 0 : i32
              %broadcast_in_dim3A_885 = vector.broadcast %jit3A_883 : i32 to vector<16xi32>
              %broadcast_in_dim3A_886 = vector.broadcast %jit3A_884 : i32 to vector<16xi32>
              %select_n3A_887 = arith.select %ge3A_882, %broadcast_in_dim3A_885, %broadcast_in_dim3A_886 : vector<16xi1>, vector<16xi32>
              %add3A_888 = arith.addi %add3A_881, %select_n3A_887 : vector<16xi32>
              %lt3A_889 = arith.constant 32 : i32
              %lt3A_890 = vector.broadcast %lt3A_889 : i32 to vector<16xi32>
              %lt3A_891 = arith.cmpi slt, %add3A_888, %lt3A_890 : vector<16xi32>
              %broadcast_in_dim3A_892 = arith.constant 96 : i32
              %broadcast_in_dim3A_893 = vector.broadcast %broadcast_in_dim3A_892 : i32 to vector<16xi32>
              %add3A_894 = arith.addi %broadcast_in_dim3A_893, %add3A_878 : vector<16xi32>
              tpu.vector_store_idx %arg15[%add3A_894], %get3A_863 : memref<256xf32, #tpu.memory_space<vmem>>[vector<16xi32>], vector<16xf32>,
              %add3A_895 = arith.addi %broadcast_in_dim3A_893, %add3A_878 : vector<16xi32>
              tpu.vector_store_idx %arg16[%add3A_895], %get3A_867 : memref<256xi32, #tpu.memory_space<vmem>>[vector<16xi32>], vector<16xi32>,
              %add3A_896 = arith.addi %broadcast_in_dim3A_893, %add3A_888 : vector<16xi32>
              tpu.vector_store_idx %arg15[%add3A_896], %get3A_865 masked %lt3A_891 : memref<256xf32, #tpu.memory_space<vmem>>[vector<16xi32>], vector<16xf32>, vector<16xi1>
              %add3A_897 = arith.addi %broadcast_in_dim3A_893, %add3A_888 : vector<16xi32>
              tpu.vector_store_idx %arg16[%add3A_897], %get3A_869 masked %lt3A_891 : memref<256xi32, #tpu.memory_space<vmem>>[vector<16xi32>], vector<16xi32>, vector<16xi1>
              %lt3A_898 = arith.constant 32 : i32
              %lt3A_899 = vector.broadcast %lt3A_898 : i32 to vector<16xi32>
              %lt3A_900 = arith.cmpi slt, %add3A_872, %lt3A_899 : vector<16xi32>
              %and3A_901 = arith.andi %eq3A_37, %lt3A_900 : vector<16xi1>
              %add3A_902 = arith.addi %broadcast_in_dim3A_893, %add3A_872 : vector<16xi32>
              tpu.vector_store_idx %arg15[%add3A_902], %gather3A_860 masked %and3A_901 : memref<256xf32, #tpu.memory_space<vmem>>[vector<16xi32>], vector<16xf32>, vector<16xi1>
              %add3A_903 = arith.addi %broadcast_in_dim3A_893, %add3A_872 : vector<16xi32>
              tpu.vector_store_idx %arg16[%add3A_903], %add3A_861 masked %and3A_901 : memref<256xi32, #tpu.memory_space<vmem>>[vector<16xi32>], vector<16xi32>, vector<16xi1>
              %ne3A_904 = arith.cmpi ne, %iota3A, %all_reduce_ffs3A : vector<16xi32>
              %and3A_905 = arith.andi %while3A_859, %ne3A_904 : vector<16xi1>
              scf.yield %and3A_905 : vector<16xi1>
            }
            %get3A_853 = arith.constant 112 : index
            %get3A_854 = tpu.vector_load %arg15[%get3A_853] {strides = array<i32>} : memref<256xf32, #tpu.memory_space<vmem>>, vector<16xf32>,
            %reduce_max3A = arith.constant true
            %reduce_max3A_855 = vector.broadcast %reduce_max3A : i1 to vector<16xi1>
            %reduce_max3A_856 = tpu.scan <max>, %get3A_854 masked %reduce_max3A_855 : vector<16xf32>, vector<16xi1> -> vector<16xf32>
            %reduce_max3A_857 = vector.extract %reduce_max3A_856[15] : f32 from vector<16xf32>
            %broadcast_in_dim3A_858 = vector.broadcast %reduce_max3A_857 : f32 to vector<16xf32>
            scf.yield %broadcast_in_dim3A_858 : vector<16xf32>
          } else {
            scf.yield %scan3A_625 : vector<16xf32>
          }
          %reduce_or3A_790 = arith.constant 1.000000e+00 : f32
          %reduce_or3A_791 = arith.constant 0.000000e+00 : f32
          %reduce_or3A_792 = vector.broadcast %reduce_or3A_790 : f32 to vector<16xf32>
          %reduce_or3A_793 = vector.broadcast %reduce_or3A_791 : f32 to vector<16xf32>
          %reduce_or3A_794 = arith.select %lt3A_682, %reduce_or3A_792, %reduce_or3A_793 : vector<16xi1>, vector<16xf32>
          %reduce_or3A_795 = arith.constant true
          %reduce_or3A_796 = vector.broadcast %reduce_or3A_795 : i1 to vector<16xi1>
          %reduce_or3A_797 = tpu.scan <max>, %reduce_or3A_794 masked %reduce_or3A_796 : vector<16xf32>, vector<16xi1> -> vector<16xf32>
          %reduce_or3A_798 = vector.extract %reduce_or3A_797[15] : f32 from vector<16xf32>
          %reduce_or3A_799 = arith.constant 0.000000e+00 : f32
          %reduce_or3A_800 = arith.cmpf ogt, %reduce_or3A_798, %reduce_or3A_799 : f32
          %convert_element_type3A_801 = arith.extui %reduce_or3A_800 : i1 to i32
          %cond3A_802 = arith.constant 0 : i32
          %cond3A_803 = arith.cmpi ne, %convert_element_type3A_801, %cond3A_802 : i32
          %cond3A_804 = scf.if %cond3A_803 -> (vector<16xf32>) {
            %swap3A_850 = arith.constant 0 : index
            %swap3A_851 = tpu.vector_load %arg20[%swap3A_850] {strides = array<i32>} : memref<16xf32, #tpu.memory_space<vmem>>, vector<16xf32>,
            tpu.vector_store %arg20[%swap3A_850], %add3A_681 {strides = array<i32>} : memref<16xf32, #tpu.memory_space<vmem>>, vector<16xf32>,
            %broadcast_in_dim3A_852 = vector.broadcast %mul3A_631 : i32 to vector<16xi32>
            %while3A = scf.while (%while3A_859 = %lt3A_682) : (vector<16xi1>) -> vector<16xi1> {
              %reduce_or3A_860 = arith.constant 1.000000e+00 : f32
              %reduce_or3A_861 = arith.constant 0.000000e+00 : f32
              %reduce_or3A_862 = vector.broadcast %reduce_or3A_860 : f32 to vector<16xf32>
              %reduce_or3A_863 = vector.broadcast %reduce_or3A_861 : f32 to vector<16xf32>
              %reduce_or3A_864 = arith.select %while3A_859, %reduce_or3A_862, %reduce_or3A_863 : vector<16xi1>, vector<16xf32>
              %reduce_or3A_865 = arith.constant true
              %reduce_or3A_866 = vector.broadcast %reduce_or3A_865 : i1 to vector<16xi1>
              %reduce_or3A_867 = tpu.scan <max>, %reduce_or3A_864 masked %reduce_or3A_866 : vector<16xf32>, vector<16xi1> -> vector<16xf32>
              %reduce_or3A_868 = vector.extract %reduce_or3A_867[15] : f32 from vector<16xf32>
              %reduce_or3A_869 = arith.constant 0.000000e+00 : f32
              %reduce_or3A_870 = arith.cmpf ogt, %reduce_or3A_868, %reduce_or3A_869 : f32
              scf.condition(%reduce_or3A_870) %while3A_859 : vector<16xi1>
            } do {
            ^bb0(%while3A_859: vector<16xi1>):
              %all_reduce_ffs3A = tpu.all_reduce %while3A_859 {dim = 0 : i64, kind = #tpu.reduction_kind<find_first_set>} : vector<16xi1> -> vector<16xi32>
              %gather3A_860 = tpu.vector_load_idx %arg20[%all_reduce_ffs3A] : memref<16xf32, #tpu.memory_space<vmem>>[vector<16xi32>], vector<16xf32>,
              %add3A_861 = arith.addi %broadcast_in_dim3A_852, %all_reduce_ffs3A : vector<16xi32>
              %get3A_862 = arith.constant 128 : index
              %get3A_863 = tpu.vector_load %arg15[%get3A_862] {strides = array<i32>} : memref<256xf32, #tpu.memory_space<vmem>>, vector<16xf32>,
              %get3A_864 = arith.constant 144 : index
              %get3A_865 = tpu.vector_load %arg15[%get3A_864] {strides = array<i32>} : memref<256xf32, #tpu.memory_space<vmem>>, vector<16xf32>,
              %get3A_866 = arith.constant 128 : index
              %get3A_867 = tpu.vector_load %arg16[%get3A_866] {strides = array<i32>} : memref<256xi32, #tpu.memory_space<vmem>>, vector<16xi32>,
              %get3A_868 = arith.constant 144 : index
              %get3A_869 = tpu.vector_load %arg16[%get3A_868] {strides = array<i32>} : memref<256xi32, #tpu.memory_space<vmem>>, vector<16xi32>,
              %le3A = arith.cmpf ole, %get3A_863, %gather3A_860 : vector<16xf32>
              %all_reduce_population_count3A = tpu.all_reduce %le3A {dim = 0 : i64, kind = #tpu.reduction_kind<sum>} : vector<16xi1> -> vector<16xi32>
              %le3A_870 = arith.cmpf ole, %get3A_865, %gather3A_860 : vector<16xf32>
              %all_reduce_population_count3A_871 = tpu.all_reduce %le3A_870 {dim = 0 : i64, kind = #tpu.reduction_kind<sum>} : vector<16xi1> -> vector<16xi32>
              %add3A_872 = arith.addi %all_reduce_population_count3A, %all_reduce_population_count3A_871 : vector<16xi32>
              %ge3A = arith.cmpi sge, %iota3A, %add3A_872 : vector<16xi32>
              %jit3A_873 = arith.constant 1 : i32
              %jit3A_874 = arith.constant 0 : i32
              %broadcast_in_dim3A_875 = vector.broadcast %jit3A_873 : i32 to vector<16xi32>
              %broadcast_in_dim3A_876 = vector.broadcast %jit3A_874 : i32 to vector<16xi32>
              %select_n3A_877 = arith.select %ge3A, %broadcast_in_dim3A_875, %broadcast_in_dim3A_876 : vector<16xi1>, vector<16xi32>
              %add3A_878 = arith.addi %iota3A, %select_n3A_877 : vector<16xi32>
              %add3A_879 = arith.constant 16 : i32
              %add3A_880 = vector.broadcast %add3A_879 : i32 to vector<16xi32>
              %add3A_881 = arith.addi %iota3A, %add3A_880 : vector<16xi32>
              %ge3A_882 = arith.cmpi sge, %add3A_881, %add3A_872 : vector<16xi32>
              %jit3A_883 = arith.constant 1 : i32
              %jit3A_884 = arith.constant 0 : i32
              %broadcast_in_dim3A_885 = vector.broadcast %jit3A_883 : i32 to vector<16xi32>
              %broadcast_in_dim3A_886 = vector.broadcast %jit3A_884 : i32 to vector<16xi32>
              %select_n3A_887 = arith.select %ge3A_882, %broadcast_in_dim3A_885, %broadcast_in_dim3A_886 : vector<16xi1>, vector<16xi32>
              %add3A_888 = arith.addi %add3A_881, %select_n3A_887 : vector<16xi32>
              %lt3A_889 = arith.constant 32 : i32
              %lt3A_890 = vector.broadcast %lt3A_889 : i32 to vector<16xi32>
              %lt3A_891 = arith.cmpi slt, %add3A_888, %lt3A_890 : vector<16xi32>
              %broadcast_in_dim3A_892 = arith.constant 128 : i32
              %broadcast_in_dim3A_893 = vector.broadcast %broadcast_in_dim3A_892 : i32 to vector<16xi32>
              %add3A_894 = arith.addi %broadcast_in_dim3A_893, %add3A_878 : vector<16xi32>
              tpu.vector_store_idx %arg15[%add3A_894], %get3A_863 : memref<256xf32, #tpu.memory_space<vmem>>[vector<16xi32>], vector<16xf32>,
              %add3A_895 = arith.addi %broadcast_in_dim3A_893, %add3A_878 : vector<16xi32>
              tpu.vector_store_idx %arg16[%add3A_895], %get3A_867 : memref<256xi32, #tpu.memory_space<vmem>>[vector<16xi32>], vector<16xi32>,
              %add3A_896 = arith.addi %broadcast_in_dim3A_893, %add3A_888 : vector<16xi32>
              tpu.vector_store_idx %arg15[%add3A_896], %get3A_865 masked %lt3A_891 : memref<256xf32, #tpu.memory_space<vmem>>[vector<16xi32>], vector<16xf32>, vector<16xi1>
              %add3A_897 = arith.addi %broadcast_in_dim3A_893, %add3A_888 : vector<16xi32>
              tpu.vector_store_idx %arg16[%add3A_897], %get3A_869 masked %lt3A_891 : memref<256xi32, #tpu.memory_space<vmem>>[vector<16xi32>], vector<16xi32>, vector<16xi1>
              %lt3A_898 = arith.constant 32 : i32
              %lt3A_899 = vector.broadcast %lt3A_898 : i32 to vector<16xi32>
              %lt3A_900 = arith.cmpi slt, %add3A_872, %lt3A_899 : vector<16xi32>
              %and3A_901 = arith.andi %eq3A_37, %lt3A_900 : vector<16xi1>
              %add3A_902 = arith.addi %broadcast_in_dim3A_893, %add3A_872 : vector<16xi32>
              tpu.vector_store_idx %arg15[%add3A_902], %gather3A_860 masked %and3A_901 : memref<256xf32, #tpu.memory_space<vmem>>[vector<16xi32>], vector<16xf32>, vector<16xi1>
              %add3A_903 = arith.addi %broadcast_in_dim3A_893, %add3A_872 : vector<16xi32>
              tpu.vector_store_idx %arg16[%add3A_903], %add3A_861 masked %and3A_901 : memref<256xi32, #tpu.memory_space<vmem>>[vector<16xi32>], vector<16xi32>, vector<16xi1>
              %ne3A_904 = arith.cmpi ne, %iota3A, %all_reduce_ffs3A : vector<16xi32>
              %and3A_905 = arith.andi %while3A_859, %ne3A_904 : vector<16xi1>
              scf.yield %and3A_905 : vector<16xi1>
            }
            %get3A_853 = arith.constant 144 : index
            %get3A_854 = tpu.vector_load %arg15[%get3A_853] {strides = array<i32>} : memref<256xf32, #tpu.memory_space<vmem>>, vector<16xf32>,
            %reduce_max3A = arith.constant true
            %reduce_max3A_855 = vector.broadcast %reduce_max3A : i1 to vector<16xi1>
            %reduce_max3A_856 = tpu.scan <max>, %get3A_854 masked %reduce_max3A_855 : vector<16xf32>, vector<16xi1> -> vector<16xf32>
            %reduce_max3A_857 = vector.extract %reduce_max3A_856[15] : f32 from vector<16xf32>
            %broadcast_in_dim3A_858 = vector.broadcast %reduce_max3A_857 : f32 to vector<16xf32>
            scf.yield %broadcast_in_dim3A_858 : vector<16xf32>
          } else {
            scf.yield %scan3A_626 : vector<16xf32>
          }
          %reduce_or3A_805 = arith.constant 1.000000e+00 : f32
          %reduce_or3A_806 = arith.constant 0.000000e+00 : f32
          %reduce_or3A_807 = vector.broadcast %reduce_or3A_805 : f32 to vector<16xf32>
          %reduce_or3A_808 = vector.broadcast %reduce_or3A_806 : f32 to vector<16xf32>
          %reduce_or3A_809 = arith.select %lt3A_691, %reduce_or3A_807, %reduce_or3A_808 : vector<16xi1>, vector<16xf32>
          %reduce_or3A_810 = arith.constant true
          %reduce_or3A_811 = vector.broadcast %reduce_or3A_810 : i1 to vector<16xi1>
          %reduce_or3A_812 = tpu.scan <max>, %reduce_or3A_809 masked %reduce_or3A_811 : vector<16xf32>, vector<16xi1> -> vector<16xf32>
          %reduce_or3A_813 = vector.extract %reduce_or3A_812[15] : f32 from vector<16xf32>
          %reduce_or3A_814 = arith.constant 0.000000e+00 : f32
          %reduce_or3A_815 = arith.cmpf ogt, %reduce_or3A_813, %reduce_or3A_814 : f32
          %convert_element_type3A_816 = arith.extui %reduce_or3A_815 : i1 to i32
          %cond3A_817 = arith.constant 0 : i32
          %cond3A_818 = arith.cmpi ne, %convert_element_type3A_816, %cond3A_817 : i32
          %cond3A_819 = scf.if %cond3A_818 -> (vector<16xf32>) {
            %swap3A_850 = arith.constant 0 : index
            %swap3A_851 = tpu.vector_load %arg20[%swap3A_850] {strides = array<i32>} : memref<16xf32, #tpu.memory_space<vmem>>, vector<16xf32>,
            tpu.vector_store %arg20[%swap3A_850], %add3A_690 {strides = array<i32>} : memref<16xf32, #tpu.memory_space<vmem>>, vector<16xf32>,
            %broadcast_in_dim3A_852 = vector.broadcast %mul3A_631 : i32 to vector<16xi32>
            %while3A = scf.while (%while3A_859 = %lt3A_691) : (vector<16xi1>) -> vector<16xi1> {
              %reduce_or3A_860 = arith.constant 1.000000e+00 : f32
              %reduce_or3A_861 = arith.constant 0.000000e+00 : f32
              %reduce_or3A_862 = vector.broadcast %reduce_or3A_860 : f32 to vector<16xf32>
              %reduce_or3A_863 = vector.broadcast %reduce_or3A_861 : f32 to vector<16xf32>
              %reduce_or3A_864 = arith.select %while3A_859, %reduce_or3A_862, %reduce_or3A_863 : vector<16xi1>, vector<16xf32>
              %reduce_or3A_865 = arith.constant true
              %reduce_or3A_866 = vector.broadcast %reduce_or3A_865 : i1 to vector<16xi1>
              %reduce_or3A_867 = tpu.scan <max>, %reduce_or3A_864 masked %reduce_or3A_866 : vector<16xf32>, vector<16xi1> -> vector<16xf32>
              %reduce_or3A_868 = vector.extract %reduce_or3A_867[15] : f32 from vector<16xf32>
              %reduce_or3A_869 = arith.constant 0.000000e+00 : f32
              %reduce_or3A_870 = arith.cmpf ogt, %reduce_or3A_868, %reduce_or3A_869 : f32
              scf.condition(%reduce_or3A_870) %while3A_859 : vector<16xi1>
            } do {
            ^bb0(%while3A_859: vector<16xi1>):
              %all_reduce_ffs3A = tpu.all_reduce %while3A_859 {dim = 0 : i64, kind = #tpu.reduction_kind<find_first_set>} : vector<16xi1> -> vector<16xi32>
              %gather3A_860 = tpu.vector_load_idx %arg20[%all_reduce_ffs3A] : memref<16xf32, #tpu.memory_space<vmem>>[vector<16xi32>], vector<16xf32>,
              %add3A_861 = arith.addi %broadcast_in_dim3A_852, %all_reduce_ffs3A : vector<16xi32>
              %get3A_862 = arith.constant 160 : index
              %get3A_863 = tpu.vector_load %arg15[%get3A_862] {strides = array<i32>} : memref<256xf32, #tpu.memory_space<vmem>>, vector<16xf32>,
              %get3A_864 = arith.constant 176 : index
              %get3A_865 = tpu.vector_load %arg15[%get3A_864] {strides = array<i32>} : memref<256xf32, #tpu.memory_space<vmem>>, vector<16xf32>,
              %get3A_866 = arith.constant 160 : index
              %get3A_867 = tpu.vector_load %arg16[%get3A_866] {strides = array<i32>} : memref<256xi32, #tpu.memory_space<vmem>>, vector<16xi32>,
              %get3A_868 = arith.constant 176 : index
              %get3A_869 = tpu.vector_load %arg16[%get3A_868] {strides = array<i32>} : memref<256xi32, #tpu.memory_space<vmem>>, vector<16xi32>,
              %le3A = arith.cmpf ole, %get3A_863, %gather3A_860 : vector<16xf32>
              %all_reduce_population_count3A = tpu.all_reduce %le3A {dim = 0 : i64, kind = #tpu.reduction_kind<sum>} : vector<16xi1> -> vector<16xi32>
              %le3A_870 = arith.cmpf ole, %get3A_865, %gather3A_860 : vector<16xf32>
              %all_reduce_population_count3A_871 = tpu.all_reduce %le3A_870 {dim = 0 : i64, kind = #tpu.reduction_kind<sum>} : vector<16xi1> -> vector<16xi32>
              %add3A_872 = arith.addi %all_reduce_population_count3A, %all_reduce_population_count3A_871 : vector<16xi32>
              %ge3A = arith.cmpi sge, %iota3A, %add3A_872 : vector<16xi32>
              %jit3A_873 = arith.constant 1 : i32
              %jit3A_874 = arith.constant 0 : i32
              %broadcast_in_dim3A_875 = vector.broadcast %jit3A_873 : i32 to vector<16xi32>
              %broadcast_in_dim3A_876 = vector.broadcast %jit3A_874 : i32 to vector<16xi32>
              %select_n3A_877 = arith.select %ge3A, %broadcast_in_dim3A_875, %broadcast_in_dim3A_876 : vector<16xi1>, vector<16xi32>
              %add3A_878 = arith.addi %iota3A, %select_n3A_877 : vector<16xi32>
              %add3A_879 = arith.constant 16 : i32
              %add3A_880 = vector.broadcast %add3A_879 : i32 to vector<16xi32>
              %add3A_881 = arith.addi %iota3A, %add3A_880 : vector<16xi32>
              %ge3A_882 = arith.cmpi sge, %add3A_881, %add3A_872 : vector<16xi32>
              %jit3A_883 = arith.constant 1 : i32
              %jit3A_884 = arith.constant 0 : i32
              %broadcast_in_dim3A_885 = vector.broadcast %jit3A_883 : i32 to vector<16xi32>
              %broadcast_in_dim3A_886 = vector.broadcast %jit3A_884 : i32 to vector<16xi32>
              %select_n3A_887 = arith.select %ge3A_882, %broadcast_in_dim3A_885, %broadcast_in_dim3A_886 : vector<16xi1>, vector<16xi32>
              %add3A_888 = arith.addi %add3A_881, %select_n3A_887 : vector<16xi32>
              %lt3A_889 = arith.constant 32 : i32
              %lt3A_890 = vector.broadcast %lt3A_889 : i32 to vector<16xi32>
              %lt3A_891 = arith.cmpi slt, %add3A_888, %lt3A_890 : vector<16xi32>
              %broadcast_in_dim3A_892 = arith.constant 160 : i32
              %broadcast_in_dim3A_893 = vector.broadcast %broadcast_in_dim3A_892 : i32 to vector<16xi32>
              %add3A_894 = arith.addi %broadcast_in_dim3A_893, %add3A_878 : vector<16xi32>
              tpu.vector_store_idx %arg15[%add3A_894], %get3A_863 : memref<256xf32, #tpu.memory_space<vmem>>[vector<16xi32>], vector<16xf32>,
              %add3A_895 = arith.addi %broadcast_in_dim3A_893, %add3A_878 : vector<16xi32>
              tpu.vector_store_idx %arg16[%add3A_895], %get3A_867 : memref<256xi32, #tpu.memory_space<vmem>>[vector<16xi32>], vector<16xi32>,
              %add3A_896 = arith.addi %broadcast_in_dim3A_893, %add3A_888 : vector<16xi32>
              tpu.vector_store_idx %arg15[%add3A_896], %get3A_865 masked %lt3A_891 : memref<256xf32, #tpu.memory_space<vmem>>[vector<16xi32>], vector<16xf32>, vector<16xi1>
              %add3A_897 = arith.addi %broadcast_in_dim3A_893, %add3A_888 : vector<16xi32>
              tpu.vector_store_idx %arg16[%add3A_897], %get3A_869 masked %lt3A_891 : memref<256xi32, #tpu.memory_space<vmem>>[vector<16xi32>], vector<16xi32>, vector<16xi1>
              %lt3A_898 = arith.constant 32 : i32
              %lt3A_899 = vector.broadcast %lt3A_898 : i32 to vector<16xi32>
              %lt3A_900 = arith.cmpi slt, %add3A_872, %lt3A_899 : vector<16xi32>
              %and3A_901 = arith.andi %eq3A_37, %lt3A_900 : vector<16xi1>
              %add3A_902 = arith.addi %broadcast_in_dim3A_893, %add3A_872 : vector<16xi32>
              tpu.vector_store_idx %arg15[%add3A_902], %gather3A_860 masked %and3A_901 : memref<256xf32, #tpu.memory_space<vmem>>[vector<16xi32>], vector<16xf32>, vector<16xi1>
              %add3A_903 = arith.addi %broadcast_in_dim3A_893, %add3A_872 : vector<16xi32>
              tpu.vector_store_idx %arg16[%add3A_903], %add3A_861 masked %and3A_901 : memref<256xi32, #tpu.memory_space<vmem>>[vector<16xi32>], vector<16xi32>, vector<16xi1>
              %ne3A_904 = arith.cmpi ne, %iota3A, %all_reduce_ffs3A : vector<16xi32>
              %and3A_905 = arith.andi %while3A_859, %ne3A_904 : vector<16xi1>
              scf.yield %and3A_905 : vector<16xi1>
            }
            %get3A_853 = arith.constant 176 : index
            %get3A_854 = tpu.vector_load %arg15[%get3A_853] {strides = array<i32>} : memref<256xf32, #tpu.memory_space<vmem>>, vector<16xf32>,
            %reduce_max3A = arith.constant true
            %reduce_max3A_855 = vector.broadcast %reduce_max3A : i1 to vector<16xi1>
            %reduce_max3A_856 = tpu.scan <max>, %get3A_854 masked %reduce_max3A_855 : vector<16xf32>, vector<16xi1> -> vector<16xf32>
            %reduce_max3A_857 = vector.extract %reduce_max3A_856[15] : f32 from vector<16xf32>
            %broadcast_in_dim3A_858 = vector.broadcast %reduce_max3A_857 : f32 to vector<16xf32>
            scf.yield %broadcast_in_dim3A_858 : vector<16xf32>
          } else {
            scf.yield %scan3A_627 : vector<16xf32>
          }
          %reduce_or3A_820 = arith.constant 1.000000e+00 : f32
          %reduce_or3A_821 = arith.constant 0.000000e+00 : f32
          %reduce_or3A_822 = vector.broadcast %reduce_or3A_820 : f32 to vector<16xf32>
          %reduce_or3A_823 = vector.broadcast %reduce_or3A_821 : f32 to vector<16xf32>
          %reduce_or3A_824 = arith.select %lt3A_700, %reduce_or3A_822, %reduce_or3A_823 : vector<16xi1>, vector<16xf32>
          %reduce_or3A_825 = arith.constant true
          %reduce_or3A_826 = vector.broadcast %reduce_or3A_825 : i1 to vector<16xi1>
          %reduce_or3A_827 = tpu.scan <max>, %reduce_or3A_824 masked %reduce_or3A_826 : vector<16xf32>, vector<16xi1> -> vector<16xf32>
          %reduce_or3A_828 = vector.extract %reduce_or3A_827[15] : f32 from vector<16xf32>
          %reduce_or3A_829 = arith.constant 0.000000e+00 : f32
          %reduce_or3A_830 = arith.cmpf ogt, %reduce_or3A_828, %reduce_or3A_829 : f32
          %convert_element_type3A_831 = arith.extui %reduce_or3A_830 : i1 to i32
          %cond3A_832 = arith.constant 0 : i32
          %cond3A_833 = arith.cmpi ne, %convert_element_type3A_831, %cond3A_832 : i32
          %cond3A_834 = scf.if %cond3A_833 -> (vector<16xf32>) {
            %swap3A_850 = arith.constant 0 : index
            %swap3A_851 = tpu.vector_load %arg20[%swap3A_850] {strides = array<i32>} : memref<16xf32, #tpu.memory_space<vmem>>, vector<16xf32>,
            tpu.vector_store %arg20[%swap3A_850], %add3A_699 {strides = array<i32>} : memref<16xf32, #tpu.memory_space<vmem>>, vector<16xf32>,
            %broadcast_in_dim3A_852 = vector.broadcast %mul3A_631 : i32 to vector<16xi32>
            %while3A = scf.while (%while3A_859 = %lt3A_700) : (vector<16xi1>) -> vector<16xi1> {
              %reduce_or3A_860 = arith.constant 1.000000e+00 : f32
              %reduce_or3A_861 = arith.constant 0.000000e+00 : f32
              %reduce_or3A_862 = vector.broadcast %reduce_or3A_860 : f32 to vector<16xf32>
              %reduce_or3A_863 = vector.broadcast %reduce_or3A_861 : f32 to vector<16xf32>
              %reduce_or3A_864 = arith.select %while3A_859, %reduce_or3A_862, %reduce_or3A_863 : vector<16xi1>, vector<16xf32>
              %reduce_or3A_865 = arith.constant true
              %reduce_or3A_866 = vector.broadcast %reduce_or3A_865 : i1 to vector<16xi1>
              %reduce_or3A_867 = tpu.scan <max>, %reduce_or3A_864 masked %reduce_or3A_866 : vector<16xf32>, vector<16xi1> -> vector<16xf32>
              %reduce_or3A_868 = vector.extract %reduce_or3A_867[15] : f32 from vector<16xf32>
              %reduce_or3A_869 = arith.constant 0.000000e+00 : f32
              %reduce_or3A_870 = arith.cmpf ogt, %reduce_or3A_868, %reduce_or3A_869 : f32
              scf.condition(%reduce_or3A_870) %while3A_859 : vector<16xi1>
            } do {
            ^bb0(%while3A_859: vector<16xi1>):
              %all_reduce_ffs3A = tpu.all_reduce %while3A_859 {dim = 0 : i64, kind = #tpu.reduction_kind<find_first_set>} : vector<16xi1> -> vector<16xi32>
              %gather3A_860 = tpu.vector_load_idx %arg20[%all_reduce_ffs3A] : memref<16xf32, #tpu.memory_space<vmem>>[vector<16xi32>], vector<16xf32>,
              %add3A_861 = arith.addi %broadcast_in_dim3A_852, %all_reduce_ffs3A : vector<16xi32>
              %get3A_862 = arith.constant 192 : index
              %get3A_863 = tpu.vector_load %arg15[%get3A_862] {strides = array<i32>} : memref<256xf32, #tpu.memory_space<vmem>>, vector<16xf32>,
              %get3A_864 = arith.constant 208 : index
              %get3A_865 = tpu.vector_load %arg15[%get3A_864] {strides = array<i32>} : memref<256xf32, #tpu.memory_space<vmem>>, vector<16xf32>,
              %get3A_866 = arith.constant 192 : index
              %get3A_867 = tpu.vector_load %arg16[%get3A_866] {strides = array<i32>} : memref<256xi32, #tpu.memory_space<vmem>>, vector<16xi32>,
              %get3A_868 = arith.constant 208 : index
              %get3A_869 = tpu.vector_load %arg16[%get3A_868] {strides = array<i32>} : memref<256xi32, #tpu.memory_space<vmem>>, vector<16xi32>,
              %le3A = arith.cmpf ole, %get3A_863, %gather3A_860 : vector<16xf32>
              %all_reduce_population_count3A = tpu.all_reduce %le3A {dim = 0 : i64, kind = #tpu.reduction_kind<sum>} : vector<16xi1> -> vector<16xi32>
              %le3A_870 = arith.cmpf ole, %get3A_865, %gather3A_860 : vector<16xf32>
              %all_reduce_population_count3A_871 = tpu.all_reduce %le3A_870 {dim = 0 : i64, kind = #tpu.reduction_kind<sum>} : vector<16xi1> -> vector<16xi32>
              %add3A_872 = arith.addi %all_reduce_population_count3A, %all_reduce_population_count3A_871 : vector<16xi32>
              %ge3A = arith.cmpi sge, %iota3A, %add3A_872 : vector<16xi32>
              %jit3A_873 = arith.constant 1 : i32
              %jit3A_874 = arith.constant 0 : i32
              %broadcast_in_dim3A_875 = vector.broadcast %jit3A_873 : i32 to vector<16xi32>
              %broadcast_in_dim3A_876 = vector.broadcast %jit3A_874 : i32 to vector<16xi32>
              %select_n3A_877 = arith.select %ge3A, %broadcast_in_dim3A_875, %broadcast_in_dim3A_876 : vector<16xi1>, vector<16xi32>
              %add3A_878 = arith.addi %iota3A, %select_n3A_877 : vector<16xi32>
              %add3A_879 = arith.constant 16 : i32
              %add3A_880 = vector.broadcast %add3A_879 : i32 to vector<16xi32>
              %add3A_881 = arith.addi %iota3A, %add3A_880 : vector<16xi32>
              %ge3A_882 = arith.cmpi sge, %add3A_881, %add3A_872 : vector<16xi32>
              %jit3A_883 = arith.constant 1 : i32
              %jit3A_884 = arith.constant 0 : i32
              %broadcast_in_dim3A_885 = vector.broadcast %jit3A_883 : i32 to vector<16xi32>
              %broadcast_in_dim3A_886 = vector.broadcast %jit3A_884 : i32 to vector<16xi32>
              %select_n3A_887 = arith.select %ge3A_882, %broadcast_in_dim3A_885, %broadcast_in_dim3A_886 : vector<16xi1>, vector<16xi32>
              %add3A_888 = arith.addi %add3A_881, %select_n3A_887 : vector<16xi32>
              %lt3A_889 = arith.constant 32 : i32
              %lt3A_890 = vector.broadcast %lt3A_889 : i32 to vector<16xi32>
              %lt3A_891 = arith.cmpi slt, %add3A_888, %lt3A_890 : vector<16xi32>
              %broadcast_in_dim3A_892 = arith.constant 192 : i32
              %broadcast_in_dim3A_893 = vector.broadcast %broadcast_in_dim3A_892 : i32 to vector<16xi32>
              %add3A_894 = arith.addi %broadcast_in_dim3A_893, %add3A_878 : vector<16xi32>
              tpu.vector_store_idx %arg15[%add3A_894], %get3A_863 : memref<256xf32, #tpu.memory_space<vmem>>[vector<16xi32>], vector<16xf32>,
              %add3A_895 = arith.addi %broadcast_in_dim3A_893, %add3A_878 : vector<16xi32>
              tpu.vector_store_idx %arg16[%add3A_895], %get3A_867 : memref<256xi32, #tpu.memory_space<vmem>>[vector<16xi32>], vector<16xi32>,
              %add3A_896 = arith.addi %broadcast_in_dim3A_893, %add3A_888 : vector<16xi32>
              tpu.vector_store_idx %arg15[%add3A_896], %get3A_865 masked %lt3A_891 : memref<256xf32, #tpu.memory_space<vmem>>[vector<16xi32>], vector<16xf32>, vector<16xi1>
              %add3A_897 = arith.addi %broadcast_in_dim3A_893, %add3A_888 : vector<16xi32>
              tpu.vector_store_idx %arg16[%add3A_897], %get3A_869 masked %lt3A_891 : memref<256xi32, #tpu.memory_space<vmem>>[vector<16xi32>], vector<16xi32>, vector<16xi1>
              %lt3A_898 = arith.constant 32 : i32
              %lt3A_899 = vector.broadcast %lt3A_898 : i32 to vector<16xi32>
              %lt3A_900 = arith.cmpi slt, %add3A_872, %lt3A_899 : vector<16xi32>
              %and3A_901 = arith.andi %eq3A_37, %lt3A_900 : vector<16xi1>
              %add3A_902 = arith.addi %broadcast_in_dim3A_893, %add3A_872 : vector<16xi32>
              tpu.vector_store_idx %arg15[%add3A_902], %gather3A_860 masked %and3A_901 : memref<256xf32, #tpu.memory_space<vmem>>[vector<16xi32>], vector<16xf32>, vector<16xi1>
              %add3A_903 = arith.addi %broadcast_in_dim3A_893, %add3A_872 : vector<16xi32>
              tpu.vector_store_idx %arg16[%add3A_903], %add3A_861 masked %and3A_901 : memref<256xi32, #tpu.memory_space<vmem>>[vector<16xi32>], vector<16xi32>, vector<16xi1>
              %ne3A_904 = arith.cmpi ne, %iota3A, %all_reduce_ffs3A : vector<16xi32>
              %and3A_905 = arith.andi %while3A_859, %ne3A_904 : vector<16xi1>
              scf.yield %and3A_905 : vector<16xi1>
            }
            %get3A_853 = arith.constant 208 : index
            %get3A_854 = tpu.vector_load %arg15[%get3A_853] {strides = array<i32>} : memref<256xf32, #tpu.memory_space<vmem>>, vector<16xf32>,
            %reduce_max3A = arith.constant true
            %reduce_max3A_855 = vector.broadcast %reduce_max3A : i1 to vector<16xi1>
            %reduce_max3A_856 = tpu.scan <max>, %get3A_854 masked %reduce_max3A_855 : vector<16xf32>, vector<16xi1> -> vector<16xf32>
            %reduce_max3A_857 = vector.extract %reduce_max3A_856[15] : f32 from vector<16xf32>
            %broadcast_in_dim3A_858 = vector.broadcast %reduce_max3A_857 : f32 to vector<16xf32>
            scf.yield %broadcast_in_dim3A_858 : vector<16xf32>
          } else {
            scf.yield %scan3A_628 : vector<16xf32>
          }
          %reduce_or3A_835 = arith.constant 1.000000e+00 : f32
          %reduce_or3A_836 = arith.constant 0.000000e+00 : f32
          %reduce_or3A_837 = vector.broadcast %reduce_or3A_835 : f32 to vector<16xf32>
          %reduce_or3A_838 = vector.broadcast %reduce_or3A_836 : f32 to vector<16xf32>
          %reduce_or3A_839 = arith.select %lt3A_709, %reduce_or3A_837, %reduce_or3A_838 : vector<16xi1>, vector<16xf32>
          %reduce_or3A_840 = arith.constant true
          %reduce_or3A_841 = vector.broadcast %reduce_or3A_840 : i1 to vector<16xi1>
          %reduce_or3A_842 = tpu.scan <max>, %reduce_or3A_839 masked %reduce_or3A_841 : vector<16xf32>, vector<16xi1> -> vector<16xf32>
          %reduce_or3A_843 = vector.extract %reduce_or3A_842[15] : f32 from vector<16xf32>
          %reduce_or3A_844 = arith.constant 0.000000e+00 : f32
          %reduce_or3A_845 = arith.cmpf ogt, %reduce_or3A_843, %reduce_or3A_844 : f32
          %convert_element_type3A_846 = arith.extui %reduce_or3A_845 : i1 to i32
          %cond3A_847 = arith.constant 0 : i32
          %cond3A_848 = arith.cmpi ne, %convert_element_type3A_846, %cond3A_847 : i32
          %cond3A_849 = scf.if %cond3A_848 -> (vector<16xf32>) {
            %swap3A_850 = arith.constant 0 : index
            %swap3A_851 = tpu.vector_load %arg20[%swap3A_850] {strides = array<i32>} : memref<16xf32, #tpu.memory_space<vmem>>, vector<16xf32>,
            tpu.vector_store %arg20[%swap3A_850], %add3A_708 {strides = array<i32>} : memref<16xf32, #tpu.memory_space<vmem>>, vector<16xf32>,
            %broadcast_in_dim3A_852 = vector.broadcast %mul3A_631 : i32 to vector<16xi32>
            %while3A = scf.while (%while3A_859 = %lt3A_709) : (vector<16xi1>) -> vector<16xi1> {
              %reduce_or3A_860 = arith.constant 1.000000e+00 : f32
              %reduce_or3A_861 = arith.constant 0.000000e+00 : f32
              %reduce_or3A_862 = vector.broadcast %reduce_or3A_860 : f32 to vector<16xf32>
              %reduce_or3A_863 = vector.broadcast %reduce_or3A_861 : f32 to vector<16xf32>
              %reduce_or3A_864 = arith.select %while3A_859, %reduce_or3A_862, %reduce_or3A_863 : vector<16xi1>, vector<16xf32>
              %reduce_or3A_865 = arith.constant true
              %reduce_or3A_866 = vector.broadcast %reduce_or3A_865 : i1 to vector<16xi1>
              %reduce_or3A_867 = tpu.scan <max>, %reduce_or3A_864 masked %reduce_or3A_866 : vector<16xf32>, vector<16xi1> -> vector<16xf32>
              %reduce_or3A_868 = vector.extract %reduce_or3A_867[15] : f32 from vector<16xf32>
              %reduce_or3A_869 = arith.constant 0.000000e+00 : f32
              %reduce_or3A_870 = arith.cmpf ogt, %reduce_or3A_868, %reduce_or3A_869 : f32
              scf.condition(%reduce_or3A_870) %while3A_859 : vector<16xi1>
            } do {
            ^bb0(%while3A_859: vector<16xi1>):
              %all_reduce_ffs3A = tpu.all_reduce %while3A_859 {dim = 0 : i64, kind = #tpu.reduction_kind<find_first_set>} : vector<16xi1> -> vector<16xi32>
              %gather3A_860 = tpu.vector_load_idx %arg20[%all_reduce_ffs3A] : memref<16xf32, #tpu.memory_space<vmem>>[vector<16xi32>], vector<16xf32>,
              %add3A_861 = arith.addi %broadcast_in_dim3A_852, %all_reduce_ffs3A : vector<16xi32>
              %get3A_862 = arith.constant 224 : index
              %get3A_863 = tpu.vector_load %arg15[%get3A_862] {strides = array<i32>} : memref<256xf32, #tpu.memory_space<vmem>>, vector<16xf32>,
              %get3A_864 = arith.constant 240 : index
              %get3A_865 = tpu.vector_load %arg15[%get3A_864] {strides = array<i32>} : memref<256xf32, #tpu.memory_space<vmem>>, vector<16xf32>,
              %get3A_866 = arith.constant 224 : index
              %get3A_867 = tpu.vector_load %arg16[%get3A_866] {strides = array<i32>} : memref<256xi32, #tpu.memory_space<vmem>>, vector<16xi32>,
              %get3A_868 = arith.constant 240 : index
              %get3A_869 = tpu.vector_load %arg16[%get3A_868] {strides = array<i32>} : memref<256xi32, #tpu.memory_space<vmem>>, vector<16xi32>,
              %le3A = arith.cmpf ole, %get3A_863, %gather3A_860 : vector<16xf32>
              %all_reduce_population_count3A = tpu.all_reduce %le3A {dim = 0 : i64, kind = #tpu.reduction_kind<sum>} : vector<16xi1> -> vector<16xi32>
              %le3A_870 = arith.cmpf ole, %get3A_865, %gather3A_860 : vector<16xf32>
              %all_reduce_population_count3A_871 = tpu.all_reduce %le3A_870 {dim = 0 : i64, kind = #tpu.reduction_kind<sum>} : vector<16xi1> -> vector<16xi32>
              %add3A_872 = arith.addi %all_reduce_population_count3A, %all_reduce_population_count3A_871 : vector<16xi32>
              %ge3A = arith.cmpi sge, %iota3A, %add3A_872 : vector<16xi32>
              %jit3A_873 = arith.constant 1 : i32
              %jit3A_874 = arith.constant 0 : i32
              %broadcast_in_dim3A_875 = vector.broadcast %jit3A_873 : i32 to vector<16xi32>
              %broadcast_in_dim3A_876 = vector.broadcast %jit3A_874 : i32 to vector<16xi32>
              %select_n3A_877 = arith.select %ge3A, %broadcast_in_dim3A_875, %broadcast_in_dim3A_876 : vector<16xi1>, vector<16xi32>
              %add3A_878 = arith.addi %iota3A, %select_n3A_877 : vector<16xi32>
              %add3A_879 = arith.constant 16 : i32
              %add3A_880 = vector.broadcast %add3A_879 : i32 to vector<16xi32>
              %add3A_881 = arith.addi %iota3A, %add3A_880 : vector<16xi32>
              %ge3A_882 = arith.cmpi sge, %add3A_881, %add3A_872 : vector<16xi32>
              %jit3A_883 = arith.constant 1 : i32
              %jit3A_884 = arith.constant 0 : i32
              %broadcast_in_dim3A_885 = vector.broadcast %jit3A_883 : i32 to vector<16xi32>
              %broadcast_in_dim3A_886 = vector.broadcast %jit3A_884 : i32 to vector<16xi32>
              %select_n3A_887 = arith.select %ge3A_882, %broadcast_in_dim3A_885, %broadcast_in_dim3A_886 : vector<16xi1>, vector<16xi32>
              %add3A_888 = arith.addi %add3A_881, %select_n3A_887 : vector<16xi32>
              %lt3A_889 = arith.constant 32 : i32
              %lt3A_890 = vector.broadcast %lt3A_889 : i32 to vector<16xi32>
              %lt3A_891 = arith.cmpi slt, %add3A_888, %lt3A_890 : vector<16xi32>
              %broadcast_in_dim3A_892 = arith.constant 224 : i32
              %broadcast_in_dim3A_893 = vector.broadcast %broadcast_in_dim3A_892 : i32 to vector<16xi32>
              %add3A_894 = arith.addi %broadcast_in_dim3A_893, %add3A_878 : vector<16xi32>
              tpu.vector_store_idx %arg15[%add3A_894], %get3A_863 : memref<256xf32, #tpu.memory_space<vmem>>[vector<16xi32>], vector<16xf32>,
              %add3A_895 = arith.addi %broadcast_in_dim3A_893, %add3A_878 : vector<16xi32>
              tpu.vector_store_idx %arg16[%add3A_895], %get3A_867 : memref<256xi32, #tpu.memory_space<vmem>>[vector<16xi32>], vector<16xi32>,
              %add3A_896 = arith.addi %broadcast_in_dim3A_893, %add3A_888 : vector<16xi32>
              tpu.vector_store_idx %arg15[%add3A_896], %get3A_865 masked %lt3A_891 : memref<256xf32, #tpu.memory_space<vmem>>[vector<16xi32>], vector<16xf32>, vector<16xi1>
              %add3A_897 = arith.addi %broadcast_in_dim3A_893, %add3A_888 : vector<16xi32>
              tpu.vector_store_idx %arg16[%add3A_897], %get3A_869 masked %lt3A_891 : memref<256xi32, #tpu.memory_space<vmem>>[vector<16xi32>], vector<16xi32>, vector<16xi1>
              %lt3A_898 = arith.constant 32 : i32
              %lt3A_899 = vector.broadcast %lt3A_898 : i32 to vector<16xi32>
              %lt3A_900 = arith.cmpi slt, %add3A_872, %lt3A_899 : vector<16xi32>
              %and3A_901 = arith.andi %eq3A_37, %lt3A_900 : vector<16xi1>
              %add3A_902 = arith.addi %broadcast_in_dim3A_893, %add3A_872 : vector<16xi32>
              tpu.vector_store_idx %arg15[%add3A_902], %gather3A_860 masked %and3A_901 : memref<256xf32, #tpu.memory_space<vmem>>[vector<16xi32>], vector<16xf32>, vector<16xi1>
              %add3A_903 = arith.addi %broadcast_in_dim3A_893, %add3A_872 : vector<16xi32>
              tpu.vector_store_idx %arg16[%add3A_903], %add3A_861 masked %and3A_901 : memref<256xi32, #tpu.memory_space<vmem>>[vector<16xi32>], vector<16xi32>, vector<16xi1>
              %ne3A_904 = arith.cmpi ne, %iota3A, %all_reduce_ffs3A : vector<16xi32>
              %and3A_905 = arith.andi %while3A_859, %ne3A_904 : vector<16xi1>
              scf.yield %and3A_905 : vector<16xi1>
            }
            %get3A_853 = arith.constant 240 : index
            %get3A_854 = tpu.vector_load %arg15[%get3A_853] {strides = array<i32>} : memref<256xf32, #tpu.memory_space<vmem>>, vector<16xf32>,
            %reduce_max3A = arith.constant true
            %reduce_max3A_855 = vector.broadcast %reduce_max3A : i1 to vector<16xi1>
            %reduce_max3A_856 = tpu.scan <max>, %get3A_854 masked %reduce_max3A_855 : vector<16xf32>, vector<16xi1> -> vector<16xf32>
            %reduce_max3A_857 = vector.extract %reduce_max3A_856[15] : f32 from vector<16xf32>
            %broadcast_in_dim3A_858 = vector.broadcast %reduce_max3A_857 : f32 to vector<16xf32>
            scf.yield %broadcast_in_dim3A_858 : vector<16xf32>
          } else {
            scf.yield %scan3A_629 : vector<16xf32>
          }
          scf.yield %cond3A_744, %cond3A_759, %cond3A_774, %cond3A_789, %cond3A_804, %cond3A_819, %cond3A_834, %cond3A_849 : vector<16xf32>, vector<16xf32>, vector<16xf32>, vector<16xf32>, vector<16xf32>, vector<16xf32>, vector<16xf32>, vector<16xf32>
        } else {
          scf.yield %scan3A_622, %scan3A_623, %scan3A_624, %scan3A_625, %scan3A_626, %scan3A_627, %scan3A_628, %scan3A_629 : vector<16xf32>, vector<16xf32>, vector<16xf32>, vector<16xf32>, vector<16xf32>, vector<16xf32>, vector<16xf32>, vector<16xf32>
        }
        scf.yield %cond3A_729#0, %cond3A_729#1, %cond3A_729#2, %cond3A_729#3, %cond3A_729#4, %cond3A_729#5, %cond3A_729#6, %cond3A_729#7 : vector<16xf32>, vector<16xf32>, vector<16xf32>, vector<16xf32>, vector<16xf32>, vector<16xf32>, vector<16xf32>, vector<16xf32>
      }
      %scan3A_237 = arith.constant 512 : i32
      %mul3A_238 = arith.constant 8 : i32
      %mul3A_239 = arith.muli %scan3A_85, %mul3A_238 : i32
      %add3A_240 = arith.constant 0 : i32
      %add3A_241 = arith.addi %mul3A_239, %add3A_240 : i32
      %get3A = arith.constant 0 : index
      %get3A_242 = tpu.vector_load %arg16[%get3A] {strides = array<i32>} : memref<256xi32, #tpu.memory_space<vmem>>, vector<16xi32>,
      %get3A_243 = arith.constant 16 : index
      %get3A_244 = tpu.vector_load %arg16[%get3A_243] {strides = array<i32>} : memref<256xi32, #tpu.memory_space<vmem>>, vector<16xi32>,
      %mul3A_245 = arith.constant 32 : i32
      %mul3A_246 = arith.muli %add3A_241, %mul3A_245 : i32
      %swap3A_247 = arith.index_cast %mul3A_246 : i32 to index
      %swap3A_248 = tpu.vector_load %arg18[%swap3A_247] {strides = array<i32>} : memref<4096xi32, #tpu.memory_space<vmem>>, vector<16xi32>,
      tpu.vector_store %arg18[%swap3A_247], %get3A_242 {strides = array<i32>} : memref<4096xi32, #tpu.memory_space<vmem>>, vector<16xi32>,
      %mul3A_249 = arith.constant 32 : i32
      %mul3A_250 = arith.muli %add3A_241, %mul3A_249 : i32
      %add3A_251 = arith.constant 16 : i32
      %add3A_252 = arith.addi %mul3A_250, %add3A_251 : i32
      %swap3A_253 = arith.index_cast %add3A_252 : i32 to index
      %swap3A_254 = tpu.vector_load %arg18[%swap3A_253] {strides = array<i32>} : memref<4096xi32, #tpu.memory_space<vmem>>, vector<16xi32>,
      tpu.vector_store %arg18[%swap3A_253], %get3A_244 {strides = array<i32>} : memref<4096xi32, #tpu.memory_space<vmem>>, vector<16xi32>,
      %mul3A_255 = arith.constant 32 : i32
      %mul3A_256 = arith.muli %add3A_241, %mul3A_255 : i32
      %mul3A_257 = arith.constant 3 : i32
      %mul3A_258 = arith.muli %mul3A_256, %mul3A_257 : i32
      %broadcast_in_dim3A_259 = vector.broadcast %mul3A_258 : i32 to vector<16xi32>
      %mul3A_260 = arith.constant 3 : i32
      %mul3A_261 = vector.broadcast %mul3A_260 : i32 to vector<16xi32>
      %mul3A_262 = arith.muli %iota3A, %mul3A_261 : vector<16xi32>
      %add3A_263 = arith.addi %broadcast_in_dim3A_259, %mul3A_262 : vector<16xi32>
      %add3A_264 = arith.constant 48 : i32
      %add3A_265 = vector.broadcast %add3A_264 : i32 to vector<16xi32>
      %add3A_266 = arith.addi %add3A_263, %add3A_265 : vector<16xi32>
      %gather3A_267 = tpu.vector_load_idx %arg8[%get3A_242] : memref<8192xf32, #tpu.memory_space<vmem>>[vector<16xi32>], vector<16xf32>,
      %gather3A_268 = tpu.vector_load_idx %arg9[%get3A_242] : memref<8192xf32, #tpu.memory_space<vmem>>[vector<16xi32>], vector<16xf32>,
      %gather3A_269 = tpu.vector_load_idx %arg10[%get3A_242] : memref<8192xf32, #tpu.memory_space<vmem>>[vector<16xi32>], vector<16xf32>,
      tpu.vector_store_idx %arg17[%add3A_263], %gather3A_267 : memref<12288xf32, #tpu.memory_space<vmem>>[vector<16xi32>], vector<16xf32>,
      %add3A_270 = arith.constant 1 : i32
      %add3A_271 = vector.broadcast %add3A_270 : i32 to vector<16xi32>
      %add3A_272 = arith.addi %add3A_263, %add3A_271 : vector<16xi32>
      tpu.vector_store_idx %arg17[%add3A_272], %gather3A_268 : memref<12288xf32, #tpu.memory_space<vmem>>[vector<16xi32>], vector<16xf32>,
      %add3A_273 = arith.constant 2 : i32
      %add3A_274 = vector.broadcast %add3A_273 : i32 to vector<16xi32>
      %add3A_275 = arith.addi %add3A_263, %add3A_274 : vector<16xi32>
      tpu.vector_store_idx %arg17[%add3A_275], %gather3A_269 : memref<12288xf32, #tpu.memory_space<vmem>>[vector<16xi32>], vector<16xf32>,
      %gather3A_276 = tpu.vector_load_idx %arg8[%get3A_244] : memref<8192xf32, #tpu.memory_space<vmem>>[vector<16xi32>], vector<16xf32>,
      %gather3A_277 = tpu.vector_load_idx %arg9[%get3A_244] : memref<8192xf32, #tpu.memory_space<vmem>>[vector<16xi32>], vector<16xf32>,
      %gather3A_278 = tpu.vector_load_idx %arg10[%get3A_244] : memref<8192xf32, #tpu.memory_space<vmem>>[vector<16xi32>], vector<16xf32>,
      tpu.vector_store_idx %arg17[%add3A_266], %gather3A_276 : memref<12288xf32, #tpu.memory_space<vmem>>[vector<16xi32>], vector<16xf32>,
      %add3A_279 = arith.constant 1 : i32
      %add3A_280 = vector.broadcast %add3A_279 : i32 to vector<16xi32>
      %add3A_281 = arith.addi %add3A_266, %add3A_280 : vector<16xi32>
      tpu.vector_store_idx %arg17[%add3A_281], %gather3A_277 : memref<12288xf32, #tpu.memory_space<vmem>>[vector<16xi32>], vector<16xf32>,
      %add3A_282 = arith.constant 2 : i32
      %add3A_283 = vector.broadcast %add3A_282 : i32 to vector<16xi32>
      %add3A_284 = arith.addi %add3A_266, %add3A_283 : vector<16xi32>
      tpu.vector_store_idx %arg17[%add3A_284], %gather3A_278 : memref<12288xf32, #tpu.memory_space<vmem>>[vector<16xi32>], vector<16xf32>,
      %mul3A_285 = arith.constant 8 : i32
      %mul3A_286 = arith.muli %scan3A_85, %mul3A_285 : i32
      %add3A_287 = arith.constant 1 : i32
      %add3A_288 = arith.addi %mul3A_286, %add3A_287 : i32
      %get3A_289 = arith.constant 32 : index
      %get3A_290 = tpu.vector_load %arg16[%get3A_289] {strides = array<i32>} : memref<256xi32, #tpu.memory_space<vmem>>, vector<16xi32>,
      %get3A_291 = arith.constant 48 : index
      %get3A_292 = tpu.vector_load %arg16[%get3A_291] {strides = array<i32>} : memref<256xi32, #tpu.memory_space<vmem>>, vector<16xi32>,
      %mul3A_293 = arith.constant 32 : i32
      %mul3A_294 = arith.muli %add3A_288, %mul3A_293 : i32
      %swap3A_295 = arith.index_cast %mul3A_294 : i32 to index
      %swap3A_296 = tpu.vector_load %arg18[%swap3A_295] {strides = array<i32>} : memref<4096xi32, #tpu.memory_space<vmem>>, vector<16xi32>,
      tpu.vector_store %arg18[%swap3A_295], %get3A_290 {strides = array<i32>} : memref<4096xi32, #tpu.memory_space<vmem>>, vector<16xi32>,
      %mul3A_297 = arith.constant 32 : i32
      %mul3A_298 = arith.muli %add3A_288, %mul3A_297 : i32
      %add3A_299 = arith.constant 16 : i32
      %add3A_300 = arith.addi %mul3A_298, %add3A_299 : i32
      %swap3A_301 = arith.index_cast %add3A_300 : i32 to index
      %swap3A_302 = tpu.vector_load %arg18[%swap3A_301] {strides = array<i32>} : memref<4096xi32, #tpu.memory_space<vmem>>, vector<16xi32>,
      tpu.vector_store %arg18[%swap3A_301], %get3A_292 {strides = array<i32>} : memref<4096xi32, #tpu.memory_space<vmem>>, vector<16xi32>,
      %mul3A_303 = arith.constant 32 : i32
      %mul3A_304 = arith.muli %add3A_288, %mul3A_303 : i32
      %mul3A_305 = arith.constant 3 : i32
      %mul3A_306 = arith.muli %mul3A_304, %mul3A_305 : i32
      %broadcast_in_dim3A_307 = vector.broadcast %mul3A_306 : i32 to vector<16xi32>
      %mul3A_308 = arith.constant 3 : i32
      %mul3A_309 = vector.broadcast %mul3A_308 : i32 to vector<16xi32>
      %mul3A_310 = arith.muli %iota3A, %mul3A_309 : vector<16xi32>
      %add3A_311 = arith.addi %broadcast_in_dim3A_307, %mul3A_310 : vector<16xi32>
      %add3A_312 = arith.constant 48 : i32
      %add3A_313 = vector.broadcast %add3A_312 : i32 to vector<16xi32>
      %add3A_314 = arith.addi %add3A_311, %add3A_313 : vector<16xi32>
      %gather3A_315 = tpu.vector_load_idx %arg8[%get3A_290] : memref<8192xf32, #tpu.memory_space<vmem>>[vector<16xi32>], vector<16xf32>,
      %gather3A_316 = tpu.vector_load_idx %arg9[%get3A_290] : memref<8192xf32, #tpu.memory_space<vmem>>[vector<16xi32>], vector<16xf32>,
      %gather3A_317 = tpu.vector_load_idx %arg10[%get3A_290] : memref<8192xf32, #tpu.memory_space<vmem>>[vector<16xi32>], vector<16xf32>,
      tpu.vector_store_idx %arg17[%add3A_311], %gather3A_315 : memref<12288xf32, #tpu.memory_space<vmem>>[vector<16xi32>], vector<16xf32>,
      %add3A_318 = arith.constant 1 : i32
      %add3A_319 = vector.broadcast %add3A_318 : i32 to vector<16xi32>
      %add3A_320 = arith.addi %add3A_311, %add3A_319 : vector<16xi32>
      tpu.vector_store_idx %arg17[%add3A_320], %gather3A_316 : memref<12288xf32, #tpu.memory_space<vmem>>[vector<16xi32>], vector<16xf32>,
      %add3A_321 = arith.constant 2 : i32
      %add3A_322 = vector.broadcast %add3A_321 : i32 to vector<16xi32>
      %add3A_323 = arith.addi %add3A_311, %add3A_322 : vector<16xi32>
      tpu.vector_store_idx %arg17[%add3A_323], %gather3A_317 : memref<12288xf32, #tpu.memory_space<vmem>>[vector<16xi32>], vector<16xf32>,
      %gather3A_324 = tpu.vector_load_idx %arg8[%get3A_292] : memref<8192xf32, #tpu.memory_space<vmem>>[vector<16xi32>], vector<16xf32>,
      %gather3A_325 = tpu.vector_load_idx %arg9[%get3A_292] : memref<8192xf32, #tpu.memory_space<vmem>>[vector<16xi32>], vector<16xf32>,
      %gather3A_326 = tpu.vector_load_idx %arg10[%get3A_292] : memref<8192xf32, #tpu.memory_space<vmem>>[vector<16xi32>], vector<16xf32>,
      tpu.vector_store_idx %arg17[%add3A_314], %gather3A_324 : memref<12288xf32, #tpu.memory_space<vmem>>[vector<16xi32>], vector<16xf32>,
      %add3A_327 = arith.constant 1 : i32
      %add3A_328 = vector.broadcast %add3A_327 : i32 to vector<16xi32>
      %add3A_329 = arith.addi %add3A_314, %add3A_328 : vector<16xi32>
      tpu.vector_store_idx %arg17[%add3A_329], %gather3A_325 : memref<12288xf32, #tpu.memory_space<vmem>>[vector<16xi32>], vector<16xf32>,
      %add3A_330 = arith.constant 2 : i32
      %add3A_331 = vector.broadcast %add3A_330 : i32 to vector<16xi32>
      %add3A_332 = arith.addi %add3A_314, %add3A_331 : vector<16xi32>
      tpu.vector_store_idx %arg17[%add3A_332], %gather3A_326 : memref<12288xf32, #tpu.memory_space<vmem>>[vector<16xi32>], vector<16xf32>,
      %mul3A_333 = arith.constant 8 : i32
      %mul3A_334 = arith.muli %scan3A_85, %mul3A_333 : i32
      %add3A_335 = arith.constant 2 : i32
      %add3A_336 = arith.addi %mul3A_334, %add3A_335 : i32
      %get3A_337 = arith.constant 64 : index
      %get3A_338 = tpu.vector_load %arg16[%get3A_337] {strides = array<i32>} : memref<256xi32, #tpu.memory_space<vmem>>, vector<16xi32>,
      %get3A_339 = arith.constant 80 : index
      %get3A_340 = tpu.vector_load %arg16[%get3A_339] {strides = array<i32>} : memref<256xi32, #tpu.memory_space<vmem>>, vector<16xi32>,
      %mul3A_341 = arith.constant 32 : i32
      %mul3A_342 = arith.muli %add3A_336, %mul3A_341 : i32
      %swap3A_343 = arith.index_cast %mul3A_342 : i32 to index
      %swap3A_344 = tpu.vector_load %arg18[%swap3A_343] {strides = array<i32>} : memref<4096xi32, #tpu.memory_space<vmem>>, vector<16xi32>,
      tpu.vector_store %arg18[%swap3A_343], %get3A_338 {strides = array<i32>} : memref<4096xi32, #tpu.memory_space<vmem>>, vector<16xi32>,
      %mul3A_345 = arith.constant 32 : i32
      %mul3A_346 = arith.muli %add3A_336, %mul3A_345 : i32
      %add3A_347 = arith.constant 16 : i32
      %add3A_348 = arith.addi %mul3A_346, %add3A_347 : i32
      %swap3A_349 = arith.index_cast %add3A_348 : i32 to index
      %swap3A_350 = tpu.vector_load %arg18[%swap3A_349] {strides = array<i32>} : memref<4096xi32, #tpu.memory_space<vmem>>, vector<16xi32>,
      tpu.vector_store %arg18[%swap3A_349], %get3A_340 {strides = array<i32>} : memref<4096xi32, #tpu.memory_space<vmem>>, vector<16xi32>,
      %mul3A_351 = arith.constant 32 : i32
      %mul3A_352 = arith.muli %add3A_336, %mul3A_351 : i32
      %mul3A_353 = arith.constant 3 : i32
      %mul3A_354 = arith.muli %mul3A_352, %mul3A_353 : i32
      %broadcast_in_dim3A_355 = vector.broadcast %mul3A_354 : i32 to vector<16xi32>
      %mul3A_356 = arith.constant 3 : i32
      %mul3A_357 = vector.broadcast %mul3A_356 : i32 to vector<16xi32>
      %mul3A_358 = arith.muli %iota3A, %mul3A_357 : vector<16xi32>
      %add3A_359 = arith.addi %broadcast_in_dim3A_355, %mul3A_358 : vector<16xi32>
      %add3A_360 = arith.constant 48 : i32
      %add3A_361 = vector.broadcast %add3A_360 : i32 to vector<16xi32>
      %add3A_362 = arith.addi %add3A_359, %add3A_361 : vector<16xi32>
      %gather3A_363 = tpu.vector_load_idx %arg8[%get3A_338] : memref<8192xf32, #tpu.memory_space<vmem>>[vector<16xi32>], vector<16xf32>,
      %gather3A_364 = tpu.vector_load_idx %arg9[%get3A_338] : memref<8192xf32, #tpu.memory_space<vmem>>[vector<16xi32>], vector<16xf32>,
      %gather3A_365 = tpu.vector_load_idx %arg10[%get3A_338] : memref<8192xf32, #tpu.memory_space<vmem>>[vector<16xi32>], vector<16xf32>,
      tpu.vector_store_idx %arg17[%add3A_359], %gather3A_363 : memref<12288xf32, #tpu.memory_space<vmem>>[vector<16xi32>], vector<16xf32>,
      %add3A_366 = arith.constant 1 : i32
      %add3A_367 = vector.broadcast %add3A_366 : i32 to vector<16xi32>
      %add3A_368 = arith.addi %add3A_359, %add3A_367 : vector<16xi32>
      tpu.vector_store_idx %arg17[%add3A_368], %gather3A_364 : memref<12288xf32, #tpu.memory_space<vmem>>[vector<16xi32>], vector<16xf32>,
      %add3A_369 = arith.constant 2 : i32
      %add3A_370 = vector.broadcast %add3A_369 : i32 to vector<16xi32>
      %add3A_371 = arith.addi %add3A_359, %add3A_370 : vector<16xi32>
      tpu.vector_store_idx %arg17[%add3A_371], %gather3A_365 : memref<12288xf32, #tpu.memory_space<vmem>>[vector<16xi32>], vector<16xf32>,
      %gather3A_372 = tpu.vector_load_idx %arg8[%get3A_340] : memref<8192xf32, #tpu.memory_space<vmem>>[vector<16xi32>], vector<16xf32>,
      %gather3A_373 = tpu.vector_load_idx %arg9[%get3A_340] : memref<8192xf32, #tpu.memory_space<vmem>>[vector<16xi32>], vector<16xf32>,
      %gather3A_374 = tpu.vector_load_idx %arg10[%get3A_340] : memref<8192xf32, #tpu.memory_space<vmem>>[vector<16xi32>], vector<16xf32>,
      tpu.vector_store_idx %arg17[%add3A_362], %gather3A_372 : memref<12288xf32, #tpu.memory_space<vmem>>[vector<16xi32>], vector<16xf32>,
      %add3A_375 = arith.constant 1 : i32
      %add3A_376 = vector.broadcast %add3A_375 : i32 to vector<16xi32>
      %add3A_377 = arith.addi %add3A_362, %add3A_376 : vector<16xi32>
      tpu.vector_store_idx %arg17[%add3A_377], %gather3A_373 : memref<12288xf32, #tpu.memory_space<vmem>>[vector<16xi32>], vector<16xf32>,
      %add3A_378 = arith.constant 2 : i32
      %add3A_379 = vector.broadcast %add3A_378 : i32 to vector<16xi32>
      %add3A_380 = arith.addi %add3A_362, %add3A_379 : vector<16xi32>
      tpu.vector_store_idx %arg17[%add3A_380], %gather3A_374 : memref<12288xf32, #tpu.memory_space<vmem>>[vector<16xi32>], vector<16xf32>,
      %mul3A_381 = arith.constant 8 : i32
      %mul3A_382 = arith.muli %scan3A_85, %mul3A_381 : i32
      %add3A_383 = arith.constant 3 : i32
      %add3A_384 = arith.addi %mul3A_382, %add3A_383 : i32
      %get3A_385 = arith.constant 96 : index
      %get3A_386 = tpu.vector_load %arg16[%get3A_385] {strides = array<i32>} : memref<256xi32, #tpu.memory_space<vmem>>, vector<16xi32>,
      %get3A_387 = arith.constant 112 : index
      %get3A_388 = tpu.vector_load %arg16[%get3A_387] {strides = array<i32>} : memref<256xi32, #tpu.memory_space<vmem>>, vector<16xi32>,
      %mul3A_389 = arith.constant 32 : i32
      %mul3A_390 = arith.muli %add3A_384, %mul3A_389 : i32
      %swap3A_391 = arith.index_cast %mul3A_390 : i32 to index
      %swap3A_392 = tpu.vector_load %arg18[%swap3A_391] {strides = array<i32>} : memref<4096xi32, #tpu.memory_space<vmem>>, vector<16xi32>,
      tpu.vector_store %arg18[%swap3A_391], %get3A_386 {strides = array<i32>} : memref<4096xi32, #tpu.memory_space<vmem>>, vector<16xi32>,
      %mul3A_393 = arith.constant 32 : i32
      %mul3A_394 = arith.muli %add3A_384, %mul3A_393 : i32
      %add3A_395 = arith.constant 16 : i32
      %add3A_396 = arith.addi %mul3A_394, %add3A_395 : i32
      %swap3A_397 = arith.index_cast %add3A_396 : i32 to index
      %swap3A_398 = tpu.vector_load %arg18[%swap3A_397] {strides = array<i32>} : memref<4096xi32, #tpu.memory_space<vmem>>, vector<16xi32>,
      tpu.vector_store %arg18[%swap3A_397], %get3A_388 {strides = array<i32>} : memref<4096xi32, #tpu.memory_space<vmem>>, vector<16xi32>,
      %mul3A_399 = arith.constant 32 : i32
      %mul3A_400 = arith.muli %add3A_384, %mul3A_399 : i32
      %mul3A_401 = arith.constant 3 : i32
      %mul3A_402 = arith.muli %mul3A_400, %mul3A_401 : i32
      %broadcast_in_dim3A_403 = vector.broadcast %mul3A_402 : i32 to vector<16xi32>
      %mul3A_404 = arith.constant 3 : i32
      %mul3A_405 = vector.broadcast %mul3A_404 : i32 to vector<16xi32>
      %mul3A_406 = arith.muli %iota3A, %mul3A_405 : vector<16xi32>
      %add3A_407 = arith.addi %broadcast_in_dim3A_403, %mul3A_406 : vector<16xi32>
      %add3A_408 = arith.constant 48 : i32
      %add3A_409 = vector.broadcast %add3A_408 : i32 to vector<16xi32>
      %add3A_410 = arith.addi %add3A_407, %add3A_409 : vector<16xi32>
      %gather3A_411 = tpu.vector_load_idx %arg8[%get3A_386] : memref<8192xf32, #tpu.memory_space<vmem>>[vector<16xi32>], vector<16xf32>,
      %gather3A_412 = tpu.vector_load_idx %arg9[%get3A_386] : memref<8192xf32, #tpu.memory_space<vmem>>[vector<16xi32>], vector<16xf32>,
      %gather3A_413 = tpu.vector_load_idx %arg10[%get3A_386] : memref<8192xf32, #tpu.memory_space<vmem>>[vector<16xi32>], vector<16xf32>,
      tpu.vector_store_idx %arg17[%add3A_407], %gather3A_411 : memref<12288xf32, #tpu.memory_space<vmem>>[vector<16xi32>], vector<16xf32>,
      %add3A_414 = arith.constant 1 : i32
      %add3A_415 = vector.broadcast %add3A_414 : i32 to vector<16xi32>
      %add3A_416 = arith.addi %add3A_407, %add3A_415 : vector<16xi32>
      tpu.vector_store_idx %arg17[%add3A_416], %gather3A_412 : memref<12288xf32, #tpu.memory_space<vmem>>[vector<16xi32>], vector<16xf32>,
      %add3A_417 = arith.constant 2 : i32
      %add3A_418 = vector.broadcast %add3A_417 : i32 to vector<16xi32>
      %add3A_419 = arith.addi %add3A_407, %add3A_418 : vector<16xi32>
      tpu.vector_store_idx %arg17[%add3A_419], %gather3A_413 : memref<12288xf32, #tpu.memory_space<vmem>>[vector<16xi32>], vector<16xf32>,
      %gather3A_420 = tpu.vector_load_idx %arg8[%get3A_388] : memref<8192xf32, #tpu.memory_space<vmem>>[vector<16xi32>], vector<16xf32>,
      %gather3A_421 = tpu.vector_load_idx %arg9[%get3A_388] : memref<8192xf32, #tpu.memory_space<vmem>>[vector<16xi32>], vector<16xf32>,
      %gather3A_422 = tpu.vector_load_idx %arg10[%get3A_388] : memref<8192xf32, #tpu.memory_space<vmem>>[vector<16xi32>], vector<16xf32>,
      tpu.vector_store_idx %arg17[%add3A_410], %gather3A_420 : memref<12288xf32, #tpu.memory_space<vmem>>[vector<16xi32>], vector<16xf32>,
      %add3A_423 = arith.constant 1 : i32
      %add3A_424 = vector.broadcast %add3A_423 : i32 to vector<16xi32>
      %add3A_425 = arith.addi %add3A_410, %add3A_424 : vector<16xi32>
      tpu.vector_store_idx %arg17[%add3A_425], %gather3A_421 : memref<12288xf32, #tpu.memory_space<vmem>>[vector<16xi32>], vector<16xf32>,
      %add3A_426 = arith.constant 2 : i32
      %add3A_427 = vector.broadcast %add3A_426 : i32 to vector<16xi32>
      %add3A_428 = arith.addi %add3A_410, %add3A_427 : vector<16xi32>
      tpu.vector_store_idx %arg17[%add3A_428], %gather3A_422 : memref<12288xf32, #tpu.memory_space<vmem>>[vector<16xi32>], vector<16xf32>,
      %mul3A_429 = arith.constant 8 : i32
      %mul3A_430 = arith.muli %scan3A_85, %mul3A_429 : i32
      %add3A_431 = arith.constant 4 : i32
      %add3A_432 = arith.addi %mul3A_430, %add3A_431 : i32
      %get3A_433 = arith.constant 128 : index
      %get3A_434 = tpu.vector_load %arg16[%get3A_433] {strides = array<i32>} : memref<256xi32, #tpu.memory_space<vmem>>, vector<16xi32>,
      %get3A_435 = arith.constant 144 : index
      %get3A_436 = tpu.vector_load %arg16[%get3A_435] {strides = array<i32>} : memref<256xi32, #tpu.memory_space<vmem>>, vector<16xi32>,
      %mul3A_437 = arith.constant 32 : i32
      %mul3A_438 = arith.muli %add3A_432, %mul3A_437 : i32
      %swap3A_439 = arith.index_cast %mul3A_438 : i32 to index
      %swap3A_440 = tpu.vector_load %arg18[%swap3A_439] {strides = array<i32>} : memref<4096xi32, #tpu.memory_space<vmem>>, vector<16xi32>,
      tpu.vector_store %arg18[%swap3A_439], %get3A_434 {strides = array<i32>} : memref<4096xi32, #tpu.memory_space<vmem>>, vector<16xi32>,
      %mul3A_441 = arith.constant 32 : i32
      %mul3A_442 = arith.muli %add3A_432, %mul3A_441 : i32
      %add3A_443 = arith.constant 16 : i32
      %add3A_444 = arith.addi %mul3A_442, %add3A_443 : i32
      %swap3A_445 = arith.index_cast %add3A_444 : i32 to index
      %swap3A_446 = tpu.vector_load %arg18[%swap3A_445] {strides = array<i32>} : memref<4096xi32, #tpu.memory_space<vmem>>, vector<16xi32>,
      tpu.vector_store %arg18[%swap3A_445], %get3A_436 {strides = array<i32>} : memref<4096xi32, #tpu.memory_space<vmem>>, vector<16xi32>,
      %mul3A_447 = arith.constant 32 : i32
      %mul3A_448 = arith.muli %add3A_432, %mul3A_447 : i32
      %mul3A_449 = arith.constant 3 : i32
      %mul3A_450 = arith.muli %mul3A_448, %mul3A_449 : i32
      %broadcast_in_dim3A_451 = vector.broadcast %mul3A_450 : i32 to vector<16xi32>
      %mul3A_452 = arith.constant 3 : i32
      %mul3A_453 = vector.broadcast %mul3A_452 : i32 to vector<16xi32>
      %mul3A_454 = arith.muli %iota3A, %mul3A_453 : vector<16xi32>
      %add3A_455 = arith.addi %broadcast_in_dim3A_451, %mul3A_454 : vector<16xi32>
      %add3A_456 = arith.constant 48 : i32
      %add3A_457 = vector.broadcast %add3A_456 : i32 to vector<16xi32>
      %add3A_458 = arith.addi %add3A_455, %add3A_457 : vector<16xi32>
      %gather3A_459 = tpu.vector_load_idx %arg8[%get3A_434] : memref<8192xf32, #tpu.memory_space<vmem>>[vector<16xi32>], vector<16xf32>,
      %gather3A_460 = tpu.vector_load_idx %arg9[%get3A_434] : memref<8192xf32, #tpu.memory_space<vmem>>[vector<16xi32>], vector<16xf32>,
      %gather3A_461 = tpu.vector_load_idx %arg10[%get3A_434] : memref<8192xf32, #tpu.memory_space<vmem>>[vector<16xi32>], vector<16xf32>,
      tpu.vector_store_idx %arg17[%add3A_455], %gather3A_459 : memref<12288xf32, #tpu.memory_space<vmem>>[vector<16xi32>], vector<16xf32>,
      %add3A_462 = arith.constant 1 : i32
      %add3A_463 = vector.broadcast %add3A_462 : i32 to vector<16xi32>
      %add3A_464 = arith.addi %add3A_455, %add3A_463 : vector<16xi32>
      tpu.vector_store_idx %arg17[%add3A_464], %gather3A_460 : memref<12288xf32, #tpu.memory_space<vmem>>[vector<16xi32>], vector<16xf32>,
      %add3A_465 = arith.constant 2 : i32
      %add3A_466 = vector.broadcast %add3A_465 : i32 to vector<16xi32>
      %add3A_467 = arith.addi %add3A_455, %add3A_466 : vector<16xi32>
      tpu.vector_store_idx %arg17[%add3A_467], %gather3A_461 : memref<12288xf32, #tpu.memory_space<vmem>>[vector<16xi32>], vector<16xf32>,
      %gather3A_468 = tpu.vector_load_idx %arg8[%get3A_436] : memref<8192xf32, #tpu.memory_space<vmem>>[vector<16xi32>], vector<16xf32>,
      %gather3A_469 = tpu.vector_load_idx %arg9[%get3A_436] : memref<8192xf32, #tpu.memory_space<vmem>>[vector<16xi32>], vector<16xf32>,
      %gather3A_470 = tpu.vector_load_idx %arg10[%get3A_436] : memref<8192xf32, #tpu.memory_space<vmem>>[vector<16xi32>], vector<16xf32>,
      tpu.vector_store_idx %arg17[%add3A_458], %gather3A_468 : memref<12288xf32, #tpu.memory_space<vmem>>[vector<16xi32>], vector<16xf32>,
      %add3A_471 = arith.constant 1 : i32
      %add3A_472 = vector.broadcast %add3A_471 : i32 to vector<16xi32>
      %add3A_473 = arith.addi %add3A_458, %add3A_472 : vector<16xi32>
      tpu.vector_store_idx %arg17[%add3A_473], %gather3A_469 : memref<12288xf32, #tpu.memory_space<vmem>>[vector<16xi32>], vector<16xf32>,
      %add3A_474 = arith.constant 2 : i32
      %add3A_475 = vector.broadcast %add3A_474 : i32 to vector<16xi32>
      %add3A_476 = arith.addi %add3A_458, %add3A_475 : vector<16xi32>
      tpu.vector_store_idx %arg17[%add3A_476], %gather3A_470 : memref<12288xf32, #tpu.memory_space<vmem>>[vector<16xi32>], vector<16xf32>,
      %mul3A_477 = arith.constant 8 : i32
      %mul3A_478 = arith.muli %scan3A_85, %mul3A_477 : i32
      %add3A_479 = arith.constant 5 : i32
      %add3A_480 = arith.addi %mul3A_478, %add3A_479 : i32
      %get3A_481 = arith.constant 160 : index
      %get3A_482 = tpu.vector_load %arg16[%get3A_481] {strides = array<i32>} : memref<256xi32, #tpu.memory_space<vmem>>, vector<16xi32>,
      %get3A_483 = arith.constant 176 : index
      %get3A_484 = tpu.vector_load %arg16[%get3A_483] {strides = array<i32>} : memref<256xi32, #tpu.memory_space<vmem>>, vector<16xi32>,
      %mul3A_485 = arith.constant 32 : i32
      %mul3A_486 = arith.muli %add3A_480, %mul3A_485 : i32
      %swap3A_487 = arith.index_cast %mul3A_486 : i32 to index
      %swap3A_488 = tpu.vector_load %arg18[%swap3A_487] {strides = array<i32>} : memref<4096xi32, #tpu.memory_space<vmem>>, vector<16xi32>,
      tpu.vector_store %arg18[%swap3A_487], %get3A_482 {strides = array<i32>} : memref<4096xi32, #tpu.memory_space<vmem>>, vector<16xi32>,
      %mul3A_489 = arith.constant 32 : i32
      %mul3A_490 = arith.muli %add3A_480, %mul3A_489 : i32
      %add3A_491 = arith.constant 16 : i32
      %add3A_492 = arith.addi %mul3A_490, %add3A_491 : i32
      %swap3A_493 = arith.index_cast %add3A_492 : i32 to index
      %swap3A_494 = tpu.vector_load %arg18[%swap3A_493] {strides = array<i32>} : memref<4096xi32, #tpu.memory_space<vmem>>, vector<16xi32>,
      tpu.vector_store %arg18[%swap3A_493], %get3A_484 {strides = array<i32>} : memref<4096xi32, #tpu.memory_space<vmem>>, vector<16xi32>,
      %mul3A_495 = arith.constant 32 : i32
      %mul3A_496 = arith.muli %add3A_480, %mul3A_495 : i32
      %mul3A_497 = arith.constant 3 : i32
      %mul3A_498 = arith.muli %mul3A_496, %mul3A_497 : i32
      %broadcast_in_dim3A_499 = vector.broadcast %mul3A_498 : i32 to vector<16xi32>
      %mul3A_500 = arith.constant 3 : i32
      %mul3A_501 = vector.broadcast %mul3A_500 : i32 to vector<16xi32>
      %mul3A_502 = arith.muli %iota3A, %mul3A_501 : vector<16xi32>
      %add3A_503 = arith.addi %broadcast_in_dim3A_499, %mul3A_502 : vector<16xi32>
      %add3A_504 = arith.constant 48 : i32
      %add3A_505 = vector.broadcast %add3A_504 : i32 to vector<16xi32>
      %add3A_506 = arith.addi %add3A_503, %add3A_505 : vector<16xi32>
      %gather3A_507 = tpu.vector_load_idx %arg8[%get3A_482] : memref<8192xf32, #tpu.memory_space<vmem>>[vector<16xi32>], vector<16xf32>,
      %gather3A_508 = tpu.vector_load_idx %arg9[%get3A_482] : memref<8192xf32, #tpu.memory_space<vmem>>[vector<16xi32>], vector<16xf32>,
      %gather3A_509 = tpu.vector_load_idx %arg10[%get3A_482] : memref<8192xf32, #tpu.memory_space<vmem>>[vector<16xi32>], vector<16xf32>,
      tpu.vector_store_idx %arg17[%add3A_503], %gather3A_507 : memref<12288xf32, #tpu.memory_space<vmem>>[vector<16xi32>], vector<16xf32>,
      %add3A_510 = arith.constant 1 : i32
      %add3A_511 = vector.broadcast %add3A_510 : i32 to vector<16xi32>
      %add3A_512 = arith.addi %add3A_503, %add3A_511 : vector<16xi32>
      tpu.vector_store_idx %arg17[%add3A_512], %gather3A_508 : memref<12288xf32, #tpu.memory_space<vmem>>[vector<16xi32>], vector<16xf32>,
      %add3A_513 = arith.constant 2 : i32
      %add3A_514 = vector.broadcast %add3A_513 : i32 to vector<16xi32>
      %add3A_515 = arith.addi %add3A_503, %add3A_514 : vector<16xi32>
      tpu.vector_store_idx %arg17[%add3A_515], %gather3A_509 : memref<12288xf32, #tpu.memory_space<vmem>>[vector<16xi32>], vector<16xf32>,
      %gather3A_516 = tpu.vector_load_idx %arg8[%get3A_484] : memref<8192xf32, #tpu.memory_space<vmem>>[vector<16xi32>], vector<16xf32>,
      %gather3A_517 = tpu.vector_load_idx %arg9[%get3A_484] : memref<8192xf32, #tpu.memory_space<vmem>>[vector<16xi32>], vector<16xf32>,
      %gather3A_518 = tpu.vector_load_idx %arg10[%get3A_484] : memref<8192xf32, #tpu.memory_space<vmem>>[vector<16xi32>], vector<16xf32>,
      tpu.vector_store_idx %arg17[%add3A_506], %gather3A_516 : memref<12288xf32, #tpu.memory_space<vmem>>[vector<16xi32>], vector<16xf32>,
      %add3A_519 = arith.constant 1 : i32
      %add3A_520 = vector.broadcast %add3A_519 : i32 to vector<16xi32>
      %add3A_521 = arith.addi %add3A_506, %add3A_520 : vector<16xi32>
      tpu.vector_store_idx %arg17[%add3A_521], %gather3A_517 : memref<12288xf32, #tpu.memory_space<vmem>>[vector<16xi32>], vector<16xf32>,
      %add3A_522 = arith.constant 2 : i32
      %add3A_523 = vector.broadcast %add3A_522 : i32 to vector<16xi32>
      %add3A_524 = arith.addi %add3A_506, %add3A_523 : vector<16xi32>
      tpu.vector_store_idx %arg17[%add3A_524], %gather3A_518 : memref<12288xf32, #tpu.memory_space<vmem>>[vector<16xi32>], vector<16xf32>,
      %mul3A_525 = arith.constant 8 : i32
      %mul3A_526 = arith.muli %scan3A_85, %mul3A_525 : i32
      %add3A_527 = arith.constant 6 : i32
      %add3A_528 = arith.addi %mul3A_526, %add3A_527 : i32
      %get3A_529 = arith.constant 192 : index
      %get3A_530 = tpu.vector_load %arg16[%get3A_529] {strides = array<i32>} : memref<256xi32, #tpu.memory_space<vmem>>, vector<16xi32>,
      %get3A_531 = arith.constant 208 : index
      %get3A_532 = tpu.vector_load %arg16[%get3A_531] {strides = array<i32>} : memref<256xi32, #tpu.memory_space<vmem>>, vector<16xi32>,
      %mul3A_533 = arith.constant 32 : i32
      %mul3A_534 = arith.muli %add3A_528, %mul3A_533 : i32
      %swap3A_535 = arith.index_cast %mul3A_534 : i32 to index
      %swap3A_536 = tpu.vector_load %arg18[%swap3A_535] {strides = array<i32>} : memref<4096xi32, #tpu.memory_space<vmem>>, vector<16xi32>,
      tpu.vector_store %arg18[%swap3A_535], %get3A_530 {strides = array<i32>} : memref<4096xi32, #tpu.memory_space<vmem>>, vector<16xi32>,
      %mul3A_537 = arith.constant 32 : i32
      %mul3A_538 = arith.muli %add3A_528, %mul3A_537 : i32
      %add3A_539 = arith.constant 16 : i32
      %add3A_540 = arith.addi %mul3A_538, %add3A_539 : i32
      %swap3A_541 = arith.index_cast %add3A_540 : i32 to index
      %swap3A_542 = tpu.vector_load %arg18[%swap3A_541] {strides = array<i32>} : memref<4096xi32, #tpu.memory_space<vmem>>, vector<16xi32>,
      tpu.vector_store %arg18[%swap3A_541], %get3A_532 {strides = array<i32>} : memref<4096xi32, #tpu.memory_space<vmem>>, vector<16xi32>,
      %mul3A_543 = arith.constant 32 : i32
      %mul3A_544 = arith.muli %add3A_528, %mul3A_543 : i32
      %mul3A_545 = arith.constant 3 : i32
      %mul3A_546 = arith.muli %mul3A_544, %mul3A_545 : i32
      %broadcast_in_dim3A_547 = vector.broadcast %mul3A_546 : i32 to vector<16xi32>
      %mul3A_548 = arith.constant 3 : i32
      %mul3A_549 = vector.broadcast %mul3A_548 : i32 to vector<16xi32>
      %mul3A_550 = arith.muli %iota3A, %mul3A_549 : vector<16xi32>
      %add3A_551 = arith.addi %broadcast_in_dim3A_547, %mul3A_550 : vector<16xi32>
      %add3A_552 = arith.constant 48 : i32
      %add3A_553 = vector.broadcast %add3A_552 : i32 to vector<16xi32>
      %add3A_554 = arith.addi %add3A_551, %add3A_553 : vector<16xi32>
      %gather3A_555 = tpu.vector_load_idx %arg8[%get3A_530] : memref<8192xf32, #tpu.memory_space<vmem>>[vector<16xi32>], vector<16xf32>,
      %gather3A_556 = tpu.vector_load_idx %arg9[%get3A_530] : memref<8192xf32, #tpu.memory_space<vmem>>[vector<16xi32>], vector<16xf32>,
      %gather3A_557 = tpu.vector_load_idx %arg10[%get3A_530] : memref<8192xf32, #tpu.memory_space<vmem>>[vector<16xi32>], vector<16xf32>,
      tpu.vector_store_idx %arg17[%add3A_551], %gather3A_555 : memref<12288xf32, #tpu.memory_space<vmem>>[vector<16xi32>], vector<16xf32>,
      %add3A_558 = arith.constant 1 : i32
      %add3A_559 = vector.broadcast %add3A_558 : i32 to vector<16xi32>
      %add3A_560 = arith.addi %add3A_551, %add3A_559 : vector<16xi32>
      tpu.vector_store_idx %arg17[%add3A_560], %gather3A_556 : memref<12288xf32, #tpu.memory_space<vmem>>[vector<16xi32>], vector<16xf32>,
      %add3A_561 = arith.constant 2 : i32
      %add3A_562 = vector.broadcast %add3A_561 : i32 to vector<16xi32>
      %add3A_563 = arith.addi %add3A_551, %add3A_562 : vector<16xi32>
      tpu.vector_store_idx %arg17[%add3A_563], %gather3A_557 : memref<12288xf32, #tpu.memory_space<vmem>>[vector<16xi32>], vector<16xf32>,
      %gather3A_564 = tpu.vector_load_idx %arg8[%get3A_532] : memref<8192xf32, #tpu.memory_space<vmem>>[vector<16xi32>], vector<16xf32>,
      %gather3A_565 = tpu.vector_load_idx %arg9[%get3A_532] : memref<8192xf32, #tpu.memory_space<vmem>>[vector<16xi32>], vector<16xf32>,
      %gather3A_566 = tpu.vector_load_idx %arg10[%get3A_532] : memref<8192xf32, #tpu.memory_space<vmem>>[vector<16xi32>], vector<16xf32>,
      tpu.vector_store_idx %arg17[%add3A_554], %gather3A_564 : memref<12288xf32, #tpu.memory_space<vmem>>[vector<16xi32>], vector<16xf32>,
      %add3A_567 = arith.constant 1 : i32
      %add3A_568 = vector.broadcast %add3A_567 : i32 to vector<16xi32>
      %add3A_569 = arith.addi %add3A_554, %add3A_568 : vector<16xi32>
      tpu.vector_store_idx %arg17[%add3A_569], %gather3A_565 : memref<12288xf32, #tpu.memory_space<vmem>>[vector<16xi32>], vector<16xf32>,
      %add3A_570 = arith.constant 2 : i32
      %add3A_571 = vector.broadcast %add3A_570 : i32 to vector<16xi32>
      %add3A_572 = arith.addi %add3A_554, %add3A_571 : vector<16xi32>
      tpu.vector_store_idx %arg17[%add3A_572], %gather3A_566 : memref<12288xf32, #tpu.memory_space<vmem>>[vector<16xi32>], vector<16xf32>,
      %mul3A_573 = arith.constant 8 : i32
      %mul3A_574 = arith.muli %scan3A_85, %mul3A_573 : i32
      %add3A_575 = arith.constant 7 : i32
      %add3A_576 = arith.addi %mul3A_574, %add3A_575 : i32
      %get3A_577 = arith.constant 224 : index
      %get3A_578 = tpu.vector_load %arg16[%get3A_577] {strides = array<i32>} : memref<256xi32, #tpu.memory_space<vmem>>, vector<16xi32>,
      %get3A_579 = arith.constant 240 : index
      %get3A_580 = tpu.vector_load %arg16[%get3A_579] {strides = array<i32>} : memref<256xi32, #tpu.memory_space<vmem>>, vector<16xi32>,
      %mul3A_581 = arith.constant 32 : i32
      %mul3A_582 = arith.muli %add3A_576, %mul3A_581 : i32
      %swap3A_583 = arith.index_cast %mul3A_582 : i32 to index
      %swap3A_584 = tpu.vector_load %arg18[%swap3A_583] {strides = array<i32>} : memref<4096xi32, #tpu.memory_space<vmem>>, vector<16xi32>,
      tpu.vector_store %arg18[%swap3A_583], %get3A_578 {strides = array<i32>} : memref<4096xi32, #tpu.memory_space<vmem>>, vector<16xi32>,
      %mul3A_585 = arith.constant 32 : i32
      %mul3A_586 = arith.muli %add3A_576, %mul3A_585 : i32
      %add3A_587 = arith.constant 16 : i32
      %add3A_588 = arith.addi %mul3A_586, %add3A_587 : i32
      %swap3A_589 = arith.index_cast %add3A_588 : i32 to index
      %swap3A_590 = tpu.vector_load %arg18[%swap3A_589] {strides = array<i32>} : memref<4096xi32, #tpu.memory_space<vmem>>, vector<16xi32>,
      tpu.vector_store %arg18[%swap3A_589], %get3A_580 {strides = array<i32>} : memref<4096xi32, #tpu.memory_space<vmem>>, vector<16xi32>,
      %mul3A_591 = arith.constant 32 : i32
      %mul3A_592 = arith.muli %add3A_576, %mul3A_591 : i32
      %mul3A_593 = arith.constant 3 : i32
      %mul3A_594 = arith.muli %mul3A_592, %mul3A_593 : i32
      %broadcast_in_dim3A_595 = vector.broadcast %mul3A_594 : i32 to vector<16xi32>
      %mul3A_596 = arith.constant 3 : i32
      %mul3A_597 = vector.broadcast %mul3A_596 : i32 to vector<16xi32>
      %mul3A_598 = arith.muli %iota3A, %mul3A_597 : vector<16xi32>
      %add3A_599 = arith.addi %broadcast_in_dim3A_595, %mul3A_598 : vector<16xi32>
      %add3A_600 = arith.constant 48 : i32
      %add3A_601 = vector.broadcast %add3A_600 : i32 to vector<16xi32>
      %add3A_602 = arith.addi %add3A_599, %add3A_601 : vector<16xi32>
      %gather3A_603 = tpu.vector_load_idx %arg8[%get3A_578] : memref<8192xf32, #tpu.memory_space<vmem>>[vector<16xi32>], vector<16xf32>,
      %gather3A_604 = tpu.vector_load_idx %arg9[%get3A_578] : memref<8192xf32, #tpu.memory_space<vmem>>[vector<16xi32>], vector<16xf32>,
      %gather3A_605 = tpu.vector_load_idx %arg10[%get3A_578] : memref<8192xf32, #tpu.memory_space<vmem>>[vector<16xi32>], vector<16xf32>,
      tpu.vector_store_idx %arg17[%add3A_599], %gather3A_603 : memref<12288xf32, #tpu.memory_space<vmem>>[vector<16xi32>], vector<16xf32>,
      %add3A_606 = arith.constant 1 : i32
      %add3A_607 = vector.broadcast %add3A_606 : i32 to vector<16xi32>
      %add3A_608 = arith.addi %add3A_599, %add3A_607 : vector<16xi32>
      tpu.vector_store_idx %arg17[%add3A_608], %gather3A_604 : memref<12288xf32, #tpu.memory_space<vmem>>[vector<16xi32>], vector<16xf32>,
      %add3A_609 = arith.constant 2 : i32
      %add3A_610 = vector.broadcast %add3A_609 : i32 to vector<16xi32>
      %add3A_611 = arith.addi %add3A_599, %add3A_610 : vector<16xi32>
      tpu.vector_store_idx %arg17[%add3A_611], %gather3A_605 : memref<12288xf32, #tpu.memory_space<vmem>>[vector<16xi32>], vector<16xf32>,
      %gather3A_612 = tpu.vector_load_idx %arg8[%get3A_580] : memref<8192xf32, #tpu.memory_space<vmem>>[vector<16xi32>], vector<16xf32>,
      %gather3A_613 = tpu.vector_load_idx %arg9[%get3A_580] : memref<8192xf32, #tpu.memory_space<vmem>>[vector<16xi32>], vector<16xf32>,
      %gather3A_614 = tpu.vector_load_idx %arg10[%get3A_580] : memref<8192xf32, #tpu.memory_space<vmem>>[vector<16xi32>], vector<16xf32>,
      tpu.vector_store_idx %arg17[%add3A_602], %gather3A_612 : memref<12288xf32, #tpu.memory_space<vmem>>[vector<16xi32>], vector<16xf32>,
      %add3A_615 = arith.constant 1 : i32
      %add3A_616 = vector.broadcast %add3A_615 : i32 to vector<16xi32>
      %add3A_617 = arith.addi %add3A_602, %add3A_616 : vector<16xi32>
      tpu.vector_store_idx %arg17[%add3A_617], %gather3A_613 : memref<12288xf32, #tpu.memory_space<vmem>>[vector<16xi32>], vector<16xf32>,
      %add3A_618 = arith.constant 2 : i32
      %add3A_619 = vector.broadcast %add3A_618 : i32 to vector<16xi32>
      %add3A_620 = arith.addi %add3A_602, %add3A_619 : vector<16xi32>
      tpu.vector_store_idx %arg17[%add3A_620], %gather3A_614 : memref<12288xf32, #tpu.memory_space<vmem>>[vector<16xi32>], vector<16xf32>,
    }
    %scan3A_71 = arith.constant 16 : i32
    %mul3A_72 = arith.constant 256 : i32
    %mul3A_73 = arith.muli %add3A, %mul3A_72 : i32
    %add3A_74 = arith.addi %mul3A_73, %mul3A_34 : i32
    %mul3A_75 = arith.constant 96 : i32
    %mul3A_76 = arith.muli %add3A_74, %mul3A_75 : i32
    "tpu.region"() ({
      %run_scoped3A = tpu.sem_alloc : memref<!tpu.dma_semaphore, #tpu.memory_space<semaphore_mem>>
      %dma_start3A = tpu.memref_slice %arg5[%mul3A_76] : memref<393216xf32, #tpu.memory_space<hbm>> -> memref<12288xf32, #tpu.memory_space<hbm>>
      %dma_start3A_85 = tpu.memref_slice %arg5[%mul3A_76] : memref<393216xf32, #tpu.memory_space<hbm>> -> memref<12288xf32, #tpu.memory_space<hbm>>
      tpu.enqueue_dma source(%arg17 : memref<12288xf32, #tpu.memory_space<vmem>>) target(%dma_start3A_85 : memref<12288xf32, #tpu.memory_space<hbm>>) target_semaphore(%run_scoped3A : memref<!tpu.dma_semaphore, #tpu.memory_space<semaphore_mem>>)
      %dma_wait3A = tpu.memref_slice %arg5[%mul3A_76] : memref<393216xf32, #tpu.memory_space<hbm>> -> memref<12288xf32, #tpu.memory_space<hbm>>
      %dma_wait3A_86 = tpu.memref_slice %arg5[%mul3A_76] : memref<393216xf32, #tpu.memory_space<hbm>> -> memref<12288xf32, #tpu.memory_space<hbm>>
      tpu.wait_dma2 semaphore(%run_scoped3A : memref<!tpu.dma_semaphore, #tpu.memory_space<semaphore_mem>>) src(%arg17 : memref<12288xf32, #tpu.memory_space<vmem>>) dst(%dma_wait3A_86 : memref<12288xf32, #tpu.memory_space<hbm>>)
      tpu.yield
    }) : () -> ()
    %mul3A_77 = arith.constant 256 : i32
    %mul3A_78 = arith.muli %add3A, %mul3A_77 : i32
    %add3A_79 = arith.addi %mul3A_78, %mul3A_34 : i32
    %mul3A_80 = arith.constant 32 : i32
    %mul3A_81 = arith.muli %add3A_79, %mul3A_80 : i32
    "tpu.region"() ({
      %run_scoped3A = tpu.sem_alloc : memref<!tpu.dma_semaphore, #tpu.memory_space<semaphore_mem>>
      %dma_start3A = tpu.memref_slice %arg7[%mul3A_81] : memref<131072xi32, #tpu.memory_space<hbm>> -> memref<4096xi32, #tpu.memory_space<hbm>>
      %dma_start3A_85 = tpu.memref_slice %arg7[%mul3A_81] : memref<131072xi32, #tpu.memory_space<hbm>> -> memref<4096xi32, #tpu.memory_space<hbm>>
      tpu.enqueue_dma source(%arg18 : memref<4096xi32, #tpu.memory_space<vmem>>) target(%dma_start3A_85 : memref<4096xi32, #tpu.memory_space<hbm>>) target_semaphore(%run_scoped3A : memref<!tpu.dma_semaphore, #tpu.memory_space<semaphore_mem>>)
      %dma_wait3A = tpu.memref_slice %arg7[%mul3A_81] : memref<131072xi32, #tpu.memory_space<hbm>> -> memref<4096xi32, #tpu.memory_space<hbm>>
      %dma_wait3A_86 = tpu.memref_slice %arg7[%mul3A_81] : memref<131072xi32, #tpu.memory_space<hbm>> -> memref<4096xi32, #tpu.memory_space<hbm>>
      tpu.wait_dma2 semaphore(%run_scoped3A : memref<!tpu.dma_semaphore, #tpu.memory_space<semaphore_mem>>) src(%arg18 : memref<4096xi32, #tpu.memory_space<vmem>>) dst(%dma_wait3A_86 : memref<4096xi32, #tpu.memory_space<hbm>>)
      tpu.yield
    }) : () -> ()
    %eq3A_82 = arith.constant 0 : i32
    %eq3A_83 = arith.cmpi eq, %select_n3A_30, %eq3A_82 : i32
    %convert_element_type3A = arith.extui %eq3A_83 : i1 to i32
    %cond3A = arith.constant 0 : i32
    %cond3A_84 = arith.cmpi ne, %convert_element_type3A, %cond3A : i32
    scf.if %cond3A_84 {
      %scan3A_85 = arith.constant 0 : i32
      %scan3A_86 = arith.constant 0 : i32
      %scan3A_87 = arith.constant 16 : i32
      %scan3A_88 = arith.addi %scan3A_86, %scan3A_87 : i32
      %scan3A_89 = arith.constant 1 : i32
      scf.for %scan3A_95 = %scan3A_86 to %scan3A_88 step %scan3A_89  : i32 {
        %mul3A_96 = arith.constant 16 : i32
        %mul3A_97 = arith.muli %scan3A_95, %mul3A_96 : i32
        %get3A = arith.index_cast %mul3A_97 : i32 to index
        %get3A_98 = tpu.vector_load %arg12[%get3A] {strides = array<i32>} : memref<256xf32, #tpu.memory_space<vmem>>, vector<16xf32>,
        %mul3A_99 = arith.constant 16 : i32
        %mul3A_100 = arith.muli %scan3A_95, %mul3A_99 : i32
        %get3A_101 = arith.index_cast %mul3A_100 : i32 to index
        %get3A_102 = tpu.vector_load %arg13[%get3A_101] {strides = array<i32>} : memref<256xf32, #tpu.memory_space<vmem>>, vector<16xf32>,
        %mul3A_103 = arith.constant 16 : i32
        %mul3A_104 = arith.muli %scan3A_95, %mul3A_103 : i32
        %get3A_105 = arith.index_cast %mul3A_104 : i32 to index
        %get3A_106 = tpu.vector_load %arg14[%get3A_105] {strides = array<i32>} : memref<256xf32, #tpu.memory_space<vmem>>, vector<16xf32>,
        %mul3A_107 = arith.constant 16 : i32
        %mul3A_108 = arith.muli %scan3A_95, %mul3A_107 : i32
        %broadcast_in_dim3A_109 = vector.broadcast %mul3A_108 : i32 to vector<16xi32>
        %add3A_110 = arith.addi %broadcast_in_dim3A_109, %iota3A : vector<16xi32>
        %mul3A_111 = arith.constant 3 : i32
        %mul3A_112 = vector.broadcast %mul3A_111 : i32 to vector<16xi32>
        %mul3A_113 = arith.muli %add3A_110, %mul3A_112 : vector<16xi32>
        tpu.vector_store_idx %arg19[%mul3A_113], %get3A_98 : memref<768xf32, #tpu.memory_space<vmem>>[vector<16xi32>], vector<16xf32>,
        %add3A_114 = arith.constant 1 : i32
        %add3A_115 = vector.broadcast %add3A_114 : i32 to vector<16xi32>
        %add3A_116 = arith.addi %mul3A_113, %add3A_115 : vector<16xi32>
        tpu.vector_store_idx %arg19[%add3A_116], %get3A_102 : memref<768xf32, #tpu.memory_space<vmem>>[vector<16xi32>], vector<16xf32>,
        %add3A_117 = arith.constant 2 : i32
        %add3A_118 = vector.broadcast %add3A_117 : i32 to vector<16xi32>
        %add3A_119 = arith.addi %mul3A_113, %add3A_118 : vector<16xi32>
        tpu.vector_store_idx %arg19[%add3A_119], %get3A_106 : memref<768xf32, #tpu.memory_space<vmem>>[vector<16xi32>], vector<16xf32>,
      }
      %scan3A_90 = arith.constant 16 : i32
      %mul3A_91 = arith.constant 256 : i32
      %mul3A_92 = arith.muli %add3A, %mul3A_91 : i32
      %mul3A_93 = arith.constant 3 : i32
      %mul3A_94 = arith.muli %mul3A_92, %mul3A_93 : i32
      "tpu.region"() ({
        %run_scoped3A = tpu.sem_alloc : memref<!tpu.dma_semaphore, #tpu.memory_space<semaphore_mem>>
        %dma_start3A = tpu.memref_slice %arg6[%mul3A_94] : memref<12288xf32, #tpu.memory_space<hbm>> -> memref<768xf32, #tpu.memory_space<hbm>>
        %dma_start3A_95 = tpu.memref_slice %arg6[%mul3A_94] : memref<12288xf32, #tpu.memory_space<hbm>> -> memref<768xf32, #tpu.memory_space<hbm>>
        tpu.enqueue_dma source(%arg19 : memref<768xf32, #tpu.memory_space<vmem>>) target(%dma_start3A_95 : memref<768xf32, #tpu.memory_space<hbm>>) target_semaphore(%run_scoped3A : memref<!tpu.dma_semaphore, #tpu.memory_space<semaphore_mem>>)
        %dma_wait3A = tpu.memref_slice %arg6[%mul3A_94] : memref<12288xf32, #tpu.memory_space<hbm>> -> memref<768xf32, #tpu.memory_space<hbm>>
        %dma_wait3A_96 = tpu.memref_slice %arg6[%mul3A_94] : memref<12288xf32, #tpu.memory_space<hbm>> -> memref<768xf32, #tpu.memory_space<hbm>>
        tpu.wait_dma2 semaphore(%run_scoped3A : memref<!tpu.dma_semaphore, #tpu.memory_space<semaphore_mem>>) src(%arg19 : memref<768xf32, #tpu.memory_space<vmem>>) dst(%dma_wait3A_96 : memref<768xf32, #tpu.memory_space<hbm>>)
        tpu.yield
      }) : () -> ()
    } else {
    }
    return
  }
}

</mosaic_0001>

<sc_bundles>
// kernel: _sc_group.3.cloned.1.call-start
scs
__scs_entry_jumppad:
0x0: {  	(pc) =	sbr.rel $0x88, $3  }
0x1: {  	(tag) =	ssettag $0x0;
	lr =	simm.s32 $0x1  }
0x2: {  	[smem:$0x3F9E] =	sst lr;
	_ =	strace $0xD0000000  }
0x3: {  	_ = 	snop  }
0x4: {  	_ = 	snop  }
0x5: {  	_ = 	snop  }
0x6: {  	_ = 	snop  }
0x7: {  	_ = 	snop  }
__scs_overlays_trampoline_lowered:
0x8: {  	[smem:$0x3FAD] =	sst s0  }
0x9: {  	[smem:$0x3FAE] =	sst s1  }
0xa: {  	[smem:$0x3FAF] =	sst s2  }
0xb: {  	[smem:$0x3FB0] =	sst s3  }
0xc: {  	[smem:$0x3FB1] =	sst s4  }
0xd: {  	[smem:$0x3FB2] =	sst s5  }
0xe: {  	[smem:$0x3FB3] =	sst s6  }
0xf: {  	[smem:$0x3FB4] =	sst s7  }
0x10: {  	[smem:$0x3FB5] =	sst s8  }
0x11: {  	[smem:$0x3FB6] =	sst s9;
	s0 =	simm.s32 @!p0 $0x0  }
0x12: {  	s1 =	sld [smem:$0x3F9C];
	s0 =	simm.s32 @p0 $0x1  }
0x13: {  	[smem:$0x3FB7] =	sst s0;
	s0 =	simm.s32 @!p1 $0x0  }
0x14: {  	s2 =	sld [smem:$0x3F9B];
	s0 =	simm.s32 @p1 $0x1  }
0x15: {  	[smem:$0x3FB8] =	sst s0;
	s0 =	simm.s32 @!p2 $0x0  }
0x16: {  	s3 =	sld [smem:$0x3FDB];
	s0 =	simm.s32 @p2 $0x1  }
0x17: {  	s4 =	simm.s32 $0x1BF5;
	[smem:$0x3FBA] =	sst s0  }
0x18: {  	s0 =	sld [smem:$0x3F9D];
	_ =	swait.ge [sflag:s4], $0x0  }
0x19: {  	s7 =	sld [smem:$0x3F9E]  }
0x1a: {  	s8 =	sadd.s32 $0xFFFFE003, lr  }
0x1b: {  	s9 =	sadd.s32 $0xFFFFFEF7, lr;
	s5 =	simm.s32 $0xFFFFFFFF;
	p2 =	slt.u32 s8, $0xFFFFF086  }
0x1c: {  	p1 =	slt.u32 s9, $0xF7A;
	s5 =	simm.s32 @!p2 $0x0  }
0x1d: {  	s5 =	simm.s32 @p1 $0x1;
	p0 =	seq.s32 s7, s2  }
0x1e: {  	s7 =	smul.u32 @!p0 $0xF7A, s2;
	p2 =	seq.s32 @!p0 s5, $0x0  }
0x1f: {  	s9 =	smul.u32 $0xF7A, s1;
	s8 =	simm.s32 @!p0 $0x1BF5;
	p2 =	por !p2, p0  }
0x20: {  	[sflag:s8] =	ssyncset.s32 @!p0 $0xFFFFF086;
	s6 =	sadd.s32 @!p0 s3, s7;
	s7 =	simm.s32 @!p0 $0x108  }
0x21: {  	s3 =	sadd.s32 s3, s9;
	s6 =	sadd.s32 @!p0 $0x88, s6;
	s7 =	simm.s32 @p2 $0x1082  }
0x22: {  	[simem:s7], [sflag:s8] =	dma.local @!p0 [hbm:s6], $0xF7A  }
0x23: {  	s9 =	sor.u32 $0xD0000000, s2;
	s6 =	simm.s32 $0x108;
	_ =	swait.ge @!p0 [sflag:s8], $0x0  }
0x24: {  	s3 =	sadd.s32 $0x88, s3;
	s6 =	simm.s32 @!p1 $0x1082;
	[sflag:s4] =	ssyncset.s32 $0xFFFFF086  }
0x25: {  	[simem:s6], [sflag:s4] =	dma.local [hbm:s3], $0xF7A  }
0x26: {  	[smem:$0x3F9E] =	sst s1;
	(tag) =	ssettag s2;
	_ =	strace s9  }
0x27: {  	s1 =	sld [smem:$0x3FAE]  }
0x28: {  	s2 =	sld [smem:$0x3FAF]  }
0x29: {  	s4 =	sld [smem:$0x3FB1]  }
0x2a: {  	p0 =	seq.s32 s5, $0x0;
	s5 =	sld [smem:$0x3FB2]  }
0x2b: {  	s6 =	sld [smem:$0x3FB3]  }
0x2c: {  	s7 =	sld [smem:$0x3FB4]  }
0x2d: {  	s3 =	simm.s32 $0x108;
	s8 =	sld [smem:$0x3FB5]  }
0x2e: {  	s3 =	simm.s32 @!p0 $0x1082;
	s9 =	sld [smem:$0x3FB6]  }
0x2f: {  	lr =	sadd.s32 s0, s3;
	s0 =	sld [smem:$0x3FAD]  }
0x30: {  	s3 =	sld [smem:$0x3FB0]  }
0x31: {  	[smem:$0x3FB9] =	sst s10  }
0x32: {  	s10 =	sld [smem:$0x3FB7];
	_ =	sdelay $0x3  }
0x33: {  	p0 =	seq.s32 s10, $0x1;
	s10 =	sld [smem:$0x3FB9];
	_ =	sdelay $0x3  }
0x34: {  	[smem:$0x3FB9] =	sst s10  }
0x35: {  	s10 =	sld [smem:$0x3FB8];
	_ =	sdelay $0x3  }
0x36: {  	p1 =	seq.s32 s10, $0x1;
	s10 =	sld [smem:$0x3FB9];
	_ =	sdelay $0x3  }
0x37: {  	[smem:$0x3FB9] =	sst s10  }
0x38: {  	s10 =	sld [smem:$0x3FBA]  }
0x39: {  	_ = 	snop;
	(pc) =	sbr.ind lr, $3  }
0x3a: {  	_ = 	snop  }
0x3b: {  	_ = 	snop  }
0x3c: {  	p2 =	seq.s32 s10, $0x1;
	s10 =	sld [smem:$0x3FB9]  }
0x3d: {  	_ =	shalt  }
0x3e: {  	_ =	shalt  }
0x3f: {  	_ =	shalt  }
0x40: {  	_ =	shalt  }
0x41: {  	_ =	shalt  }
0x42: {  	_ =	shalt  }
0x43: {  	_ =	shalt  }
0x44: {  	_ =	shalt  }
0x45: {  	_ =	shalt  }
0x46: {  	_ =	shalt  }
0x47: {  	_ =	shalt  }
0x48: {  	_ =	shalt  }
0x49: {  	_ =	shalt  }
0x4a: {  	_ =	shalt  }
0x4b: {  	_ =	shalt  }
0x4c: {  	_ =	shalt  }
0x4d: {  	_ =	shalt  }
0x4e: {  	_ =	shalt  }
0x4f: {  	_ =	shalt  }
0x50: {  	_ =	shalt  }
0x51: {  	_ =	shalt  }
0x52: {  	_ =	shalt  }
0x53: {  	_ =	shalt  }
0x54: {  	_ =	shalt  }
0x55: {  	_ =	shalt  }
0x56: {  	_ =	shalt  }
0x57: {  	_ =	shalt  }
0x58: {  	_ =	shalt  }
0x59: {  	_ =	shalt  }
0x5a: {  	_ =	shalt  }
0x5b: {  	_ =	shalt  }
0x5c: {  	_ =	shalt  }
0x5d: {  	_ =	shalt  }
0x5e: {  	_ =	shalt  }
0x5f: {  	_ =	shalt  }
0x60: {  	_ =	shalt  }
0x61: {  	_ =	shalt  }
0x62: {  	_ =	shalt  }
0x63: {  	_ =	shalt  }
0x64: {  	_ =	shalt  }
0x65: {  	_ =	shalt  }
0x66: {  	_ =	shalt  }
0x67: {  	_ =	shalt  }
0x68: {  	_ =	shalt  }
0x69: {  	_ =	shalt  }
0x6a: {  	_ =	shalt  }
0x6b: {  	_ =	shalt  }
0x6c: {  	_ =	shalt  }
0x6d: {  	_ =	shalt  }
0x6e: {  	_ =	shalt  }
0x6f: {  	_ =	shalt  }
0x70: {  	_ =	shalt  }
0x71: {  	_ =	shalt  }
0x72: {  	_ =	shalt  }
0x73: {  	_ =	shalt  }
0x74: {  	_ =	shalt  }
0x75: {  	_ =	shalt  }
0x76: {  	_ =	shalt  }
0x77: {  	_ =	shalt  }
0x78: {  	_ =	shalt  }
0x79: {  	_ =	shalt  }
0x7a: {  	_ =	shalt  }
0x7b: {  	_ =	shalt  }
0x7c: {  	_ =	shalt  }
0x7d: {  	_ =	shalt  }
0x7e: {  	_ =	shalt  }
0x7f: {  	_ =	shalt  }
0x80: {  	_ =	shalt  }
0x81: {  	_ =	shalt  }
0x82: {  	_ =	shalt  }
0x83: {  	_ =	shalt  }
0x84: {  	_ =	shalt  }
0x85: {  	_ =	shalt  }
0x86: {  	_ =	shalt  }
0x87: {  	_ =	shalt  }
.Lfunc_end0:
.L_simem_size_0:
called_computation_lowered:
.L_overlay_start_0:
0x88: {  	s2 =	sld [smem:$0x3FD9]  }
0x89: {  	s3 =	sld [smem:$0x3FFE];
	_ =	sdelay $0x1  }
0x8a: {  	s1 =	srdreg.scid  }
0x8b: {  	s0 =	sand.u32 $0x1, s1  }
0x8c: {  	s15 =	sshll.u32 s0, $0xA;
	s2 =	sadd.s32 s3, s2  }
0x8d: {  	s2 =	sadd.s32 s2, s15  }
0x8e: {  	[smem:$0x3FC5] =	sst s2  }
0x8f: {  	_ = 	snop  }
0x90: {  	s2 =	sld [smem:$0x3FD0]  }
0x91: {  	s16 =	sld [smem:$0x3FC9]  }
0x92: {  	s4 =	sld [smem:$0x3FC8]  }
0x93: {  	s6 =	simm.s32 $0xA;
	s7 =	simm.s32 $0x10;
	s5 =	sld [smem:$0x3FC7]  }
0x94: {  	[smem:s7], [sflag:s6] =	dma.local [hbm:s2], $0x1  }
0x95: {  	_ =	swait.eq [sflag:s6], $0x1  }
0x96: {  	s17 =	sld [smem:$0x10];
	[sflag:s6] =	ssyncset.done $0x0  }
0x97: {  	s18 =	sld [smem:$0x11];
	[sflag:s6] =	ssyncadd.s32 $0xFFFFFFFF  }
0x98: {  	s19 =	sld [smem:$0x12];
	(tm) =	ssettm $0x1  }
0x99: {  	s8 =	sld [smem:$0x3FFB];
	_ =	sdelay $0x3  }
0x9a: {  	_ =	strace s8  }
0x9b: {  	s8 =	sld [smem:$0x3FFC];
	_ =	sdelay $0x3  }
0x9c: {  	_ =	strace s8  }
0x9d: {  	s8 =	sld [smem:$0x3FFD];
	_ =	sdelay $0x3  }
0x9e: {  	_ =	strace s8  }
0x9f: {  	_ =	strace $0x8FFFFFFF  }
0xa0: {  	s20 =	sld [smem:$0x3FDB];
	_ =	sdelay $0x1  }
0xa1: {  	s9 =	simm.s32 $_scs_section_size  }
0xa2: {  	s10 =	simm.s32 $_size__tile_overlayer_lowered;
	s11 =	simm.s32 $_tile_overlayer_lowered  }
0xa3: {  	s23 =	simm.s32 $0x1BFF;
	s22 =	sshll.u32 s11, $0x1;
	s8 =	sadd.s32 s9, s20  }
0xa4: {  	s12 =	simm.s32 $0x0;
	s21 =	sshll.u32 s10, $0x1;
	s10 =	sadd.s32 s22, s8  }
0xa5: {  	[timem:s12], [sflag:s23] =	dma.local [hbm:s10], s21  }
0xa6: {  	_ =	swait.ge [sflag:s23], s21  }
0xa7: {  	s9 =	ssub.s32 $0x0, s21;
	[sflag:s23] =	ssyncset.done $0x0  }
0xa8: {  	[sflag:s23] =	ssyncadd.s32 s9;
	_ =	sdelay $0x1  }
0xa9: {  	s24 =	simm.s32 $0x1B8B  }
0xaa: {  	_ =	swait.ge [sflag:s24], $0x1  }
0xab: {  	[sflag:s24] =	ssyncset.done $0x0  }
0xac: {  	s25 =	simm.s32 $0x1B8E;
	[sflag:s24] =	ssyncadd.s32 $0xFFFFFFFF  }
0xad: {  	s26 =	simm.s32 $execute0_lowered;
	[smem:$0x3FD2] =	sst s25  }
0xae: {  	s9 =	sshll.u32 s26, $0x1;
	_ =	strace $0x80000046;
	[dreg:$0x1] =	wrdreg $0xFFFFFFFF  }
0xaf: {  	s28 =	simm.s32 $_size_execute0_lowered;
	s8 =	sadd.s32 s8, s9;
	[dreg:$0x0] =	wrdreg $0x0  }
0xb0: {  	s9 =	sshll.u32 s28, $0x1;
	[dreg:$0x2] =	wrdreg s8  }
0xb1: {  	[dreg:$0x3] =	wrdreg s9  }
0xb2: {  	[dreg:$0x4] =	wrdreg $0xC0  }
0xb3: {  	_ =	task [dreg:s12], $0x5FFFF  }
0xb4: {  	[dreg:$0x1] =	wrdreg $0xFFFFFFFF  }
0xb5: {  	[dreg:$0x0] =	wrdreg $0x60  }
0xb6: {  	[dreg:$0x2] =	wrdreg s16  }
0xb7: {  	[dreg:$0x3] =	wrdreg s4  }
0xb8: {  	[dreg:$0x4] =	wrdreg s5  }
0xb9: {  	[dreg:$0x5] =	wrdreg s17  }
0xba: {  	[dreg:$0x6] =	wrdreg s18  }
0xbb: {  	[dreg:$0x7] =	wrdreg s19  }
0xbc: {  	[dreg:$0x8] =	wrdreg $0x9  }
0xbd: {  	_ =	task.clear_ibuf [dreg:s12], $0x9FFFF;
	_ =	strace $0x90000046  }
0xbe: {  	s29 =	simm.s32 $0x9;
	_ =	strace $0x80000048  }
0xbf: {  	_ =	swait.ge [sflag:s29], $0x1  }
0xc0: {  	[sflag:s29] =	ssyncadd.s32 $0xFFFFFFFF  }
0xc1: {  	_ =	strace $0x90000048  }
0xc2: {  	_ =	sfence  }
0xc3: {  	s30 =	sld [smem:$0x0];
	_ =	sdelay $0x2  }
0xc4: {  	s31 =	sshll.u32 s1, $0xD;
	s1 =	sshrl.u32 s1, $0x2  }
0xc5: {  	s3 =	sand.u32 $0x4000, s31;
	s1 =	sadd.s32 s1, s30  }
0xc6: {  	s0 =	sor.u32 s3, s0;
	s1 =	sshll.u32 s1, $0x11  }
0xc7: {  	s0 =	sor.u32 s1, s0  }
0xc8: {  	s0 =	sadd.s32 $0x8F2B, s0  }
0xc9: {  	[sflag:s0] =	ssyncadd.remote.s32 $0x1  }
0xca: {  	_ =	sfence.sel $0xFFFF  }
0xcb: {  	[dreg:$0x0] =	wrdreg $0xFFFFFFFF;
	(pc) =	sbr.abs _section_cstart, $3  }
0xcc: {  	[dreg:$0x1] =	wrdreg $0xFFFFFFFF  }
0xcd: {  	_ =	task.clear_ibuf [dreg:s12], $0x2FFFF;
	_ =	strace $0x9FFFFFFF  }
0xce: {  	(tm) =	ssettm $0x7FFFFFFF  }
0xcf: {  	_ =	shalt  }
tec
execute0_lowered:
.L_overlay_start_1:
0x0: {  	(tag) =	ssettag $0x1  }
0x1: {  	s0 =	rddreg [dreg:$0x0]  }
0x2: {  	s2 =	rddreg [dreg:$0x1]  }
0x3: {  	s4 =	rddreg [dreg:$0x2]  }
0x4: {  	s5 =	rddreg [dreg:$0x3]  }
0x5: {  	s7 =	rddreg [dreg:$0x4]  }
0x6: {  	s8 =	rddreg [dreg:$0x5];
	s3 =	srdreg.scid;
	s1 =	simm.s32 $0x0  }
0x7: {  	s15 =	stileid.u32;
	s17 =	simm.s32 $0x1;
	s18 =	simm.s32 $0x2000  }
0x8: {  	s28 =	simm.s32 $0x7400;
	s29 =	simm.s32 $0x7500;
	s31 =	simm.s32 $0xB500  }
0x9: {  	s6 =	sand.u32 $0x1, s3;
	[smem:$0x7FF] =	sst s1;
	s11 =	sshrl.u32 s15, $0x1  }
0xa: {  	s12 =	sand.u32 $0x1, s15;
	s23 =	sxor.u32 $0x1, s15;
	s3 =	ssub.s32 $0x2, s6  }
0xb: {  	_ =	strace $0x80000047;
	s10 =	sshll.u32 s6, $0x3;
	s6 =	sshll.u32 s6, $0xD  }
0xc: {  	s14 =	sshll.u32 s12, $0xC;
	s23 =	sshll.u32 s23, $0x10;
	p0 =	sne.s32 s12, $0x0  }
0xd: {  	s9 =	sshrl.u32 s3, $0x1;
	s10 =	sor.u32 s11, s10;
	s11 =	sshll.u32 s11, $0x4  }
0xe: {  	s9 =	ssub.s32 s3, s9;
	s3 =	sshll.u32 s12, $0x7;
	s13 =	sshll.u32 s10, $0x8  }
0xf: {  	s6 =	sor.u32 s6, s11;
	s22 =	smul.u32 $0x60, s10;
	s11 =	sor.u32 $0x70, s14  }
0x10: {  	s10 =	sor.u32 $0x40, s14;
	s19 =	sor.u32 s3, s13;
	s30 =	sadd.s32 s0, s6  }
0x11: {  	s16 =	sadd.s32 s2, s6;
	s6 =	sadd.s32 s4, s6;
	s26 =	smax.u32 s9, $0x1  }
0x12: {  	s4 =	sor.u32 $0x2040, s14;
	s14 =	sor.u32 $0x4040, s14;
	s20 =	smul.u32 $0xC, s19  }
0x13: {  	s21 =	sshll.u32 s19, $0x2;
	s25 =	sadd.s32 s7, s22;
	s2 =	smov.u32 s16  }
0x14: {  	[dreg:$0xb] =	wrdreg s26;
	s7 =	simm.s32 $0x400;
	s19 =	simm.s32 $0x4000  }
.Ltmp0:
0x15: {  	s22 =	simm.s32 $0x7200;
	s26 =	simm.s32 $0x7300;
	(pc) =	sbr.rel .LBB2_1-.Ltmp0, $4  }
0x16: {  	s24 =	sadd.s32 s8, s21;
	[dreg:$0xa] =	wrdreg s25;
	s21 =	simm.s32 $0x7100  }
0x17: {  	s25 =	simm.s32 $0xB800;
	[dreg:$0x7] =	wrdreg s2;
	s0 =	sadd.s32 s5, s20  }
0x18: {  	v0 =	vimm.f32 $+Inf;
	v1 =	vlaneseq.u32;
	[dreg:$0x9] =	wrdreg s24;
	s5 =	simm.s32 $0x80;
	s20 =	simm.s32 $0x7000  }
0x19: {  	v2 =	vimm.s32 $0x40000000;
	v3 =	vimm.f32 $0.0e+00;
	vm10 =	vmmov $0x1;
	s24 =	simm.s32 $0x2;
	[dreg:$0x8] =	wrdreg s0;
	s0 =	simm.s32 $0x0  }
.LBB2_50:
0x1a: {  	s0 =	sadd.s32 $0x1, s0;
	s2 =	rddreg [dreg:$0xb]  }
0x1b: {  	p1 =	sne.s32 s0, s2  }
.Ltmp1:
0x1c: {  	_ = 	snop;
	(pc) =	sbr.rel @!p1 .LBB2_51-.Ltmp1, $2  }
0x1d: {  	_ =	sdelay $0x2  }
0x1e: {  	s5 =	simm.s32 $0x80;
	s7 =	simm.s32 $0x400;
	s2 =	rddreg [dreg:$0x7]  }
.LBB2_1:
0x1f: {  	[smem:$0x0] =	sst s1  }
0x20: {  	[tilespmem:s1], [sflag:$0x1] =	stream.strided.gather [hbm4b:s30+s5], $0x2000, s7, s5, $0x38;
	[tilespmem:$0xB880] =	vst v63  }
0x21: {  	[smem:$0x1] =	sst s1  }
0x22: {  	[smem:$0x2] =	sst s1  }
0x23: {  	[smem:$0x3] =	sst s1  }
0x24: {  	_ =	swait.ge [sflag:s17], $0x2000  }
0x25: {  	[sflag:s17] =	ssyncset.done $0x0  }
0x26: {  	[sflag:s17] =	ssyncadd.s32 $0xFFFFE000  }
0x27: {  	[tilespmem:s18], [sflag:$0x1] =	stream.strided.gather [hbm4b:s2+s5], $0x2000, s7, s5, $0x38;
	[tilespmem:$0xB880] =	vst v63  }
0x28: {  	_ =	swait.ge [sflag:s17], $0x2000  }
0x29: {  	[sflag:s17] =	ssyncset.done $0x0  }
0x2a: {  	[sflag:s17] =	ssyncadd.s32 $0xFFFFE000  }
0x2b: {  	[tilespmem:s19], [sflag:$0x1] =	stream.strided.gather [hbm4b:s6+s5], $0x2000, s7, s5, $0x38;
	[tilespmem:$0xB880] =	vst v63  }
0x2c: {  	_ =	swait.ge [sflag:s17], $0x2000  }
0x2d: {  	s15 =	smov.u32 s30;
	s16 =	smov.u32 s6;
	[sflag:s17] =	ssyncset.done $0x0  }
0x2e: {  	s2 =	simm.s32 $0x40;
	s5 =	simm.s32 $0x0;
	[sflag:s17] =	ssyncadd.s32 $0xFFFFE000  }
.LBB2_2:
0x2f: {  	p1 =	sne.s32 s2, $0x3FC0;
	[tilespmem:s5+$0x6000] =	vst v0;
	s5 =	smov.u32 s2;
	s2 =	sadd.s32 $0x40, s2  }
.Ltmp2:
0x30: {  	(pc) =	sbr.rel @p1 .LBB2_2-.Ltmp2, $2  }
0x31: {  	_ =	sdelay $0x2  }
0x32: {  	s5 =	sshra.s32 s5, $0x2  }
0x33: {  	[tilespmem:s5+$0x6000] =	vst v0  }
0x34: {  	s9 =	simm.s32 $0x0;
	s2 =	simm.s32 $0x0;
	[bflag:$0x0] =	sbarrier.arrive $0xFFFF  }
.LBB2_4:
0x35: {  	v6 =	vmov s9;
	_ =	sdelay $0x4  }
0x36: {  	v7 =	vmov s2;
	v4 =	vld.idx.msk [tilespmem:v6+s1+$0x0], $0xffff  }
0x37: {  	v5 =	vld.idx.msk [tilespmem:v6+s18+$0x0], $0xffff  }
0x38: {  	v6 =	vld.idx.msk [tilespmem:v6+s19+$0x0], $0xffff;
	_ =	sdelay $0x2  }
0x39: {  	[tilespmem:v7+s20+$0x0] =	vst.idx.msk $0x1, v4  }
0x3a: {  	[tilespmem:v7+s21+$0x0] =	vst.idx.msk $0x1, v5  }
0x3b: {  	[tilespmem:v7+s22+$0x0] =	vst.idx.msk $0x1, v6  }
0x3c: {  	v7 =	vld [tilespmem:s14+$0x30]  }
0x3d: {  	v8 =	vld [tilespmem:s14+$0x20]  }
0x3e: {  	v9 =	vld [tilespmem:s10+$0x30]  }
0x3f: {  	v10 =	vld [tilespmem:s4+$0x30]  }
0x40: {  	v11 =	vld [tilespmem:s14+$0x10]  }
0x41: {  	v12 =	vld [tilespmem:s10+$0x20]  }
0x42: {  	v13 =	vld [tilespmem:s4+$0x20]  }
0x43: {  	v14 =	vld [tilespmem:s14+$0x0]  }
0x44: {  	v15 =	vld [tilespmem:s10+$0x10]  }
0x45: {  	v16 =	vld [tilespmem:s4+$0x10]  }
0x46: {  	v17 =	vld [tilespmem:s14+$0xFFFFFFF0]  }
0x47: {  	v18 =	vld [tilespmem:s10+$0x0]  }
0x48: {  	v19 =	vld [tilespmem:s4+$0x0];
	v20 =	vsub.f32 v8, v6;
	v21 =	vsub.f32 v7, v6  }
0x49: {  	v22 =	vld [tilespmem:s14+$0xFFFFFFE0];
	v23 =	vsub.f32 v9, v4;
	v25 =	vsub.f32 v11, v6  }
0x4a: {  	v26 =	vimm.f32 $-Inf;
	v24 =	vld [tilespmem:s10+$0xFFFFFFF0];
	v27 =	vsub.f32 v10, v5;
	v29 =	vsub.f32 v12, v4  }
0x4b: {  	v28 =	vimm.s32 $0x0;
	s13 =	sadd.s32 $0xFFFFFF90, s11;
	v32 =	vld [tilespmem:s14+$0xFFFFFFC0];
	v30 =	vsub.f32 v13, v5;
	v31 =	vsub.f32 v14, v6  }
0x4c: {  	s5 =	sadd.s32 $0xFFFFFFD0, s11;
	v39 =	vor.u32 s13, v1;
	v35 =	vld [tilespmem:s10+$0xFFFFFFC0];
	v15 =	vsub.f32 v15, v4;
	v33 =	vsub.f32 v17, v6  }
0x4d: {  	s7 =	sadd.s32 $0xFFFFFFC0, s11;
	v38 =	vld [tilespmem:s4+$0xFFFFFFC0];
	v7 =	vor.u32 s5, v1;
	v34 =	vsub.f32 v16, v5;
	v36 =	vsub.f32 v18, v4  }
0x4e: {  	v57 =	vld [tilespmem:s4+$0xFFFFFFE0];
	v8 =	vor.u32 s7, v1;
	v37 =	vsub.f32 v19, v5;
	v40 =	vsub.f32 v22, v6  }
0x4f: {  	v10 =	vld [tilespmem:s14+$0xFFFFFFD0];
	v41 =	vsub.f32 v24, v4;
	v12 =	vmul.f32 v20, v20;
	v14 =	vmul.f32 v27, v27  }
0x50: {  	v24 =	vld [tilespmem:s10+$0xFFFFFFD0];
	v27 =	vsub.f32 v32, v6;
	v16 =	vmul.f32 v25, v25;
	v17 =	vmul.f32 v29, v29  }
0x51: {  	v20 =	vld [tilespmem:s4+$0xFFFFFFD0];
	v25 =	vsub.f32 v35, v4;
	v19 =	vmul.f32 v31, v31;
	v18 =	vmul.f32 v30, v30  }
0x52: {  	v13 =	vld [tilespmem:s10+$0xFFFFFFE0];
	v29 =	vsub.f32 v38, v5;
	v22 =	vmul.f32 v34, v34;
	v58 =	vmul.f32 v40, v40  }
0x53: {  	s9 =	sadd.s32 $0xFFFFFFB0, s11;
	v32 =	vsub.f32 v57, v5;
	v62 =	vmul.f32 v41, v41;
	v25 =	vmul.f32 v25, v25  }
0x54: {  	v9 =	vor.u32 s9, v1;
	v30 =	vld [tilespmem:s4+$0xFFFFFFF0];
	v29 =	vmul.f32 v29, v29;
	v27 =	vmul.f32 v27, v27  }
0x55: {  	s9 =	simm.s32 $0x6040;
	v32 =	vmul.f32 v32, v32;
	v42 =	vsub.f32 v10, v6;
	v10 =	vmul.f32 v21, v21  }
0x56: {  	v31 =	vld [tilespmem:s9+$0xFFFFFFC0];
	v21 =	vmul.f32 v15, v15;
	v15 =	vsub.f32 v24, v4;
	v20 =	vsub.f32 v20, v5  }
0x57: {  	s12 =	sadd.s32 $0xFFFFFFA0, s11;
	v43 =	vsub.f32 v13, v4;
	v13 =	vmul.f32 v23, v23;
	v25 =	vadd.f32 v29, v25  }
0x58: {  	v11 =	vor.u32 s12, v1;
	v59 =	vld [tilespmem:s9+$0xFFFFFFD0];
	v29 =	vmul.f32 v15, v15;
	v20 =	vmul.f32 v20, v20  }
0x59: {  	v15 =	vld [tilespmem:s9+$0x30];
	v60 =	vmul.f32 v43, v43;
	v30 =	vsub.f32 v30, v5;
	v25 =	vadd.f32 v27, v25  }
0x5a: {  	v23 =	vmul.f32 v33, v33;
	v61 =	vmul.f32 v42, v42;
	v27 =	vld [tilespmem:s9+$0xFFFFFFE0];
	v29 =	vadd.f32 v20, v29  }
0x5b: {  	v32 =	vadd.f32 v32, v60;
	v30 =	vmul.f32 v30, v30;
	v63 =	vmin.f32 v31, v25;
	v25 =	vld [tilespmem:s9+$0x10]  }
0x5c: {  	v24 =	vmul.f32 v36, v36;
	v31 =	vmul.f32 v37, v37;
	v20 =	vld [tilespmem:s9+$0x20];
	v36 =	vadd.f32 v61, v29  }
0x5d: {  	s8 =	sadd.s32 $0x80, s14;
	s30 =	smov.u32 s11;
	vm0 =	vgt.f32 v63, v26;
	v32 =	vadd.f32 v58, v32;
	v33 =	vadd.f32 v30, v62;
	v29 =	vld [tilespmem:s9+$0xFFFFFFF0]  }
0x5e: {  	s13 =	smov.u32 s4;
	s7 =	simm.s32 $0x0;
	s12 =	smov.u32 s10;
	[tilespmem:s9+$0xFFFFFFC0] =	vst v63;
	v30 =	vsel vm0, v39, v28;
	v34 =	vsel vm0, v63, v26;
	v28 =	vld [tilespmem:s9+$0x0];
	v26 =	vmin.f32 v59, v36  }
.LBB2_5:
0x5f: {  	v35 =	vld [tilespmem:s8+$0x30];
	[tilespmem:s9+$0xFFFFFFD0] =	vst v26;
	vm0 =	vgt.f32 v26, v34;
	v23 =	vadd.f32 v23, v33;
	v24 =	vadd.f32 v31, v24  }
0x60: {  	s12 =	sadd.s32 $0x80, s12;
	v31 =	vld [tilespmem:s8+$0x20];
	v11 =	vsel vm0, v11, v30;
	v26 =	vsel vm0, v26, v34;
	v27 =	vmin.f32 v27, v32  }
0x61: {  	v21 =	vadd.f32 v22, v21;
	s13 =	sadd.s32 $0x80, s13;
	v30 =	vld [tilespmem:s12+$0x30];
	[tilespmem:s9+$0xFFFFFFE0] =	vst v27;
	vm0 =	vgt.f32 v27, v26;
	v19 =	vadd.f32 v19, v24  }
0x62: {  	v22 =	vld [tilespmem:s13+$0x30];
	v9 =	vsel vm0, v9, v11;
	v11 =	vsel vm0, v27, v26;
	v23 =	vmin.f32 v29, v23  }
0x63: {  	v17 =	vadd.f32 v18, v17;
	v16 =	vadd.f32 v16, v21;
	v24 =	vld [tilespmem:s8+$0x10];
	[tilespmem:s9+$0xFFFFFFF0] =	vst v23;
	vm0 =	vgt.f32 v23, v11  }
0x64: {  	v18 =	vld [tilespmem:s12+$0x20];
	v8 =	vsel vm0, v8, v9;
	v9 =	vsel vm0, v23, v11;
	v11 =	vmin.f32 v28, v19  }
0x65: {  	v13 =	vadd.f32 v14, v13;
	v12 =	vadd.f32 v12, v17;
	v19 =	vld [tilespmem:s13+$0x20];
	[tilespmem:s9+$0x0] =	vst v11;
	vm0 =	vgt.f32 v11, v9  }
0x66: {  	s5 =	sadd.s32 $0xFFFFFFE0, s30;
	v14 =	vld [tilespmem:s8+$0x0];
	v7 =	vsel vm0, v7, v8;
	v8 =	vsel vm0, v11, v9;
	v9 =	vmin.f32 v25, v16  }
0x67: {  	v10 =	vadd.f32 v10, v13;
	v16 =	vor.u32 s5, v1;
	v11 =	vld [tilespmem:s12+$0x10];
	[tilespmem:s9+$0x10] =	vst v9;
	vm0 =	vgt.f32 v9, v8  }
0x68: {  	s5 =	sadd.s32 $0xFFFFFFF0, s30;
	v13 =	vld [tilespmem:s13+$0x10];
	v7 =	vsel vm0, v16, v7;
	v8 =	vsel vm0, v9, v8;
	v9 =	vmin.f32 v20, v12  }
0x69: {  	v17 =	vor.u32 s30, v1;
	v16 =	vor.u32 s5, v1;
	v12 =	vld [tilespmem:s8+$0xFFFFFFF0];
	[tilespmem:s9+$0x20] =	vst v9;
	vm0 =	vgt.f32 v9, v8  }
0x6a: {  	v20 =	vld [tilespmem:s12+$0x0];
	v7 =	vsel vm0, v16, v7;
	v8 =	vsel vm0, v9, v8;
	v9 =	vmin.f32 v15, v10  }
0x6b: {  	v15 =	vsub.f32 v31, v6;
	v16 =	vsub.f32 v35, v6;
	v10 =	vld [tilespmem:s13+$0x0];
	[tilespmem:s9+$0x30] =	vst v9;
	vm0 =	vgt.f32 v9, v8  }
0x6c: {  	v23 =	vsub.f32 v30, v4;
	s30 =	sadd.s32 $0x80, s30;
	v21 =	vld [tilespmem:s8+$0xFFFFFFE0];
	v26 =	vsel vm0, v17, v7;
	v28 =	vsel vm0, v9, v8  }
0x6d: {  	v22 =	vsub.f32 v22, v5;
	s5 =	sadd.s32 $0xFFFFFFD0, s30;
	v24 =	vsub.f32 v24, v6;
	v17 =	vld [tilespmem:s12+$0xFFFFFFF0]  }
0x6e: {  	s6 =	sadd.s32 $0xFFFFFFC0, s30;
	v18 =	vsub.f32 v18, v4;
	v27 =	vsub.f32 v19, v5;
	v7 =	vor.u32 s5, v1;
	v25 =	vld [tilespmem:s8+$0xFFFFFFD0]  }
0x6f: {  	v29 =	vsub.f32 v14, v6;
	s5 =	sadd.s32 $0xFFFFFFB0, s30;
	v8 =	vor.u32 s6, v1;
	v30 =	vsub.f32 v11, v4;
	v19 =	vld [tilespmem:s12+$0xFFFFFFE0]  }
0x70: {  	s6 =	sadd.s32 $0xFFFFFFA0, s30;
	v9 =	vor.u32 s5, v1;
	v33 =	vsub.f32 v13, v5;
	v32 =	vsub.f32 v12, v6;
	v31 =	vld [tilespmem:s8+$0xFFFFFFC0]  }
0x71: {  	s5 =	sadd.s32 $0xFFFFFF90, s30;
	v11 =	vor.u32 s6, v1;
	v20 =	vsub.f32 v20, v4;
	v35 =	vsub.f32 v10, v5;
	v34 =	vld [tilespmem:s12+$0xFFFFFFC0]  }
0x72: {  	s7 =	sadd.s32 $0x8, s7;
	v37 =	vor.u32 s5, v1;
	v38 =	vsub.f32 v21, v6;
	v36 =	vld [tilespmem:s13+$0xFFFFFFC0];
	v39 =	vsub.f32 v17, v4  }
0x73: {  	p1 =	slt.u32 s7, $0xF8;
	v12 =	vmul.f32 v15, v15;
	v10 =	vmul.f32 v16, v16;
	v40 =	vld [tilespmem:s12+$0xFFFFFFD0];
	v25 =	vsub.f32 v25, v6  }
0x74: {  	v14 =	vmul.f32 v22, v22;
	v13 =	vmul.f32 v23, v23;
	v15 =	vld [tilespmem:s13+$0xFFFFFFD0];
	v41 =	vsub.f32 v19, v4  }
0x75: {  	v16 =	vmul.f32 v24, v24;
	v17 =	vmul.f32 v18, v18;
	v31 =	vsub.f32 v31, v6;
	v42 =	vld [tilespmem:s13+$0xFFFFFFE0]  }
0x76: {  	v18 =	vmul.f32 v27, v27;
	v19 =	vmul.f32 v29, v29;
	v34 =	vsub.f32 v34, v4  }
0x77: {  	v22 =	vmul.f32 v33, v33;
	v21 =	vmul.f32 v30, v30;
	v27 =	vsub.f32 v36, v5;
	v29 =	vld [tilespmem:s13+$0xFFFFFFF0]  }
0x78: {  	v23 =	vmul.f32 v32, v32;
	v24 =	vmul.f32 v20, v20;
	v30 =	vsub.f32 v40, v4  }
0x79: {  	s9 =	sadd.s32 $0x80, s9;
	v20 =	vmul.f32 v34, v34;
	v27 =	vmul.f32 v27, v27;
	v15 =	vsub.f32 v15, v5  }
0x7a: {  	v31 =	vmul.f32 v31, v31;
	v34 =	vmul.f32 v38, v38;
	v32 =	vld [tilespmem:s9+$0xFFFFFFC0];
	v33 =	vsub.f32 v42, v5  }
0x7b: {  	v20 =	vadd.f32 v27, v20;
	v27 =	vmul.f32 v30, v30;
	v30 =	vmul.f32 v15, v15;
	v15 =	vld [tilespmem:s9+$0x30]  }
0x7c: {  	v38 =	vmul.f32 v41, v41;
	v36 =	vld [tilespmem:s9+$0xFFFFFFD0];
	v33 =	vmul.f32 v33, v33;
	v29 =	vsub.f32 v29, v5  }
.Ltmp3:
0x7d: {  	v25 =	vmul.f32 v25, v25;
	v31 =	vadd.f32 v31, v20;
	v30 =	vadd.f32 v30, v27;
	v20 =	vld [tilespmem:s9+$0x20];
	(pc) =	sbr.rel @p1 .LBB2_5-.Ltmp3, $4  }
0x7e: {  	v27 =	vld [tilespmem:s9+$0xFFFFFFE0];
	v33 =	vadd.f32 v33, v38;
	v38 =	vmul.f32 v39, v39;
	v39 =	vmul.f32 v29, v29  }
0x7f: {  	v40 =	vmin.f32 v32, v31;
	v41 =	vadd.f32 v25, v30;
	v31 =	vmul.f32 v35, v35;
	v25 =	vld [tilespmem:s9+$0x10]  }
0x80: {  	[tilespmem:s9+$0xFFFFFFC0] =	vst v40;
	vm0 =	vgt.f32 v40, v28;
	v32 =	vadd.f32 v34, v33;
	v29 =	vld [tilespmem:s9+$0xFFFFFFF0];
	v33 =	vadd.f32 v39, v38  }
0x81: {  	s8 =	sadd.s32 $0x80, s8;
	v30 =	vsel vm0, v37, v26;
	v34 =	vsel vm0, v40, v28;
	v26 =	vmin.f32 v36, v41;
	v28 =	vld [tilespmem:s9+$0x0]  }
0x82: {  	vm0 =	vgt.f32 v26, v34;
	v4 =	vadd.f32 v31, v24  }
0x83: {  	v5 =	vadd.f32 v23, v33;
	v6 =	vsel vm0, v26, v34;
	v53 =	vmin.f32 v27, v32  }
0x84: {  	v54 =	vadd.f32 v22, v21;
	vm1 =	vgt.f32 v53, v6  }
0x85: {  	v4 =	vadd.f32 v19, v4;
	v6 =	vsel vm1, v53, v6;
	v5 =	vmin.f32 v29, v5  }
0x86: {  	v17 =	vadd.f32 v18, v17;
	vm2 =	vgt.f32 v5, v6  }
0x87: {  	v16 =	vadd.f32 v16, v54;
	v4 =	vmin.f32 v28, v4;
	v6 =	vsel vm2, v5, v6  }
0x88: {  	v13 =	vadd.f32 v14, v13;
	vm3 =	vgt.f32 v4, v6  }
0x89: {  	v12 =	vadd.f32 v12, v17;
	v55 =	vmin.f32 v25, v16;
	v6 =	vsel vm3, v4, v6  }
0x8a: {  	vm4 =	vgt.f32 v55, v6  }
0x8b: {  	v10 =	vadd.f32 v10, v13;
	v12 =	vmin.f32 v20, v12;
	v6 =	vsel vm4, v55, v6  }
0x8c: {  	vm5 =	vgt.f32 v12, v6  }
0x8d: {  	v10 =	vmin.f32 v15, v10;
	v6 =	vsel vm5, v12, v6  }
0x8e: {  	vm6 =	vgt.f32 v10, v6  }
0x8f: {  	v6 =	vsel vm6, v10, v6  }
0x90: {  	(xrf0) =	vmax.scan.msk.f32 $0xffff, v6;
	_ =	sdelay $0x1  }
0x91: {  	v11 =	vsel vm0, v11, v30  }
0x92: {  	v9 =	vsel vm1, v9, v11  }
0x93: {  	s5 =	sadd.s32 $0xFFFFFFE0, s30;
	v8 =	vsel vm2, v8, v9  }
0x94: {  	s7 =	sadd.s32 $0xFFFFFFF0, s30;
	v56 =	vor.u32 s5, v1;
	v7 =	vsel vm3, v7, v8  }
0x95: {  	v57 =	vor.u32 s7, v1;
	v7 =	vsel vm4, v56, v7;
	v58, _, _ =	vpop (xrf0)  }
0x96: {  	v59 =	vor.u32 s30, v1;
	v7 =	vsel vm5, v57, v7;
	v9 =	vbroadcast v58, $0xF  }
0x97: {  	v7 =	vsel vm6, v59, v7  }
0x98: {  	v60 =	vxor.u32 $0x80000000, v7;
	vm15 =	veq.f32 v6, v9  }
0x99: {  	v6 =	vnsel vm15, $0xC0000000, v60  }
0x9a: {  	v61 =	vxor.u32 $0x80000000, v9;
	(xrf0) =	vmin.scan.msk.u32 $0xffff, v6  }
0x9b: {  	(xrf0) =	vmax.scan.msk.u32 $0xffff, v61;
	_ =	sdelay $0x4  }
0x9c: {  	v62, _, _ =	vpop (xrf0)  }
0x9d: {  	(v2sf) =	vpush v62, $0xF;
	v63, _, _ =	vpop (xrf0)  }
0x9e: {  	(v2sf) =	vpush v63, $0xF;
	_ =	sdelay $0x9  }
0x9f: {  	[tilespmem:s9+$0xFFFFFFD0] =	vst v26  }
0xa0: {  	[tilespmem:s9+$0xFFFFFFE0] =	vst v53  }
0xa1: {  	[tilespmem:s9+$0xFFFFFFF0] =	vst v5  }
0xa2: {  	[tilespmem:s9+$0x0] =	vst v4  }
0xa3: {  	s8 =	sshll.u32 s2, $0x1;
	[tilespmem:s9+$0x10] =	vst v55;
	s12 =	spop (v2sf)  }
0xa4: {  	s7 =	sand.u32 $0x2, s8;
	[tilespmem:s9+$0x20] =	vst v12;
	s6 =	spop (v2sf)  }
0xa5: {  	s5 =	sor.u32 s23, s7;
	[tilespmem:s9+$0x30] =	vst v10;
	[sflag:s17] =	ssyncset.done $0x0;
	s8 =	sadd.s32 $0x80000001, s6  }
0xa6: {  	[smem:s5], [sflag:$0x1] =	smem.add.s32 s8  }
0xa7: {  	_ =	swait.done [sflag:s17]  }
0xa8: {  	[sflag:s17] =	ssyncset.s32 $0x0  }
0xa9: {  	s5 =	sor.u32 $0x1, s7;
	[sflag:s17] =	ssyncset.done $0x0  }
0xaa: {  	s13 =	sadd.s32 $0x80000001, s12;
	s30 =	sor.u32 s23, s5;
	[sflag:s24] =	ssyncset.done $0x0  }
0xab: {  	[smem:s30], [sflag:$0x2] =	smem.add.s32 s13  }
0xac: {  	_ =	swait.done [sflag:s24]  }
0xad: {  	[sflag:s24] =	ssyncset.s32 $0x0  }
0xae: {  	[sflag:s24] =	ssyncset.done $0x0  }
0xaf: {  	s5 =	sld [smem:s5+$0x0]  }
0xb0: {  	s13 =	sld [smem:s7+$0x0];
	_ =	sdelay $0x1  }
0xb1: {  	p1 =	seq.s32 s5, $0x0  }
0xb2: {  	p2 =	sne.s32 @!p1 s13, $0x0  }
0xb3: {  	p1 =	por p1, !p2  }
.Ltmp4:
0xb4: {  	_ = 	snop;
	(pc) =	sbr.rel @p1 .LBB2_7-.Ltmp4, $1  }
0xb5: {  	_ =	sdelay $0x3  }
0xb6: {  	s9 =	sxor.u32 $0x80000000, s12;
	s5 =	sadd.s32 $0xFFFFFFFF, s5  }
0xb7: {  	p1 =	slt.s32 s5, s9;
	s6 =	smov.u32 s9  }
0xb8: {  	p2 =	seq.s32 s13, s8;
	s2 =	sadd.s32 $0x1, s2;
	s6 =	smov.u32 @p1 s5  }
0xb9: {  	s9 =	smov.u32 @p2 s6;
	p2 =	sne.s32 s2, $0x100  }
.Ltmp5:
0xba: {  	_ = 	snop;
	(pc) =	sbr.rel @p2 .LBB2_4-.Ltmp5, $4  }
0xbb: {  	_ = 	snop  }
0xbc: {  	s30 =	simm.s32 $0x0  }
0xbd: {  	[smem:s7] =	sst s30;
	p1 =	sgt.s32 s13, s8  }
0xbe: {  	[smem:s7+$0x1] =	sst s30;
	s9 =	smov.u32 @p1 s5  }
.Ltmp6:
0xbf: {  	(pc) =	sbr.rel .LBB2_10-.Ltmp6, $2  }
0xc0: {  	_ =	sdelay $0x2  }
0xc1: {  	s6 =	smov.u32 s16  }
.LBB2_45:
0xc2: {  	v7 =	vld [tilespmem:$0x7400];
	_ =	sdelay $0x1  }
0xc3: {  	v10 =	vld [tilespmem:$0x7410];
	_ =	sdelay $0x1  }
0xc4: {  	s2 =	sshll.u32 s30, $0x8  }
0xc5: {  	s2 =	sand.u32 $0x3FFFFF00, s2  }
0xc6: {  	s5 =	smul.u32 $0x300, s30;
	v4 =	vmul.u32 $0x3, v1;
	[tilespmem:s2+$0xA500] =	vst v7  }
0xc7: {  	[tilespmem:s2+$0xA510] =	vst v10  }
0xc8: {  	v9 =	vor.u32 s5, v4;
	v5 =	vadd.s32 $0x1, v4;
	v8 =	vld.idx.msk [tilespmem:v7+s1+$0x0], $0xffff  }
0xc9: {  	v6 =	vadd.s32 $0x2, v4;
	v12 =	vor.u32 s5, v5;
	v11 =	vld.idx.msk [tilespmem:v7+s18+$0x0], $0xffff  }
0xca: {  	v13 =	vor.u32 s5, v6;
	v7 =	vld.idx.msk [tilespmem:v7+s19+$0x0], $0xffff;
	_ =	sdelay $0x2  }
0xcb: {  	[tilespmem:v9+s29+$0x0] =	vst.idx.msk $0xffff, v8  }
0xcc: {  	[tilespmem:v12+s29+$0x0] =	vst.idx.msk $0xffff, v11  }
0xcd: {  	[tilespmem:v13+s29+$0x0] =	vst.idx.msk $0xffff, v7;
	v7 =	vadd.s32 $0x30, v4  }
0xce: {  	v8 =	vadd.s32 $0x31, v4;
	v11 =	vld.idx.msk [tilespmem:v10+s1+$0x0], $0xffff;
	v25 =	vor.u32 s5, v7  }
0xcf: {  	v26 =	vadd.s32 $0x32, v4;
	v14 =	vor.u32 s5, v8;
	v13 =	vld.idx.msk [tilespmem:v10+s18+$0x0], $0xffff  }
0xd0: {  	v15 =	vor.u32 s5, v26;
	v10 =	vld.idx.msk [tilespmem:v10+s19+$0x0], $0xffff;
	_ =	sdelay $0x2  }
0xd1: {  	[tilespmem:v25+s29+$0x0] =	vst.idx.msk $0xffff, v11  }
0xd2: {  	[tilespmem:v14+s29+$0x0] =	vst.idx.msk $0xffff, v13  }
0xd3: {  	[tilespmem:v15+s29+$0x0] =	vst.idx.msk $0xffff, v10  }
0xd4: {  	v10 =	vld [tilespmem:$0x7420];
	_ =	sdelay $0x1  }
0xd5: {  	v11 =	vld [tilespmem:$0x7430];
	_ =	sdelay $0x1  }
0xd6: {  	s12 =	sor.u32 $0x1, s9  }
0xd7: {  	s13 =	sshll.u32 s12, $0x5  }
0xd8: {  	s2 =	smul.u32 $0x60, s12;
	s5 =	sor.u32 $0x30, s13;
	[tilespmem:s13+$0xA500] =	vst v10  }
0xd9: {  	[tilespmem:s5+$0xA500] =	vst v11  }
0xda: {  	v27 =	vadd.s32 s2, v4;
	v13 =	vld.idx.msk [tilespmem:v10+s1+$0x0], $0xffff  }
0xdb: {  	v28 =	vadd.s32 s2, v5;
	v14 =	vld.idx.msk [tilespmem:v10+s18+$0x0], $0xffff  }
0xdc: {  	v16 =	vadd.s32 s2, v6;
	v10 =	vld.idx.msk [tilespmem:v10+s19+$0x0], $0xffff;
	_ =	sdelay $0x2  }
0xdd: {  	[tilespmem:v27+s29+$0x0] =	vst.idx.msk $0xffff, v13  }
0xde: {  	[tilespmem:v28+s29+$0x0] =	vst.idx.msk $0xffff, v14  }
0xdf: {  	[tilespmem:v16+s29+$0x0] =	vst.idx.msk $0xffff, v10  }
0xe0: {  	v29 =	vadd.s32 s2, v7;
	v12 =	vld.idx.msk [tilespmem:v11+s1+$0x0], $0xffff  }
0xe1: {  	v30 =	vadd.s32 s2, v8;
	v13 =	vld.idx.msk [tilespmem:v11+s18+$0x0], $0xffff  }
0xe2: {  	v31 =	vadd.s32 s2, v26;
	v11 =	vld.idx.msk [tilespmem:v11+s19+$0x0], $0xffff;
	_ =	sdelay $0x2  }
0xe3: {  	[tilespmem:v29+s29+$0x0] =	vst.idx.msk $0xffff, v12  }
0xe4: {  	[tilespmem:v30+s29+$0x0] =	vst.idx.msk $0xffff, v13  }
0xe5: {  	[tilespmem:v31+s29+$0x0] =	vst.idx.msk $0xffff, v11  }
0xe6: {  	v10 =	vld [tilespmem:$0x7440];
	_ =	sdelay $0x1  }
0xe7: {  	v11 =	vld [tilespmem:$0x7450];
	_ =	sdelay $0x1  }
0xe8: {  	s7 =	sor.u32 $0x2, s9  }
0xe9: {  	s8 =	sshll.u32 s7, $0x5  }
0xea: {  	s2 =	smul.u32 $0x60, s7;
	s5 =	sor.u32 $0x50, s8;
	[tilespmem:s8+$0xA500] =	vst v10  }
0xeb: {  	[tilespmem:s5+$0xA500] =	vst v11  }
0xec: {  	v33 =	vadd.s32 $0x41, v4;
	v32 =	vor.u32 s2, v4;
	v12 =	vld.idx.msk [tilespmem:v10+s1+$0x0], $0xffff  }
0xed: {  	v17 =	vadd.s32 $0x42, v4;
	v34 =	vor.u32 s2, v33;
	v15 =	vld.idx.msk [tilespmem:v10+s18+$0x0], $0xffff  }
0xee: {  	v18 =	vor.u32 s2, v17;
	v10 =	vld.idx.msk [tilespmem:v10+s19+$0x0], $0xffff;
	_ =	sdelay $0x2  }
0xef: {  	[tilespmem:v32+s29+$0x0] =	vst.idx.msk $0xffff, v12  }
0xf0: {  	[tilespmem:v34+s29+$0x0] =	vst.idx.msk $0xffff, v15  }
0xf1: {  	[tilespmem:v18+s29+$0x0] =	vst.idx.msk $0xffff, v10  }
0xf2: {  	v35 =	vadd.s32 s2, v7;
	v12 =	vld.idx.msk [tilespmem:v11+s1+$0x0], $0xffff  }
0xf3: {  	v36 =	vadd.s32 s2, v8;
	v13 =	vld.idx.msk [tilespmem:v11+s18+$0x0], $0xffff  }
0xf4: {  	v37 =	vadd.s32 s2, v26;
	v11 =	vld.idx.msk [tilespmem:v11+s19+$0x0], $0xffff;
	_ =	sdelay $0x2  }
0xf5: {  	[tilespmem:v35+s29+$0x0] =	vst.idx.msk $0xffff, v12  }
0xf6: {  	[tilespmem:v36+s29+$0x0] =	vst.idx.msk $0xffff, v13  }
0xf7: {  	[tilespmem:v37+s29+$0x0] =	vst.idx.msk $0xffff, v11  }
0xf8: {  	v10 =	vld [tilespmem:$0x7460];
	_ =	sdelay $0x1  }
0xf9: {  	v11 =	vld [tilespmem:$0x7470];
	_ =	sdelay $0x1  }
0xfa: {  	s12 =	sor.u32 $0x3, s9  }
0xfb: {  	s13 =	sshll.u32 s12, $0x5  }
0xfc: {  	s2 =	smul.u32 $0x60, s12;
	s5 =	sor.u32 $0x70, s13;
	[tilespmem:s13+$0xA500] =	vst v10  }
0xfd: {  	[tilespmem:s5+$0xA500] =	vst v11  }
0xfe: {  	v38 =	vadd.s32 s2, v4;
	v13 =	vld.idx.msk [tilespmem:v10+s1+$0x0], $0xffff  }
0xff: {  	v39 =	vadd.s32 s2, v5;
	v15 =	vld.idx.msk [tilespmem:v10+s18+$0x0], $0xffff  }
0x100: {  	v40 =	vadd.s32 s2, v6;
	v10 =	vld.idx.msk [tilespmem:v10+s19+$0x0], $0xffff;
	_ =	sdelay $0x2  }
0x101: {  	[tilespmem:v38+s29+$0x0] =	vst.idx.msk $0xffff, v13  }
0x102: {  	[tilespmem:v39+s29+$0x0] =	vst.idx.msk $0xffff, v15  }
0x103: {  	[tilespmem:v40+s29+$0x0] =	vst.idx.msk $0xffff, v10  }
0x104: {  	v41 =	vadd.s32 s2, v7;
	v12 =	vld.idx.msk [tilespmem:v11+s1+$0x0], $0xffff  }
0x105: {  	v42 =	vadd.s32 s2, v8;
	v13 =	vld.idx.msk [tilespmem:v11+s18+$0x0], $0xffff  }
0x106: {  	v43 =	vadd.s32 s2, v26;
	v11 =	vld.idx.msk [tilespmem:v11+s19+$0x0], $0xffff;
	_ =	sdelay $0x2  }
0x107: {  	[tilespmem:v41+s29+$0x0] =	vst.idx.msk $0xffff, v12  }
0x108: {  	[tilespmem:v42+s29+$0x0] =	vst.idx.msk $0xffff, v13  }
0x109: {  	[tilespmem:v43+s29+$0x0] =	vst.idx.msk $0xffff, v11  }
0x10a: {  	v10 =	vld [tilespmem:$0x7480];
	_ =	sdelay $0x1  }
0x10b: {  	v11 =	vld [tilespmem:$0x7490]  }
0x10c: {  	s7 =	sor.u32 $0x4, s9  }
0x10d: {  	s8 =	sshll.u32 s7, $0x5  }
0x10e: {  	s5 =	sand.u32 $0x3FFFFFE0, s8  }
0x10f: {  	s2 =	smul.u32 $0x60, s7;
	[tilespmem:s5+$0xA500] =	vst v10  }
0x110: {  	[tilespmem:s5+$0xA510] =	vst v11  }
0x111: {  	v44 =	vor.u32 s2, v4;
	v12 =	vld.idx.msk [tilespmem:v10+s1+$0x0], $0xffff  }
0x112: {  	v45 =	vor.u32 s2, v5;
	v15 =	vld.idx.msk [tilespmem:v10+s18+$0x0], $0xffff  }
0x113: {  	v46 =	vor.u32 s2, v6;
	v10 =	vld.idx.msk [tilespmem:v10+s19+$0x0], $0xffff;
	_ =	sdelay $0x2  }
0x114: {  	[tilespmem:v44+s29+$0x0] =	vst.idx.msk $0xffff, v12  }
0x115: {  	[tilespmem:v45+s29+$0x0] =	vst.idx.msk $0xffff, v15  }
0x116: {  	[tilespmem:v46+s29+$0x0] =	vst.idx.msk $0xffff, v10  }
0x117: {  	v47 =	vor.u32 s2, v7;
	v10 =	vld.idx.msk [tilespmem:v11+s1+$0x0], $0xffff  }
0x118: {  	v48 =	vor.u32 s2, v8;
	v13 =	vld.idx.msk [tilespmem:v11+s18+$0x0], $0xffff  }
0x119: {  	v49 =	vor.u32 s2, v26;
	v11 =	vld.idx.msk [tilespmem:v11+s19+$0x0], $0xffff;
	_ =	sdelay $0x2  }
0x11a: {  	[tilespmem:v47+s29+$0x0] =	vst.idx.msk $0xffff, v10  }
0x11b: {  	[tilespmem:v48+s29+$0x0] =	vst.idx.msk $0xffff, v13  }
0x11c: {  	[tilespmem:v49+s29+$0x0] =	vst.idx.msk $0xffff, v11  }
0x11d: {  	v10 =	vld [tilespmem:$0x74A0];
	_ =	sdelay $0x1  }
0x11e: {  	v11 =	vld [tilespmem:$0x74B0];
	_ =	sdelay $0x1  }
0x11f: {  	s12 =	sor.u32 $0x5, s9  }
0x120: {  	s13 =	sshll.u32 s12, $0x5  }
0x121: {  	s2 =	smul.u32 $0x60, s12;
	s5 =	sor.u32 $0x30, s13;
	[tilespmem:s13+$0xA500] =	vst v10  }
0x122: {  	[tilespmem:s5+$0xA500] =	vst v11  }
0x123: {  	v50 =	vadd.s32 s2, v4;
	v13 =	vld.idx.msk [tilespmem:v10+s1+$0x0], $0xffff  }
0x124: {  	v51 =	vadd.s32 s2, v5;
	v15 =	vld.idx.msk [tilespmem:v10+s18+$0x0], $0xffff  }
0x125: {  	v52 =	vadd.s32 s2, v6;
	v10 =	vld.idx.msk [tilespmem:v10+s19+$0x0], $0xffff;
	_ =	sdelay $0x2  }
0x126: {  	[tilespmem:v50+s29+$0x0] =	vst.idx.msk $0xffff, v13  }
0x127: {  	[tilespmem:v51+s29+$0x0] =	vst.idx.msk $0xffff, v15  }
0x128: {  	[tilespmem:v52+s29+$0x0] =	vst.idx.msk $0xffff, v10  }
0x129: {  	v53 =	vadd.s32 s2, v7;
	v12 =	vld.idx.msk [tilespmem:v11+s1+$0x0], $0xffff  }
0x12a: {  	v54 =	vadd.s32 s2, v8;
	v13 =	vld.idx.msk [tilespmem:v11+s18+$0x0], $0xffff  }
0x12b: {  	v55 =	vadd.s32 s2, v26;
	v11 =	vld.idx.msk [tilespmem:v11+s19+$0x0], $0xffff;
	_ =	sdelay $0x2  }
0x12c: {  	[tilespmem:v53+s29+$0x0] =	vst.idx.msk $0xffff, v12  }
0x12d: {  	[tilespmem:v54+s29+$0x0] =	vst.idx.msk $0xffff, v13  }
0x12e: {  	[tilespmem:v55+s29+$0x0] =	vst.idx.msk $0xffff, v11  }
0x12f: {  	v10 =	vld [tilespmem:$0x74C0];
	_ =	sdelay $0x1  }
0x130: {  	v11 =	vld [tilespmem:$0x74D0];
	_ =	sdelay $0x1  }
0x131: {  	s7 =	sor.u32 $0x6, s9  }
0x132: {  	s8 =	sshll.u32 s7, $0x5  }
0x133: {  	s2 =	smul.u32 $0x60, s7;
	s5 =	sor.u32 $0x50, s8;
	[tilespmem:s8+$0xA500] =	vst v10  }
0x134: {  	[tilespmem:s5+$0xA500] =	vst v11  }
0x135: {  	v56 =	vor.u32 s2, v4;
	v13 =	vld.idx.msk [tilespmem:v10+s1+$0x0], $0xffff  }
0x136: {  	v14 =	vor.u32 s2, v33;
	v15 =	vld.idx.msk [tilespmem:v10+s18+$0x0], $0xffff  }
0x137: {  	v57 =	vor.u32 s2, v17;
	v10 =	vld.idx.msk [tilespmem:v10+s19+$0x0], $0xffff;
	_ =	sdelay $0x2  }
0x138: {  	[tilespmem:v56+s29+$0x0] =	vst.idx.msk $0xffff, v13  }
0x139: {  	[tilespmem:v14+s29+$0x0] =	vst.idx.msk $0xffff, v15  }
0x13a: {  	[tilespmem:v57+s29+$0x0] =	vst.idx.msk $0xffff, v10  }
0x13b: {  	v58 =	vadd.s32 s2, v7;
	v12 =	vld.idx.msk [tilespmem:v11+s1+$0x0], $0xffff  }
0x13c: {  	v59 =	vadd.s32 s2, v8;
	v13 =	vld.idx.msk [tilespmem:v11+s18+$0x0], $0xffff  }
0x13d: {  	v60 =	vadd.s32 s2, v26;
	v11 =	vld.idx.msk [tilespmem:v11+s19+$0x0], $0xffff;
	_ =	sdelay $0x2  }
0x13e: {  	[tilespmem:v58+s29+$0x0] =	vst.idx.msk $0xffff, v12  }
0x13f: {  	[tilespmem:v59+s29+$0x0] =	vst.idx.msk $0xffff, v13  }
0x140: {  	[tilespmem:v60+s29+$0x0] =	vst.idx.msk $0xffff, v11  }
0x141: {  	v10 =	vld [tilespmem:$0x74E0];
	_ =	sdelay $0x1  }
0x142: {  	v11 =	vld [tilespmem:$0x74F0];
	_ =	sdelay $0x1  }
0x143: {  	s12 =	sor.u32 $0x7, s9  }
0x144: {  	s13 =	sshll.u32 s12, $0x5  }
0x145: {  	s2 =	smul.u32 $0x60, s12;
	s5 =	sor.u32 $0x70, s13;
	[tilespmem:s13+$0xA500] =	vst v10  }
0x146: {  	[tilespmem:s5+$0xA500] =	vst v11  }
0x147: {  	v61 =	vadd.s32 s2, v4;
	v13 =	vld.idx.msk [tilespmem:v10+s1+$0x0], $0xffff  }
0x148: {  	v62 =	vadd.s32 s2, v5;
	v14 =	vld.idx.msk [tilespmem:v10+s18+$0x0], $0xffff  }
0x149: {  	v63 =	vadd.s32 s2, v6;
	v10 =	vld.idx.msk [tilespmem:v10+s19+$0x0], $0xffff;
	_ =	sdelay $0x2  }
0x14a: {  	[tilespmem:v61+s29+$0x0] =	vst.idx.msk $0xffff, v13  }
0x14b: {  	[tilespmem:v62+s29+$0x0] =	vst.idx.msk $0xffff, v14  }
0x14c: {  	[tilespmem:v63+s29+$0x0] =	vst.idx.msk $0xffff, v10  }
0x14d: {  	v7 =	vadd.s32 s2, v7;
	v10 =	vld.idx.msk [tilespmem:v11+s1+$0x0], $0xffff  }
0x14e: {  	s30 =	sadd.s32 $0x1, s30;
	v8 =	vadd.s32 s2, v8;
	v12 =	vld.idx.msk [tilespmem:v11+s18+$0x0], $0xffff  }
0x14f: {  	p1 =	sne.s32 s30, $0x10;
	v9 =	vadd.s32 s2, v26;
	v11 =	vld.idx.msk [tilespmem:v11+s19+$0x0], $0xffff  }
.Ltmp7:
0x150: {  	_ = 	snop;
	(pc) =	sbr.rel @!p1 .LBB2_46-.Ltmp7, $4  }
0x151: {  	_ = 	snop  }
0x152: {  	[tilespmem:v7+s29+$0x0] =	vst.idx.msk $0xffff, v10  }
0x153: {  	[tilespmem:v8+s29+$0x0] =	vst.idx.msk $0xffff, v12  }
0x154: {  	[tilespmem:v9+s29+$0x0] =	vst.idx.msk $0xffff, v11  }
.LBB2_10:
0x155: {  	s9 =	sshll.u32 s30, $0x3  }
0x156: {  	s2 =	sor.u32 s3, s9  }
0x157: {  	v4 =	vmov s2  }
0x158: {  	v4 =	vand.u32 $0xFFFFFFF8, v4  }
0x159: {  	v6 =	vbroadcast v4, $0x0;
	_ =	sdelay $0x2  }
0x15a: {  	s5 =	sor.u32 $0x1, s2  }
0x15b: {  	v5 =	vmov s5  }
0x15c: {  	v7 =	vand.u32 $0xFFFFFFF9, v5  }
0x15d: {  	v9 =	vbroadcast v7, $0x0;
	v4 =	vld.idx.msk [tilespmem:v6+s20+$0x0], $0xffff  }
0x15e: {  	v20 =	vimm.f32 $+Inf;
	v5 =	vld.idx.msk [tilespmem:v6+s21+$0x0], $0xffff  }
0x15f: {  	v6 =	vld.idx.msk [tilespmem:v6+s22+$0x0], $0xffff;
	[tilespmem:$0x7300] =	vst v20  }
0x160: {  	s13 =	sor.u32 $0x2, s2;
	[tilespmem:$0x7310] =	vst v20  }
0x161: {  	v8 =	vmov s13;
	[tilespmem:$0x7400] =	vst v2  }
0x162: {  	v10 =	vand.u32 $0xFFFFFFFA, v8;
	[tilespmem:$0x7410] =	vst v2  }
0x163: {  	v12 =	vbroadcast v10, $0x0;
	v7 =	vld.idx.msk [tilespmem:v9+s20+$0x0], $0xffff  }
0x164: {  	v8 =	vld.idx.msk [tilespmem:v9+s21+$0x0], $0xffff  }
0x165: {  	v9 =	vld.idx.msk [tilespmem:v9+s22+$0x0], $0xffff;
	[tilespmem:$0x7320] =	vst v20  }
0x166: {  	s7 =	sor.u32 $0x3, s2;
	[tilespmem:$0x7330] =	vst v20  }
0x167: {  	v11 =	vmov s7;
	[tilespmem:$0x7420] =	vst v2  }
0x168: {  	v13 =	vand.u32 $0xFFFFFFFB, v11;
	[tilespmem:$0x7430] =	vst v2  }
0x169: {  	v15 =	vbroadcast v13, $0x0;
	v10 =	vld.idx.msk [tilespmem:v12+s20+$0x0], $0xffff  }
0x16a: {  	v11 =	vld.idx.msk [tilespmem:v12+s21+$0x0], $0xffff  }
0x16b: {  	v12 =	vld.idx.msk [tilespmem:v12+s22+$0x0], $0xffff;
	[tilespmem:$0x7340] =	vst v20  }
0x16c: {  	s8 =	sor.u32 $0x4, s2;
	[tilespmem:$0x7350] =	vst v20  }
0x16d: {  	v14 =	vmov s8;
	[tilespmem:$0x7440] =	vst v2  }
0x16e: {  	v16 =	vand.u32 $0xFFFFFFFC, v14;
	[tilespmem:$0x7450] =	vst v2  }
0x16f: {  	v18 =	vbroadcast v16, $0x0;
	v13 =	vld.idx.msk [tilespmem:v15+s20+$0x0], $0xffff  }
0x170: {  	v14 =	vld.idx.msk [tilespmem:v15+s21+$0x0], $0xffff  }
0x171: {  	v15 =	vld.idx.msk [tilespmem:v15+s22+$0x0], $0xffff;
	[tilespmem:$0x7360] =	vst v20  }
0x172: {  	s12 =	sor.u32 $0x5, s2;
	[tilespmem:$0x7370] =	vst v20  }
0x173: {  	v17 =	vmov s12;
	[tilespmem:$0x7460] =	vst v2  }
0x174: {  	v19 =	vand.u32 $0xFFFFFFFD, v17;
	[tilespmem:$0x7470] =	vst v2  }
0x175: {  	v22 =	vbroadcast v19, $0x0;
	v16 =	vld.idx.msk [tilespmem:v18+s20+$0x0], $0xffff  }
0x176: {  	v17 =	vld.idx.msk [tilespmem:v18+s21+$0x0], $0xffff  }
0x177: {  	v18 =	vld.idx.msk [tilespmem:v18+s22+$0x0], $0xffff;
	[tilespmem:$0x7380] =	vst v20  }
0x178: {  	s13 =	sor.u32 $0x6, s2;
	[tilespmem:$0x7390] =	vst v20  }
0x179: {  	v21 =	vmov s13;
	[tilespmem:$0x7480] =	vst v2  }
0x17a: {  	v23 =	vand.u32 $0xFFFFFFFE, v21;
	[tilespmem:$0x7490] =	vst v2  }
0x17b: {  	v25 =	vbroadcast v23, $0x0;
	v19 =	vld.idx.msk [tilespmem:v22+s20+$0x0], $0xffff  }
0x17c: {  	v21 =	vld.idx.msk [tilespmem:v22+s21+$0x0], $0xffff  }
0x17d: {  	v22 =	vld.idx.msk [tilespmem:v22+s22+$0x0], $0xffff;
	[tilespmem:$0x73A0] =	vst v20  }
0x17e: {  	[tilespmem:$0x73B0] =	vst v20  }
0x17f: {  	[tilespmem:$0x74A0] =	vst v2  }
0x180: {  	[tilespmem:$0x74B0] =	vst v2  }
0x181: {  	s2 =	sor.u32 $0x7, s2;
	v23 =	vld.idx.msk [tilespmem:v25+s20+$0x0], $0xffff  }
0x182: {  	v28 =	vmov s2;
	v24 =	vld.idx.msk [tilespmem:v25+s21+$0x0], $0xffff  }
0x183: {  	v25 =	vld.idx.msk [tilespmem:v25+s22+$0x0], $0xffff;
	[tilespmem:$0x73C0] =	vst v20  }
0x184: {  	[tilespmem:$0x73D0] =	vst v20  }
0x185: {  	[tilespmem:$0x74C0] =	vst v2  }
0x186: {  	[tilespmem:$0x74D0] =	vst v2  }
0x187: {  	v26 =	vld.idx.msk [tilespmem:v28+s20+$0x0], $0xffff  }
.Ltmp8:
0x188: {  	v27 =	vld.idx.msk [tilespmem:v28+s21+$0x0], $0xffff;
	(pc) =	sbr.rel .LBB2_11-.Ltmp8, $4  }
0x189: {  	v28 =	vld.idx.msk [tilespmem:v28+s22+$0x0], $0xffff;
	[tilespmem:$0x73E0] =	vst v20  }
0x18a: {  	v29 =	vimm.f32 $+Inf;
	[tilespmem:$0x73F0] =	vst v20  }
0x18b: {  	v30 =	vimm.f32 $+Inf;
	v31 =	vimm.f32 $+Inf;
	v32 =	vimm.f32 $+Inf;
	[tilespmem:$0x74E0] =	vst v2  }
0x18c: {  	v34 =	vimm.f32 $+Inf;
	v35 =	vimm.f32 $+Inf;
	v33 =	vimm.f32 $+Inf;
	s2 =	simm.s32 $0x0;
	[tilespmem:$0x74F0] =	vst v2  }
.LBB2_44:
0x18d: {  	s2 =	sadd.s32 $0x1, s2  }
0x18e: {  	p1 =	sne.s32 s2, $0x200  }
.Ltmp9:
0x18f: {  	_ = 	snop;
	(pc) =	sbr.rel @!p1 .LBB2_45-.Ltmp9, $1  }
0x190: {  	_ =	sdelay $0x3  }
.LBB2_11:
0x191: {  	s7 =	sshll.u32 s2, $0x4  }
0x192: {  	v36 =	vld [tilespmem:s7+$0x0]  }
0x193: {  	v37 =	vld [tilespmem:s7+$0x2000];
	_ =	sdelay $0x3  }
0x194: {  	v42 =	vld [tilespmem:s7+$0x4000];
	v38 =	vsub.f32 v36, v4  }
0x195: {  	v39 =	vsub.f32 v37, v5;
	v40 =	vsub.f32 v36, v7  }
0x196: {  	v41 =	vsub.f32 v37, v8;
	v57 =	vsub.f32 v36, v10  }
0x197: {  	v58 =	vsub.f32 v37, v11;
	v59 =	vsub.f32 v36, v16  }
0x198: {  	v60 =	vsub.f32 v37, v17;
	v45 =	vsub.f32 v36, v13  }
0x199: {  	v46 =	vsub.f32 v37, v14;
	v47 =	vsub.f32 v42, v18  }
0x19a: {  	v48 =	vsub.f32 v36, v19;
	v49 =	vsub.f32 v37, v21  }
0x19b: {  	v62 =	vsub.f32 v42, v6;
	v52 =	vsub.f32 v36, v23  }
0x19c: {  	v53 =	vsub.f32 v37, v24;
	v36 =	vsub.f32 v36, v26  }
0x19d: {  	v37 =	vsub.f32 v37, v27;
	v38 =	vmul.f32 v38, v38;
	v39 =	vmul.f32 v39, v39  }
0x19e: {  	v54 =	vsub.f32 v42, v25;
	v40 =	vmul.f32 v40, v40;
	v41 =	vmul.f32 v41, v41  }
0x19f: {  	v55 =	vsub.f32 v42, v28;
	v45 =	vmul.f32 v45, v45;
	v46 =	vmul.f32 v46, v46  }
0x1a0: {  	v56 =	vsub.f32 v42, v22;
	v61 =	vmul.f32 v47, v47;
	v48 =	vmul.f32 v48, v48  }
0x1a1: {  	v49 =	vmul.f32 v49, v49;
	v36 =	vmul.f32 v36, v36;
	v44 =	vadd.f32 v39, v38  }
0x1a2: {  	v43 =	vadd.f32 v41, v40;
	v40 =	vmul.f32 v59, v59;
	v41 =	vmul.f32 v60, v60  }
0x1a3: {  	v38 =	vmul.f32 v57, v57;
	v39 =	vmul.f32 v58, v58;
	v45 =	vadd.f32 v46, v45  }
0x1a4: {  	v37 =	vmul.f32 v37, v37;
	v63 =	vadd.f32 v49, v48;
	v40 =	vadd.f32 v41, v40  }
0x1a5: {  	v50 =	vadd.f32 v39, v38;
	v38 =	vmul.f32 v52, v52;
	v41 =	vmul.f32 v53, v53  }
0x1a6: {  	v46 =	vmul.f32 v54, v54;
	v36 =	vadd.f32 v37, v36;
	v57 =	vsub.f32 v42, v9  }
0x1a7: {  	v58 =	vmul.f32 v55, v55;
	v59 =	vsub.f32 v42, v15;
	v38 =	vadd.f32 v41, v38  }
0x1a8: {  	v60 =	vmul.f32 v62, v62;
	v42 =	vsub.f32 v42, v12;
	v41 =	vmul.f32 v56, v56  }
0x1a9: {  	v37 =	vadd.f32 v58, v36;
	v62 =	vmul.f32 v59, v59;
	v38 =	vadd.f32 v46, v38  }
0x1aa: {  	v42 =	vmul.f32 v42, v42;
	v40 =	vadd.f32 v61, v40;
	v39 =	vadd.f32 v41, v63  }
0x1ab: {  	v61 =	vmul.f32 v57, v57;
	vm0 =	vlt.f32 v37, v20;
	vm1 =	vlt.f32 v38, v29  }
0x1ac: {  	v41 =	vadd.f32 v62, v45;
	vm2 =	vlt.f32 v39, v30;
	vm4 =	vmor vm1, vm0  }
0x1ad: {  	v42 =	vadd.f32 v42, v50;
	vm3 =	vlt.f32 v40, v31;
	vm5 =	vmor vm2, vm4  }
0x1ae: {  	v43 =	vadd.f32 v61, v43;
	vm4 =	vlt.f32 v41, v32;
	vm6 =	vmor vm3, vm5  }
0x1af: {  	v44 =	vadd.f32 v60, v44;
	vm5 =	vlt.f32 v42, v34;
	vm7 =	vmor vm4, vm6  }
0x1b0: {  	vm6 =	vlt.f32 v43, v35;
	vm8 =	vmor vm5, vm7  }
0x1b1: {  	vm7 =	vlt.f32 v44, v33;
	vm8 =	vmor vm6, vm8  }
0x1b2: {  	vm8 =	vmor vm7, vm8  }
0x1b3: {  	v63 =	vsel vm8, $0x3F800000, v3  }
0x1b4: {  	(xrf0) =	vmax.scan.msk.f32 $0xffff, v63;
	_ =	sdelay $0x5  }
0x1b5: {  	v36, _, _ =	vpop (xrf0)  }
0x1b6: {  	(v2sf) =	vpush v36, $0xF;
	_ =	sdelay $0xe  }
0x1b7: {  	s5 =	spop (v2sf)  }
0x1b8: {  	p1 =	sgt.f32 s5, $0.0e+00  }
.Ltmp10:
0x1b9: {  	_ = 	snop;
	(pc) =	sbr.rel @!p1 .LBB2_44-.Ltmp10, $1  }
0x1ba: {  	_ =	sdelay $0x3  }
0x1bb: {  	vm8 =	vlt.f32 v44, v33  }
0x1bc: {  	v36 =	vsel vm8, $0x3F800000, v3  }
0x1bd: {  	(xrf0) =	vmax.scan.msk.f32 $0xffff, v36;
	_ =	sdelay $0x5  }
0x1be: {  	v36, _, _ =	vpop (xrf0)  }
0x1bf: {  	(v2sf) =	vpush v36, $0xF;
	_ =	sdelay $0xe  }
0x1c0: {  	s5 =	spop (v2sf)  }
0x1c1: {  	p1 =	sgt.f32 s5, $0.0e+00  }
.Ltmp11:
0x1c2: {  	_ = 	snop;
	(pc) =	sbr.rel @!p1 .LBB2_16-.Ltmp11, $2  }
0x1c3: {  	_ =	sdelay $0x2  }
0x1c4: {  	v36 =	vmov s7  }
0x1c5: {  	[tilespmem:$0xB800] =	vst v44  }
.LBB2_14:
0x1c6: {  	v33 =	vmctz.xlane vm7;
	_ =	sdelay $0x1  }
0x1c7: {  	vm8 =	vne.s32 v33, v1  }
0x1c8: {  	vm7 =	vmand vm7, vm8  }
0x1c9: {  	v44 =	vsel vm7, $0x3F800000, v3  }
0x1ca: {  	(xrf0) =	vmax.scan.msk.f32 $0xffff, v44;
	_ =	sdelay $0x5  }
0x1cb: {  	v45 =	vld [tilespmem:$0x7300];
	v47, _, _ =	vpop (xrf0)  }
0x1cc: {  	v46 =	vld [tilespmem:$0x7310];
	(v2sf) =	vpush v47, $0xF  }
0x1cd: {  	v60 =	vld.idx.msk [tilespmem:v33+s25+$0x0], $0xffff;
	_ =	sdelay $0x4  }
0x1ce: {  	vm8 =	vle.f32 v45, v60;
	vm9 =	vle.f32 v46, v60  }
0x1cf: {  	v61 =	vmpcnt.ones.xlane vm8;
	v48 =	vmpcnt.ones.xlane vm9;
	_ =	sdelay $0x1  }
0x1d0: {  	v62 =	vadd.s32 $0x1, v1;
	v47 =	vadd.s32 v61, v48  }
0x1d1: {  	v49 =	vor.u32 $0x10, v1;
	vm8 =	vlt.s32 v47, v62  }
0x1d2: {  	vm9 =	vmmov $0x7fff;
	v48 =	vsel vm8, v62, v1;
	vm8 =	vgt.s32 v47, v49  }
0x1d3: {  	v50 =	vld [tilespmem:$0x7400];
	v51 =	vadd.s32 $0x11, v1;
	vm9 =	vmor vm8, vm9  }
0x1d4: {  	v49 =	vsel vm8, v49, v51;
	vm8 =	vlt.s32 v47, $0x20  }
0x1d5: {  	v63 =	vld [tilespmem:$0x7410];
	vm8 =	vmand vm8, vm10  }
0x1d6: {  	s5 =	spop (v2sf)  }
0x1d7: {  	[tilespmem:v48+s26+$0x0] =	vst.idx.msk $0xffff, v45;
	p1 =	sgt.f32 s5, $0.0e+00  }
.Ltmp12:
0x1d8: {  	[tilespmem:v48+s28+$0x0] =	vst.idx.msk $0xffff, v50;
	(pc) =	sbr.rel @p1 .LBB2_14-.Ltmp12, $4  }
0x1d9: {  	[tilespmem:v49+s26+$0x0] =	vst.idx.msk vm9, v46  }
0x1da: {  	[tilespmem:v49+s28+$0x0] =	vst.idx.msk vm9, v63  }
0x1db: {  	v33 =	vadd.s32 v36, v33;
	[tilespmem:v47+s26+$0x0] =	vst.idx.msk vm8, v60  }
0x1dc: {  	[tilespmem:v47+s28+$0x0] =	vst.idx.msk vm8, v33  }
0x1dd: {  	v33 =	vld [tilespmem:$0x7310];
	_ =	sdelay $0x4  }
0x1de: {  	(xrf0) =	vmax.scan.msk.f32 $0xffff, v33;
	_ =	sdelay $0x5  }
0x1df: {  	v33, _, _ =	vpop (xrf0)  }
0x1e0: {  	v33 =	vbroadcast v33, $0xF  }
.LBB2_16:
0x1e1: {  	vm7 =	vlt.f32 v43, v35  }
0x1e2: {  	v44 =	vsel vm7, $0x3F800000, v3  }
0x1e3: {  	(xrf0) =	vmax.scan.msk.f32 $0xffff, v44;
	_ =	sdelay $0x5  }
0x1e4: {  	v44, _, _ =	vpop (xrf0)  }
0x1e5: {  	(v2sf) =	vpush v44, $0xF;
	_ =	sdelay $0xe  }
0x1e6: {  	s5 =	spop (v2sf)  }
0x1e7: {  	p1 =	sgt.f32 s5, $0.0e+00  }
.Ltmp13:
0x1e8: {  	_ = 	snop;
	(pc) =	sbr.rel @!p1 .LBB2_20-.Ltmp13, $1  }
0x1e9: {  	_ =	sdelay $0x3  }
0x1ea: {  	[tilespmem:$0xB800] =	vst v43  }
.LBB2_18:
0x1eb: {  	v35 =	vmctz.xlane vm6;
	_ =	sdelay $0x1  }
0x1ec: {  	vm7 =	vne.s32 v35, v1  }
0x1ed: {  	vm6 =	vmand vm6, vm7  }
0x1ee: {  	v43 =	vsel vm6, $0x3F800000, v3  }
0x1ef: {  	(xrf0) =	vmax.scan.msk.f32 $0xffff, v43;
	_ =	sdelay $0x5  }
0x1f0: {  	v44 =	vld [tilespmem:$0x7320];
	v46, _, _ =	vpop (xrf0)  }
0x1f1: {  	v45 =	vld [tilespmem:$0x7330];
	(v2sf) =	vpush v46, $0xF  }
0x1f2: {  	v56 =	vld.idx.msk [tilespmem:v35+s25+$0x0], $0xffff;
	_ =	sdelay $0x4  }
0x1f3: {  	vm7 =	vle.f32 v44, v56;
	vm8 =	vle.f32 v45, v56  }
0x1f4: {  	v57 =	vmpcnt.ones.xlane vm7;
	v47 =	vmpcnt.ones.xlane vm8;
	_ =	sdelay $0x1  }
0x1f5: {  	v58 =	vadd.s32 $0x1, v1;
	v59 =	vor.u32 $0x10, v1;
	v46 =	vadd.s32 v57, v47  }
0x1f6: {  	v48 =	vor.u32 $0x20, v1;
	v49 =	vadd.s32 $0x21, v1;
	vm7 =	vlt.s32 v46, v58  }
0x1f7: {  	vm9 =	vmmov $0x7fff;
	vm8 =	vgt.s32 v46, v59;
	v60 =	vsel vm7, v49, v48  }
0x1f8: {  	v61 =	vld [tilespmem:$0x7420];
	v62 =	vadd.s32 $0x31, v1;
	v50 =	vor.u32 $0x30, v1;
	vm7 =	vmor vm8, vm9  }
0x1f9: {  	v49 =	vsel vm8, v50, v62;
	vm8 =	vlt.s32 v46, $0x20;
	vm9 =	vmmov $0x1  }
0x1fa: {  	v63 =	vld [tilespmem:$0x7430];
	vm8 =	vmand vm8, vm9  }
0x1fb: {  	v46 =	vadd.s32 $0x20, v46;
	s5 =	spop (v2sf)  }
0x1fc: {  	[tilespmem:v60+s26+$0x0] =	vst.idx.msk $0xffff, v44;
	p1 =	sgt.f32 s5, $0.0e+00  }
.Ltmp14:
0x1fd: {  	[tilespmem:v60+s28+$0x0] =	vst.idx.msk $0xffff, v61;
	(pc) =	sbr.rel @p1 .LBB2_18-.Ltmp14, $4  }
0x1fe: {  	[tilespmem:v49+s26+$0x0] =	vst.idx.msk vm7, v45  }
0x1ff: {  	[tilespmem:v49+s28+$0x0] =	vst.idx.msk vm7, v63  }
0x200: {  	v35 =	vadd.s32 v36, v35;
	[tilespmem:v46+s26+$0x0] =	vst.idx.msk vm8, v56  }
0x201: {  	[tilespmem:v46+s28+$0x0] =	vst.idx.msk vm8, v35  }
0x202: {  	v35 =	vld [tilespmem:$0x7330];
	_ =	sdelay $0x4  }
0x203: {  	(xrf0) =	vmax.scan.msk.f32 $0xffff, v35;
	_ =	sdelay $0x5  }
0x204: {  	v35, _, _ =	vpop (xrf0)  }
0x205: {  	v35 =	vbroadcast v35, $0xF  }
.LBB2_20:
0x206: {  	vm6 =	vlt.f32 v42, v34  }
0x207: {  	v43 =	vsel vm6, $0x3F800000, v3  }
0x208: {  	(xrf0) =	vmax.scan.msk.f32 $0xffff, v43;
	_ =	sdelay $0x5  }
0x209: {  	v43, _, _ =	vpop (xrf0)  }
0x20a: {  	(v2sf) =	vpush v43, $0xF;
	_ =	sdelay $0xe  }
0x20b: {  	s5 =	spop (v2sf)  }
0x20c: {  	p1 =	sgt.f32 s5, $0.0e+00  }
.Ltmp15:
0x20d: {  	_ = 	snop;
	(pc) =	sbr.rel @!p1 .LBB2_24-.Ltmp15, $1  }
0x20e: {  	_ =	sdelay $0x3  }
0x20f: {  	[tilespmem:$0xB800] =	vst v42  }
.LBB2_22:
0x210: {  	v34 =	vmctz.xlane vm5;
	_ =	sdelay $0x1  }
0x211: {  	vm6 =	vne.s32 v34, v1  }
0x212: {  	vm5 =	vmand vm5, vm6  }
0x213: {  	v42 =	vsel vm5, $0x3F800000, v3  }
0x214: {  	(xrf0) =	vmax.scan.msk.f32 $0xffff, v42;
	_ =	sdelay $0x5  }
0x215: {  	v43 =	vld [tilespmem:$0x7340];
	v45, _, _ =	vpop (xrf0)  }
0x216: {  	v44 =	vld [tilespmem:$0x7350];
	(v2sf) =	vpush v45, $0xF  }
0x217: {  	v56 =	vld.idx.msk [tilespmem:v34+s25+$0x0], $0xffff;
	_ =	sdelay $0x4  }
0x218: {  	vm6 =	vle.f32 v43, v56;
	vm7 =	vle.f32 v44, v56  }
0x219: {  	v57 =	vmpcnt.ones.xlane vm6;
	v46 =	vmpcnt.ones.xlane vm7;
	_ =	sdelay $0x1  }
0x21a: {  	v58 =	vadd.s32 $0x1, v1;
	v59 =	vor.u32 $0x10, v1;
	v45 =	vadd.s32 v57, v46  }
0x21b: {  	v47 =	vor.u32 $0x40, v1;
	v48 =	vadd.s32 $0x41, v1;
	vm6 =	vlt.s32 v45, v58  }
0x21c: {  	vm8 =	vmmov $0x7fff;
	vm7 =	vgt.s32 v45, v59;
	v60 =	vsel vm6, v48, v47  }
0x21d: {  	v61 =	vld [tilespmem:$0x7440];
	v62 =	vadd.s32 $0x51, v1;
	v49 =	vor.u32 $0x50, v1;
	vm6 =	vmor vm7, vm8  }
0x21e: {  	v48 =	vsel vm7, v49, v62;
	vm7 =	vlt.s32 v45, $0x20;
	vm8 =	vmmov $0x1  }
0x21f: {  	v63 =	vld [tilespmem:$0x7450];
	vm7 =	vmand vm7, vm8  }
0x220: {  	v45 =	vadd.s32 $0x40, v45;
	s5 =	spop (v2sf)  }
0x221: {  	[tilespmem:v60+s26+$0x0] =	vst.idx.msk $0xffff, v43;
	p1 =	sgt.f32 s5, $0.0e+00  }
.Ltmp16:
0x222: {  	[tilespmem:v60+s28+$0x0] =	vst.idx.msk $0xffff, v61;
	(pc) =	sbr.rel @p1 .LBB2_22-.Ltmp16, $4  }
0x223: {  	[tilespmem:v48+s26+$0x0] =	vst.idx.msk vm6, v44  }
0x224: {  	[tilespmem:v48+s28+$0x0] =	vst.idx.msk vm6, v63  }
0x225: {  	v34 =	vadd.s32 v36, v34;
	[tilespmem:v45+s26+$0x0] =	vst.idx.msk vm7, v56  }
0x226: {  	[tilespmem:v45+s28+$0x0] =	vst.idx.msk vm7, v34  }
0x227: {  	v34 =	vld [tilespmem:$0x7350];
	_ =	sdelay $0x4  }
0x228: {  	(xrf0) =	vmax.scan.msk.f32 $0xffff, v34;
	_ =	sdelay $0x5  }
0x229: {  	v34, _, _ =	vpop (xrf0)  }
0x22a: {  	v34 =	vbroadcast v34, $0xF  }
.LBB2_24:
0x22b: {  	vm5 =	vlt.f32 v41, v32  }
0x22c: {  	v42 =	vsel vm5, $0x3F800000, v3  }
0x22d: {  	(xrf0) =	vmax.scan.msk.f32 $0xffff, v42;
	_ =	sdelay $0x5  }
0x22e: {  	v42, _, _ =	vpop (xrf0)  }
0x22f: {  	(v2sf) =	vpush v42, $0xF;
	_ =	sdelay $0xe  }
0x230: {  	s5 =	spop (v2sf)  }
0x231: {  	p1 =	sgt.f32 s5, $0.0e+00  }
.Ltmp17:
0x232: {  	_ = 	snop;
	(pc) =	sbr.rel @!p1 .LBB2_28-.Ltmp17, $1  }
0x233: {  	_ =	sdelay $0x3  }
0x234: {  	[tilespmem:$0xB800] =	vst v41  }
.LBB2_26:
0x235: {  	v32 =	vmctz.xlane vm4;
	_ =	sdelay $0x1  }
0x236: {  	vm5 =	vne.s32 v32, v1  }
0x237: {  	vm4 =	vmand vm4, vm5  }
0x238: {  	v41 =	vsel vm4, $0x3F800000, v3  }
0x239: {  	(xrf0) =	vmax.scan.msk.f32 $0xffff, v41;
	_ =	sdelay $0x5  }
0x23a: {  	v42 =	vld [tilespmem:$0x7360];
	v44, _, _ =	vpop (xrf0)  }
0x23b: {  	v43 =	vld [tilespmem:$0x7370];
	(v2sf) =	vpush v44, $0xF  }
0x23c: {  	v56 =	vld.idx.msk [tilespmem:v32+s25+$0x0], $0xffff;
	_ =	sdelay $0x4  }
0x23d: {  	vm5 =	vle.f32 v42, v56;
	vm6 =	vle.f32 v43, v56  }
0x23e: {  	v57 =	vmpcnt.ones.xlane vm5;
	v45 =	vmpcnt.ones.xlane vm6;
	_ =	sdelay $0x1  }
0x23f: {  	v58 =	vadd.s32 $0x1, v1;
	v59 =	vor.u32 $0x10, v1;
	v44 =	vadd.s32 v57, v45  }
0x240: {  	v46 =	vor.u32 $0x60, v1;
	v47 =	vadd.s32 $0x61, v1;
	vm5 =	vlt.s32 v44, v58  }
0x241: {  	vm7 =	vmmov $0x7fff;
	vm6 =	vgt.s32 v44, v59;
	v60 =	vsel vm5, v47, v46  }
0x242: {  	v61 =	vld [tilespmem:$0x7460];
	v62 =	vadd.s32 $0x71, v1;
	v48 =	vor.u32 $0x70, v1;
	vm5 =	vmor vm6, vm7  }
0x243: {  	v47 =	vsel vm6, v48, v62;
	vm6 =	vlt.s32 v44, $0x20;
	vm7 =	vmmov $0x1  }
0x244: {  	v63 =	vld [tilespmem:$0x7470];
	vm6 =	vmand vm6, vm7  }
0x245: {  	v44 =	vadd.s32 $0x60, v44;
	s5 =	spop (v2sf)  }
0x246: {  	[tilespmem:v60+s26+$0x0] =	vst.idx.msk $0xffff, v42;
	p1 =	sgt.f32 s5, $0.0e+00  }
.Ltmp18:
0x247: {  	[tilespmem:v60+s28+$0x0] =	vst.idx.msk $0xffff, v61;
	(pc) =	sbr.rel @p1 .LBB2_26-.Ltmp18, $4  }
0x248: {  	[tilespmem:v47+s26+$0x0] =	vst.idx.msk vm5, v43  }
0x249: {  	[tilespmem:v47+s28+$0x0] =	vst.idx.msk vm5, v63  }
0x24a: {  	v32 =	vadd.s32 v36, v32;
	[tilespmem:v44+s26+$0x0] =	vst.idx.msk vm6, v56  }
0x24b: {  	[tilespmem:v44+s28+$0x0] =	vst.idx.msk vm6, v32  }
0x24c: {  	v32 =	vld [tilespmem:$0x7370];
	_ =	sdelay $0x4  }
0x24d: {  	(xrf0) =	vmax.scan.msk.f32 $0xffff, v32;
	_ =	sdelay $0x5  }
0x24e: {  	v32, _, _ =	vpop (xrf0)  }
0x24f: {  	v32 =	vbroadcast v32, $0xF  }
.LBB2_28:
0x250: {  	vm4 =	vlt.f32 v40, v31  }
0x251: {  	v41 =	vsel vm4, $0x3F800000, v3  }
0x252: {  	(xrf0) =	vmax.scan.msk.f32 $0xffff, v41;
	_ =	sdelay $0x5  }
0x253: {  	v41, _, _ =	vpop (xrf0)  }
0x254: {  	(v2sf) =	vpush v41, $0xF;
	_ =	sdelay $0xe  }
0x255: {  	s5 =	spop (v2sf)  }
0x256: {  	p1 =	sgt.f32 s5, $0.0e+00  }
.Ltmp19:
0x257: {  	_ = 	snop;
	(pc) =	sbr.rel @!p1 .LBB2_32-.Ltmp19, $1  }
0x258: {  	_ =	sdelay $0x3  }
0x259: {  	[tilespmem:$0xB800] =	vst v40  }
.LBB2_30:
0x25a: {  	v31 =	vmctz.xlane vm3;
	_ =	sdelay $0x1  }
0x25b: {  	vm4 =	vne.s32 v31, v1  }
0x25c: {  	vm3 =	vmand vm3, vm4  }
0x25d: {  	v40 =	vsel vm3, $0x3F800000, v3  }
0x25e: {  	(xrf0) =	vmax.scan.msk.f32 $0xffff, v40;
	_ =	sdelay $0x5  }
0x25f: {  	v41 =	vld [tilespmem:$0x7380];
	v43, _, _ =	vpop (xrf0)  }
0x260: {  	v42 =	vld [tilespmem:$0x7390];
	(v2sf) =	vpush v43, $0xF  }
0x261: {  	v56 =	vld.idx.msk [tilespmem:v31+s25+$0x0], $0xffff;
	_ =	sdelay $0x4  }
0x262: {  	vm4 =	vle.f32 v41, v56;
	vm5 =	vle.f32 v42, v56  }
0x263: {  	v57 =	vmpcnt.ones.xlane vm4;
	v44 =	vmpcnt.ones.xlane vm5;
	_ =	sdelay $0x1  }
0x264: {  	v58 =	vadd.s32 $0x1, v1;
	v59 =	vor.u32 $0x10, v1;
	v43 =	vadd.s32 v57, v44  }
0x265: {  	v45 =	vor.u32 $0x80, v1;
	v46 =	vadd.s32 $0x81, v1;
	vm4 =	vlt.s32 v43, v58  }
0x266: {  	vm6 =	vmmov $0x7fff;
	vm5 =	vgt.s32 v43, v59;
	v60 =	vsel vm4, v46, v45  }
0x267: {  	v61 =	vld [tilespmem:$0x7480];
	v62 =	vadd.s32 $0x91, v1;
	v47 =	vor.u32 $0x90, v1;
	vm4 =	vmor vm5, vm6  }
0x268: {  	vm15 =	vmmov $0x1;
	v46 =	vsel vm5, v47, v62;
	vm5 =	vlt.s32 v43, $0x20  }
0x269: {  	v63 =	vld [tilespmem:$0x7490];
	vm5 =	vmand vm5, vm15  }
0x26a: {  	v43 =	vadd.s32 $0x80, v43;
	s5 =	spop (v2sf)  }
0x26b: {  	[tilespmem:v60+s26+$0x0] =	vst.idx.msk $0xffff, v41;
	p1 =	sgt.f32 s5, $0.0e+00  }
.Ltmp20:
0x26c: {  	[tilespmem:v60+s28+$0x0] =	vst.idx.msk $0xffff, v61;
	(pc) =	sbr.rel @p1 .LBB2_30-.Ltmp20, $4  }
0x26d: {  	[tilespmem:v46+s26+$0x0] =	vst.idx.msk vm4, v42  }
0x26e: {  	[tilespmem:v46+s28+$0x0] =	vst.idx.msk vm4, v63  }
0x26f: {  	v31 =	vadd.s32 v36, v31;
	[tilespmem:v43+s26+$0x0] =	vst.idx.msk vm5, v56  }
0x270: {  	[tilespmem:v43+s28+$0x0] =	vst.idx.msk vm5, v31  }
0x271: {  	v31 =	vld [tilespmem:$0x7390];
	_ =	sdelay $0x4  }
0x272: {  	(xrf0) =	vmax.scan.msk.f32 $0xffff, v31;
	_ =	sdelay $0x5  }
0x273: {  	v31, _, _ =	vpop (xrf0)  }
0x274: {  	v31 =	vbroadcast v31, $0xF  }
.LBB2_32:
0x275: {  	vm3 =	vlt.f32 v39, v30  }
0x276: {  	v40 =	vsel vm3, $0x3F800000, v3  }
0x277: {  	(xrf0) =	vmax.scan.msk.f32 $0xffff, v40;
	_ =	sdelay $0x5  }
0x278: {  	v40, _, _ =	vpop (xrf0)  }
0x279: {  	(v2sf) =	vpush v40, $0xF;
	_ =	sdelay $0xe  }
0x27a: {  	s5 =	spop (v2sf)  }
0x27b: {  	p1 =	sgt.f32 s5, $0.0e+00  }
.Ltmp21:
0x27c: {  	_ = 	snop;
	(pc) =	sbr.rel @!p1 .LBB2_36-.Ltmp21, $1  }
0x27d: {  	_ =	sdelay $0x3  }
0x27e: {  	[tilespmem:$0xB800] =	vst v39  }
.LBB2_34:
0x27f: {  	v30 =	vmctz.xlane vm2;
	_ =	sdelay $0x1  }
0x280: {  	vm3 =	vne.s32 v30, v1  }
0x281: {  	vm2 =	vmand vm2, vm3  }
0x282: {  	v39 =	vsel vm2, $0x3F800000, v3  }
0x283: {  	(xrf0) =	vmax.scan.msk.f32 $0xffff, v39;
	_ =	sdelay $0x5  }
0x284: {  	v40 =	vld [tilespmem:$0x73A0];
	v42, _, _ =	vpop (xrf0)  }
0x285: {  	v41 =	vld [tilespmem:$0x73B0];
	(v2sf) =	vpush v42, $0xF  }
0x286: {  	v56 =	vld.idx.msk [tilespmem:v30+s25+$0x0], $0xffff;
	_ =	sdelay $0x4  }
0x287: {  	vm3 =	vle.f32 v40, v56;
	vm4 =	vle.f32 v41, v56  }
0x288: {  	v57 =	vmpcnt.ones.xlane vm3;
	v43 =	vmpcnt.ones.xlane vm4;
	_ =	sdelay $0x1  }
0x289: {  	v58 =	vadd.s32 $0x1, v1;
	v59 =	vor.u32 $0x10, v1;
	v42 =	vadd.s32 v57, v43  }
0x28a: {  	v44 =	vor.u32 $0xA0, v1;
	v45 =	vadd.s32 $0xA1, v1;
	vm3 =	vlt.s32 v42, v58  }
0x28b: {  	vm5 =	vmmov $0x7fff;
	vm13 =	vgt.s32 v42, v59;
	v60 =	vsel vm3, v45, v44  }
0x28c: {  	v61 =	vld [tilespmem:$0x74A0];
	v62 =	vadd.s32 $0xB1, v1;
	v46 =	vor.u32 $0xB0, v1;
	vm3 =	vmor vm13, vm5  }
0x28d: {  	vm15 =	vmmov $0x1;
	vm14 =	vlt.s32 v42, $0x20;
	v45 =	vsel vm13, v46, v62  }
0x28e: {  	v63 =	vld [tilespmem:$0x74B0];
	vm4 =	vmand vm14, vm15  }
0x28f: {  	v42 =	vadd.s32 $0xA0, v42;
	s5 =	spop (v2sf)  }
0x290: {  	[tilespmem:v60+s26+$0x0] =	vst.idx.msk $0xffff, v40;
	p1 =	sgt.f32 s5, $0.0e+00  }
.Ltmp22:
0x291: {  	[tilespmem:v60+s28+$0x0] =	vst.idx.msk $0xffff, v61;
	(pc) =	sbr.rel @p1 .LBB2_34-.Ltmp22, $4  }
0x292: {  	[tilespmem:v45+s26+$0x0] =	vst.idx.msk vm3, v41  }
0x293: {  	[tilespmem:v45+s28+$0x0] =	vst.idx.msk vm3, v63  }
0x294: {  	v30 =	vadd.s32 v36, v30;
	[tilespmem:v42+s26+$0x0] =	vst.idx.msk vm4, v56  }
0x295: {  	[tilespmem:v42+s28+$0x0] =	vst.idx.msk vm4, v30  }
0x296: {  	v30 =	vld [tilespmem:$0x73B0];
	_ =	sdelay $0x4  }
0x297: {  	(xrf0) =	vmax.scan.msk.f32 $0xffff, v30;
	_ =	sdelay $0x5  }
0x298: {  	v30, _, _ =	vpop (xrf0)  }
0x299: {  	v30 =	vbroadcast v30, $0xF  }
.LBB2_36:
0x29a: {  	vm2 =	vlt.f32 v38, v29  }
0x29b: {  	v39 =	vsel vm2, $0x3F800000, v3  }
0x29c: {  	(xrf0) =	vmax.scan.msk.f32 $0xffff, v39;
	_ =	sdelay $0x5  }
0x29d: {  	v39, _, _ =	vpop (xrf0)  }
0x29e: {  	(v2sf) =	vpush v39, $0xF;
	_ =	sdelay $0xe  }
0x29f: {  	s5 =	spop (v2sf)  }
0x2a0: {  	p1 =	sgt.f32 s5, $0.0e+00  }
.Ltmp23:
0x2a1: {  	_ = 	snop;
	(pc) =	sbr.rel @!p1 .LBB2_40-.Ltmp23, $1  }
0x2a2: {  	_ =	sdelay $0x3  }
0x2a3: {  	[tilespmem:$0xB800] =	vst v38  }
.LBB2_38:
0x2a4: {  	v29 =	vmctz.xlane vm1;
	_ =	sdelay $0x1  }
0x2a5: {  	vm2 =	vne.s32 v29, v1  }
0x2a6: {  	vm1 =	vmand vm1, vm2  }
0x2a7: {  	v38 =	vsel vm1, $0x3F800000, v3  }
0x2a8: {  	(xrf0) =	vmax.scan.msk.f32 $0xffff, v38;
	_ =	sdelay $0x5  }
0x2a9: {  	v39 =	vld [tilespmem:$0x73C0];
	v41, _, _ =	vpop (xrf0)  }
0x2aa: {  	v40 =	vld [tilespmem:$0x73D0];
	(v2sf) =	vpush v41, $0xF  }
0x2ab: {  	v56 =	vld.idx.msk [tilespmem:v29+s25+$0x0], $0xffff;
	_ =	sdelay $0x4  }
0x2ac: {  	vm2 =	vle.f32 v39, v56;
	vm3 =	vle.f32 v40, v56  }
0x2ad: {  	v57 =	vmpcnt.ones.xlane vm2;
	v42 =	vmpcnt.ones.xlane vm3;
	_ =	sdelay $0x1  }
0x2ae: {  	v58 =	vadd.s32 $0x1, v1;
	v59 =	vor.u32 $0x10, v1;
	v41 =	vadd.s32 v57, v42  }
0x2af: {  	v43 =	vor.u32 $0xC0, v1;
	v44 =	vadd.s32 $0xC1, v1;
	vm2 =	vlt.s32 v41, v58  }
0x2b0: {  	vm4 =	vmmov $0x7fff;
	vm3 =	vgt.s32 v41, v59;
	v60 =	vsel vm2, v44, v43  }
0x2b1: {  	v61 =	vld [tilespmem:$0x74C0];
	v62 =	vadd.s32 $0xD1, v1;
	v45 =	vor.u32 $0xD0, v1;
	vm2 =	vmor vm3, vm4  }
0x2b2: {  	vm15 =	vmmov $0x1;
	v44 =	vsel vm3, v45, v62;
	vm3 =	vlt.s32 v41, $0x20  }
0x2b3: {  	v63 =	vld [tilespmem:$0x74D0];
	vm3 =	vmand vm3, vm15  }
0x2b4: {  	v41 =	vadd.s32 $0xC0, v41;
	s5 =	spop (v2sf)  }
0x2b5: {  	[tilespmem:v60+s26+$0x0] =	vst.idx.msk $0xffff, v39;
	p1 =	sgt.f32 s5, $0.0e+00  }
.Ltmp24:
0x2b6: {  	[tilespmem:v60+s28+$0x0] =	vst.idx.msk $0xffff, v61;
	(pc) =	sbr.rel @p1 .LBB2_38-.Ltmp24, $4  }
0x2b7: {  	[tilespmem:v44+s26+$0x0] =	vst.idx.msk vm2, v40  }
0x2b8: {  	[tilespmem:v44+s28+$0x0] =	vst.idx.msk vm2, v63  }
0x2b9: {  	v29 =	vadd.s32 v36, v29;
	[tilespmem:v41+s26+$0x0] =	vst.idx.msk vm3, v56  }
0x2ba: {  	[tilespmem:v41+s28+$0x0] =	vst.idx.msk vm3, v29  }
0x2bb: {  	v29 =	vld [tilespmem:$0x73D0];
	_ =	sdelay $0x4  }
0x2bc: {  	(xrf0) =	vmax.scan.msk.f32 $0xffff, v29;
	_ =	sdelay $0x5  }
0x2bd: {  	v29, _, _ =	vpop (xrf0)  }
0x2be: {  	v29 =	vbroadcast v29, $0xF  }
.LBB2_40:
0x2bf: {  	vm1 =	vlt.f32 v37, v20  }
0x2c0: {  	v38 =	vsel vm1, $0x3F800000, v3  }
0x2c1: {  	(xrf0) =	vmax.scan.msk.f32 $0xffff, v38;
	_ =	sdelay $0x5  }
0x2c2: {  	v38, _, _ =	vpop (xrf0)  }
0x2c3: {  	(v2sf) =	vpush v38, $0xF;
	_ =	sdelay $0xe  }
0x2c4: {  	s5 =	spop (v2sf)  }
0x2c5: {  	p1 =	sgt.f32 s5, $0.0e+00  }
.Ltmp25:
0x2c6: {  	_ = 	snop;
	(pc) =	sbr.rel @!p1 .LBB2_44-.Ltmp25, $1  }
0x2c7: {  	_ =	sdelay $0x3  }
0x2c8: {  	[tilespmem:$0xB800] =	vst v37  }
.LBB2_42:
0x2c9: {  	v20 =	vmctz.xlane vm0;
	_ =	sdelay $0x1  }
0x2ca: {  	vm1 =	vne.s32 v20, v1  }
0x2cb: {  	vm0 =	vmand vm0, vm1  }
0x2cc: {  	v37 =	vsel vm0, $0x3F800000, v3  }
0x2cd: {  	(xrf0) =	vmax.scan.msk.f32 $0xffff, v37;
	_ =	sdelay $0x5  }
0x2ce: {  	v38 =	vld [tilespmem:$0x73E0];
	v40, _, _ =	vpop (xrf0)  }
0x2cf: {  	v39 =	vld [tilespmem:$0x73F0];
	(v2sf) =	vpush v40, $0xF  }
0x2d0: {  	v56 =	vld.idx.msk [tilespmem:v20+s25+$0x0], $0xffff;
	_ =	sdelay $0x4  }
0x2d1: {  	vm1 =	vle.f32 v38, v56;
	vm2 =	vle.f32 v39, v56  }
0x2d2: {  	v57 =	vmpcnt.ones.xlane vm1;
	v41 =	vmpcnt.ones.xlane vm2;
	_ =	sdelay $0x1  }
0x2d3: {  	v58 =	vadd.s32 $0x1, v1;
	v59 =	vor.u32 $0x10, v1;
	v40 =	vadd.s32 v57, v41  }
0x2d4: {  	v42 =	vor.u32 $0xE0, v1;
	v43 =	vadd.s32 $0xE1, v1;
	vm1 =	vlt.s32 v40, v58  }
0x2d5: {  	vm3 =	vmmov $0x7fff;
	vm2 =	vgt.s32 v40, v59;
	v60 =	vsel vm1, v43, v42  }
0x2d6: {  	v61 =	vld [tilespmem:$0x74E0];
	v62 =	vadd.s32 $0xF1, v1;
	v44 =	vor.u32 $0xF0, v1;
	vm1 =	vmor vm2, vm3  }
0x2d7: {  	v43 =	vsel vm2, v44, v62;
	vm2 =	vlt.s32 v40, $0x20;
	vm3 =	vmmov $0x1  }
0x2d8: {  	v63 =	vld [tilespmem:$0x74F0];
	vm2 =	vmand vm2, vm3  }
0x2d9: {  	v40 =	vadd.s32 $0xE0, v40;
	s5 =	spop (v2sf)  }
0x2da: {  	[tilespmem:v60+s26+$0x0] =	vst.idx.msk $0xffff, v38;
	p1 =	sgt.f32 s5, $0.0e+00  }
.Ltmp26:
0x2db: {  	[tilespmem:v60+s28+$0x0] =	vst.idx.msk $0xffff, v61;
	(pc) =	sbr.rel @p1 .LBB2_42-.Ltmp26, $4  }
0x2dc: {  	[tilespmem:v43+s26+$0x0] =	vst.idx.msk vm1, v39  }
0x2dd: {  	[tilespmem:v43+s28+$0x0] =	vst.idx.msk vm1, v63  }
0x2de: {  	v20 =	vadd.s32 v36, v20;
	[tilespmem:v40+s26+$0x0] =	vst.idx.msk vm2, v56  }
0x2df: {  	[tilespmem:v40+s28+$0x0] =	vst.idx.msk vm2, v20  }
0x2e0: {  	v20 =	vld [tilespmem:$0x73F0];
	_ =	sdelay $0x4  }
0x2e1: {  	(xrf0) =	vmax.scan.msk.f32 $0xffff, v20;
	_ =	sdelay $0x2  }
.Ltmp27:
0x2e2: {  	_ = 	snop;
	(pc) =	sbr.rel .LBB2_44-.Ltmp27, $3  }
0x2e3: {  	_ =	sdelay $0x1  }
0x2e4: {  	v20, _, _ =	vpop (xrf0)  }
0x2e5: {  	v20 =	vbroadcast v20, $0xF  }
.LBB2_46:
0x2e6: {  	s2 =	simm.s32 $0x0;
	s5 =	rddreg [dreg:$0x8]  }
0x2e7: {  	[hbm4b:s5+s2] =	stream.linear.scatter [tilespmem:s29], [sflag:$0x1], $0x3000, $0x38;
	[tilespmem:$0xB880] =	vst v63  }
0x2e8: {  	_ =	swait.ge [sflag:s17], $0x3000  }
0x2e9: {  	s7 =	simm.s32 $0xA500;
	[sflag:s17] =	ssyncset.done $0x0  }
.Ltmp28:
0x2ea: {  	s13 =	rddreg [dreg:$0x9];
	[sflag:s17] =	ssyncadd.s32 $0xFFFFD000;
	(pc) =	sbr.rel @p0 .LBB2_50-.Ltmp28, $4  }
0x2eb: {  	[hbm4b:s13+s2] =	stream.linear.scatter [tilespmem:s7], [sflag:$0x1], $0x1000, $0x38;
	[tilespmem:$0xB880] =	vst v63  }
0x2ec: {  	_ =	swait.ge [sflag:s17], $0x1000  }
0x2ed: {  	[sflag:s17] =	ssyncset.done $0x0  }
0x2ee: {  	s30 =	smov.u32 s15;
	[sflag:s17] =	ssyncadd.s32 $0xFFFFF000  }
0x2ef: {  	v7 =	vmov s2  }
0x2f0: {  	v7 =	vmul.u32 $0x3, v7;
	_ =	sdelay $0x1  }
0x2f1: {  	v7 =	vbroadcast v7, $0x0  }
0x2f2: {  	s2 =	simm.s32 $0x7000  }
0x2f3: {  	v9 =	vld [tilespmem:s2+$0x0];
	v10 =	vadd.s32 v4, v7;
	_ =	sdelay $0x1  }
0x2f4: {  	s7 =	simm.s32 $0x7100  }
0x2f5: {  	v11 =	vld [tilespmem:s7+$0x0];
	v12 =	vadd.s32 v5, v7  }
0x2f6: {  	s5 =	simm.s32 $0x10;
	s6 =	simm.s32 $0x7200  }
0x2f7: {  	v13 =	vmov s5;
	v8 =	vld [tilespmem:s6+$0x0];
	[tilespmem:v10+s31+$0x0] =	vst.idx.msk $0xffff, v9;
	v9 =	vadd.s32 v6, v7  }
0x2f8: {  	v13 =	vmul.u32 $0x3, v13;
	_ =	sdelay $0x1  }
0x2f9: {  	s9 =	simm.s32 $0x20;
	s8 =	simm.s32 $0x7210;
	v7 =	vbroadcast v13, $0x0;
	[tilespmem:v12+s31+$0x0] =	vst.idx.msk $0xffff, v11  }
.LBB2_48:
0x2fa: {  	s2 =	sadd.s32 $0x10, s2  }
0x2fb: {  	[tilespmem:v9+s31+$0x0] =	vst.idx.msk $0xffff, v8;
	s7 =	sadd.s32 $0x10, s7;
	s5 =	smov.u32 s9;
	s6 =	sadd.s32 $0x10, s9  }
0x2fc: {  	p1 =	sne.s32 s9, $0xF0;
	v10 =	vld [tilespmem:s2+$0x0];
	v11 =	vadd.s32 v4, v7  }
0x2fd: {  	v13 =	vadd.s32 v5, v7;
	v12 =	vld [tilespmem:s7+$0x0]  }
.Ltmp29:
0x2fe: {  	v9 =	vadd.s32 v6, v7;
	v8 =	vld [tilespmem:s8+$0x0];
	(pc) =	sbr.rel @p1 .LBB2_48-.Ltmp29, $4  }
0x2ff: {  	v7 =	vmov s5  }
0x300: {  	v7 =	vmul.u32 $0x3, v7  }
0x301: {  	[tilespmem:v11+s31+$0x0] =	vst.idx.msk $0xffff, v10  }
0x302: {  	s9 =	smov.u32 s6;
	s8 =	sadd.s32 $0x10, s8;
	v7 =	vbroadcast v7, $0x0;
	[tilespmem:v13+s31+$0x0] =	vst.idx.msk $0xffff, v12  }
0x303: {  	_ =	sdelay $0x3  }
0x304: {  	[tilespmem:v9+s31+$0x0] =	vst.idx.msk $0xffff, v8;
	s2 =	sadd.s32 $0x10, s2  }
0x305: {  	s5 =	sadd.s32 $0x10, s7;
	v8 =	vld [tilespmem:s2+$0x0];
	v4 =	vadd.s32 v4, v7  }
0x306: {  	v9 =	vld [tilespmem:s5+$0x0];
	v5 =	vadd.s32 v5, v7  }
0x307: {  	v10 =	vld [tilespmem:s8+$0x0];
	v6 =	vadd.s32 v6, v7;
	_ =	sdelay $0x2  }
0x308: {  	[tilespmem:v4+s31+$0x0] =	vst.idx.msk $0xffff, v8  }
0x309: {  	[tilespmem:v5+s31+$0x0] =	vst.idx.msk $0xffff, v9  }
.Ltmp30:
0x30a: {  	s15 =	rddreg [dreg:$0xa];
	[tilespmem:v6+s31+$0x0] =	vst.idx.msk $0xffff, v10;
	(pc) =	sbr.rel .LBB2_50-.Ltmp30, $4  }
0x30b: {  	[hbm4b:s15+s1] =	stream.linear.scatter [tilespmem:s31], [sflag:$0x1], $0x300, $0x38;
	[tilespmem:$0xB880] =	vst v63  }
0x30c: {  	_ =	swait.ge [sflag:s17], $0x300  }
0x30d: {  	[sflag:s17] =	ssyncset.done $0x0  }
0x30e: {  	s6 =	smov.u32 s16;
	[sflag:s17] =	ssyncadd.s32 $0xFFFFFD00  }
.LBB2_7:
.Ltmp31:
0x30f: {  	(pc) =	sbr.rel .LBB2_7-.Ltmp31, $1  }
0x310: {  	_ =	sdelay $0x3  }
.LBB2_51:
0x311: {  	_ =	sfence.sel $0x180000  }
0x312: {  	[bflag:$0x0] =	sbarrier.arrive $0xFFFF  }
0x313: {  	_ =	strace $0x90000047  }
0x314: {  	s0 =	stileid.u32;
	[bflag:$0x2] =	sbarrier.arrive $0xFFFF  }
0x315: {  	p0 =	sne.s32 s0, $0x0;
	s0 =	rddreg [dreg:$0x6]  }
0x316: {  	s0 =	sadd.s32 @!p0 $0x100000, s0  }
0x317: {  	[sflag:s0] =	ssyncadd.tile.s32 @!p0 $0x1;
	_ =	shalt  }
.Lfunc_end2:
_tile_overlayer_lowered:
.L_overlay_start_2:
0x318: {  	(tag) =	ssettag $0x2  }
0x319: {  	s0 =	rddreg [dreg:$0x0];
	s2 =	stileid.u32  }
0x31a: {  	s1 =	rddreg [dreg:$0x1];
	p0 =	sne.s32 s2, $0x0  }
0x31b: {  	s3 =	rddreg [dreg:$0x2];
	[bflag:$0x3] =	sbarrier.arrive $0xFFFF;
	s2 =	simm.s32 @!p0 $0x1C01  }
0x31c: {  	[timem:s3], [sflag:s2] =	dma.local @!p0 [hbm:s0], s1  }
0x31d: {  	s0 =	simm.s32 @!p0 $0x1  }
0x31e: {  	_ =	swait.ge @!p0 [sflag:s0], s1  }
0x31f: {  	s1 =	ssub.s32 @!p0 $0x0, s1;
	[sflag:s0] =	ssyncset.done @!p0 $0x0  }
0x320: {  	[sflag:s0] =	ssyncadd.s32 @!p0 s1  }
0x321: {  	[bflag:$0x3] =	sbarrier.arrive $0xFFFF  }
0x322: {  	_ =	shalt  }

</sc_bundles>
